<compile_context>
chip_gen: v7x
topology: tpu7x:2x2x1
jax: 0.10.2.dev20260603
libtpu: 0.0.44.dev20260713+nightly
codegen_flags: <defaults>
</compile_context>

<pallas_src>
import functools

import jax
import jax.numpy as jnp
from jax import lax
from jax.experimental import pallas as pl
from jax.experimental.pallas import tpu as pltpu
from jax.experimental.pallas import tpu_sc as plsc

MAXN = 256
LANES = 16


@functools.cache
def _build_lookup(nb, ns):
    info = plsc.get_sparse_core_info()
    nw = info.num_cores * info.num_subcores
    assert nb % nw == 0
    rows_w = nb // nw
    cb = rows_w
    while cb * ns * 5 > 130_000 or rows_w % cb or cb % 128:
        cb //= 2
    assert cb % LANES == 0 and rows_w % cb == 0
    nchunks = rows_w // cb
    hb = cb // 2
    kbh = hb // LANES
    mesh = plsc.VectorSubcoreMesh(core_axis_name="c", subcore_axis_name="s")

    @functools.partial(
        pl.kernel,
        mesh=mesh,
        compiler_params=pltpu.CompilerParams(needs_layout_passes=False),
        out_type=[
            jax.ShapeDtypeStruct((ns, nb), jnp.float32),
            jax.ShapeDtypeStruct((ns, nb), jnp.float32),
        ],
        scratch_types=[
            pltpu.VMEM((MAXN * LANES,), jnp.float32),
            pltpu.VMEM((MAXN * LANES,), jnp.float32),
            pltpu.VMEM((hb * ns,), jnp.int32),
            [pltpu.VMEM((ns, cb), jnp.float32)] * 2,
            [pltpu.VMEM((ns, cb), jnp.float32)] * 2,
            [pltpu.SemaphoreType.DMA] * 2,
        ],
    )
    def lookup(tab_r_hbm, tab_i_hbm, pos_hbm, out_r_hbm, out_i_hbm,
               tab_r, tab_i, pos_v, re_v, im_v, osem):
        wid = lax.axis_index("s") * info.num_cores + lax.axis_index("c")
        base = wid * rows_w
        pltpu.sync_copy(tab_r_hbm, tab_r)
        pltpu.sync_copy(tab_i_hbm, tab_i)
        lane = lax.iota(jnp.int32, LANES)
        lane_s = lane * ns

        out_dmas = [None, None]
        for g in range(nchunks):
            j = g % 2
            rv, iv = re_v[j], im_v[j]
            if out_dmas[j] is not None:
                for d in out_dmas[j]:
                    d.wait()
            for h in range(cb // hb):
                pltpu.sync_copy(
                    pos_hbm.at[pl.ds((base + g * cb + h * hb) * ns, hb * ns)],
                    pos_v)
                c0 = h * hb

                @plsc.parallel_loop(0, ns * kbh, unroll=16)
                def body(i):
                    s = i // kbh
                    k = i % kbh
                    p = plsc.load_gather(pos_v, [lane_s + (k * LANES * ns + s)])
                    ridx = ((p & (MAXN - 1)) * LANES) + lane
                    rv[s, pl.ds(c0 + k * LANES, LANES)] = (
                        plsc.load_gather(tab_r, [ridx]))
                    iv[s, pl.ds(c0 + k * LANES, LANES)] = (
                        plsc.load_gather(tab_i, [ridx]))

            b0 = base + g * cb
            out_dmas[j] = (
                pltpu.async_copy(rv, out_r_hbm.at[:, pl.ds(b0, cb)], osem[j]),
                pltpu.async_copy(iv, out_i_hbm.at[:, pl.ds(b0, cb)], osem[j]),
            )
        for pair in out_dmas:
            if pair is not None:
                for d in pair:
                    d.wait()

    return lookup


def kernel(pe, pos):
    nb, ns = pos.shape
    tab_r = jnp.repeat(jnp.real(pe).astype(jnp.float32), LANES)
    tab_i = jnp.repeat(jnp.imag(pe).astype(jnp.float32), LANES)
    out_r, out_i = _build_lookup(nb, ns)(tab_r, tab_i, pos.reshape(nb * ns))
    return lax.complex(out_r, out_i).T

# --- scband reference (transcript-rebuilt; emitter-appended) ---
"""Pipeline reference for scband-learned-positional-encoding-50105088475487 (READ-ONLY COPY).

The authoritative reference and input builder live on the scoring server;
editing this copy changes nothing except your own understanding.
"""

import jax, jax.numpy as jnp
import numpy as np

MAX_N = 256

def setup_inputs(seed: int = 0) -> dict:
    key = jax.random.key(seed)
    k1, k2 = jax.random.split(key)
    # learned parameter: complex64 table of length MAX_N, scaled by 0.2 (matches torch init)
    pe = 0.2 * jax.random.normal(k1, (MAX_N,), dtype=jnp.complex64)
    # positions: arbitrary ints; forward applies modulo MAX_N internally
    pos = jax.random.randint(k2, (16384, 200), 0, 100000, dtype=jnp.int32)
    return {"pe": pe, "pos": pos}

def reference(pe, pos):
    # faithful translation of: return self.pe[pos % MAX_N]
    idx = pos % MAX_N
    return jnp.take(pe, idx, axis=0)

if __name__ == "__main__":
    import jax
    _d = setup_inputs()
    print(jax.jit(kernel)(*tuple(_d.values())))

</pallas_src>

<mosaic_0001>
#map = affine_map<(d0, d1) -> (0)>
#map1 = affine_map<(d0, d1) -> (0, 0)>
module attributes {stable_mosaic.version = 14 : i64} {
  func.func @lookup(%arg0: i32, %arg1: i32, %arg2: memref<4096xf32, #tpu.memory_space<hbm>>, %arg3: memref<4096xf32, #tpu.memory_space<hbm>>, %arg4: memref<3276800xi32, #tpu.memory_space<hbm>>, %arg5: memref<200x16384xf32, #tpu.memory_space<hbm>>, %arg6: memref<200x16384xf32, #tpu.memory_space<hbm>>, %arg7: memref<4096xf32, #tpu.memory_space<vmem>>, %arg8: memref<4096xf32, #tpu.memory_space<vmem>>, %arg9: memref<12800xi32, #tpu.memory_space<vmem>>, %arg10: memref<200x128xf32, #tpu.memory_space<vmem>>, %arg11: memref<200x128xf32, #tpu.memory_space<vmem>>, %arg12: memref<200x128xf32, #tpu.memory_space<vmem>>, %arg13: memref<200x128xf32, #tpu.memory_space<vmem>>, %arg14: memref<!tpu.dma_semaphore, #tpu.memory_space<semaphore_mem>>, %arg15: memref<!tpu.dma_semaphore, #tpu.memory_space<semaphore_mem>>) attributes {dimension_semantics = [#tpu.dimension_semantics<core_parallel>, #tpu.dimension_semantics<subcore_parallel>], iteration_bounds = array<i64: 2, 16>, scalar_prefetch = 0 : i64, scratch_operands = 9 : i64, tpu.core_type = #tpu.core_type<sc_vector_subcore>, window_params = [{transform_indices = #map}, {transform_indices = #map}, {transform_indices = #map}, {transform_indices = #map1}, {transform_indices = #map1}]} {
    %mul3A = arith.constant 2 : i32
    %mul3A_0 = arith.muli %arg1, %mul3A : i32
    %add3A = arith.addi %mul3A_0, %arg0 : i32
    %mul3A_1 = arith.constant 512 : i32
    %mul3A_2 = arith.muli %add3A, %mul3A_1 : i32
    "tpu.region"() ({
      %run_scoped3A = tpu.sem_alloc : memref<!tpu.dma_semaphore, #tpu.memory_space<semaphore_mem>>
      tpu.enqueue_dma source(%arg2 : memref<4096xf32, #tpu.memory_space<hbm>>) target(%arg7 : memref<4096xf32, #tpu.memory_space<vmem>>) target_semaphore(%run_scoped3A : memref<!tpu.dma_semaphore, #tpu.memory_space<semaphore_mem>>)
      tpu.wait_dma2 semaphore(%run_scoped3A : memref<!tpu.dma_semaphore, #tpu.memory_space<semaphore_mem>>) src(%arg2 : memref<4096xf32, #tpu.memory_space<hbm>>) dst(%arg7 : memref<4096xf32, #tpu.memory_space<vmem>>)
      tpu.yield
    }) : () -> ()
    "tpu.region"() ({
      %run_scoped3A = tpu.sem_alloc : memref<!tpu.dma_semaphore, #tpu.memory_space<semaphore_mem>>
      tpu.enqueue_dma source(%arg3 : memref<4096xf32, #tpu.memory_space<hbm>>) target(%arg8 : memref<4096xf32, #tpu.memory_space<vmem>>) target_semaphore(%run_scoped3A : memref<!tpu.dma_semaphore, #tpu.memory_space<semaphore_mem>>)
      tpu.wait_dma2 semaphore(%run_scoped3A : memref<!tpu.dma_semaphore, #tpu.memory_space<semaphore_mem>>) src(%arg3 : memref<4096xf32, #tpu.memory_space<hbm>>) dst(%arg8 : memref<4096xf32, #tpu.memory_space<vmem>>)
      tpu.yield
    }) : () -> ()
    %iota3A = tpu.iota {dimensions = array<i32: 0>} : vector<16xi32>
    %mul3A_3 = arith.constant 200 : i32
    %mul3A_4 = vector.broadcast %mul3A_3 : i32 to vector<16xi32>
    %mul3A_5 = arith.muli %iota3A, %mul3A_4 : vector<16xi32>
    %add3A_6 = arith.constant 0 : i32
    %add3A_7 = arith.addi %mul3A_2, %add3A_6 : i32
    %add3A_8 = arith.constant 0 : i32
    %add3A_9 = arith.addi %add3A_7, %add3A_8 : i32
    %mul3A_10 = arith.constant 200 : i32
    %mul3A_11 = arith.muli %add3A_9, %mul3A_10 : i32
    "tpu.region"() ({
      %run_scoped3A = tpu.sem_alloc : memref<!tpu.dma_semaphore, #tpu.memory_space<semaphore_mem>>
      %dma_start3A_147 = tpu.memref_slice %arg4[%mul3A_11] : memref<3276800xi32, #tpu.memory_space<hbm>> -> memref<12800xi32, #tpu.memory_space<hbm>>
      %dma_start3A_148 = tpu.memref_slice %arg4[%mul3A_11] : memref<3276800xi32, #tpu.memory_space<hbm>> -> memref<12800xi32, #tpu.memory_space<hbm>>
      tpu.enqueue_dma source(%dma_start3A_148 : memref<12800xi32, #tpu.memory_space<hbm>>) target(%arg9 : memref<12800xi32, #tpu.memory_space<vmem>>) target_semaphore(%run_scoped3A : memref<!tpu.dma_semaphore, #tpu.memory_space<semaphore_mem>>)
      %dma_wait3A_149 = tpu.memref_slice %arg4[%mul3A_11] : memref<3276800xi32, #tpu.memory_space<hbm>> -> memref<12800xi32, #tpu.memory_space<hbm>>
      %dma_wait3A_150 = tpu.memref_slice %arg4[%mul3A_11] : memref<3276800xi32, #tpu.memory_space<hbm>> -> memref<12800xi32, #tpu.memory_space<hbm>>
      tpu.wait_dma2 semaphore(%run_scoped3A : memref<!tpu.dma_semaphore, #tpu.memory_space<semaphore_mem>>) src(%dma_wait3A_150 : memref<12800xi32, #tpu.memory_space<hbm>>) dst(%arg9 : memref<12800xi32, #tpu.memory_space<vmem>>)
      tpu.yield
    }) : () -> ()
    %parallel_loop3A = arith.constant 0 : i32
    %parallel_loop3A_12 = arith.constant 800 : i32
    %parallel_loop3A_13 = arith.constant 1 : i32
    scf.for %parallel_loop3A_147 = %parallel_loop3A to %parallel_loop3A_12 step %parallel_loop3A_13  : i32 {
      %parallel_loop3A_148 = arith.constant 4 : i32
      %parallel_loop3A_149 = arith.divsi %parallel_loop3A_147, %parallel_loop3A_148 : i32
      %parallel_loop3A_150 = arith.constant 0 : i32
      %parallel_loop3A_151 = arith.cmpi sgt, %parallel_loop3A_147, %parallel_loop3A_150 : i32
      %parallel_loop3A_152 = arith.extui %parallel_loop3A_151 : i1 to i32
      %parallel_loop3A_153 = arith.constant 0 : i32
      %parallel_loop3A_154 = arith.cmpi slt, %parallel_loop3A_147, %parallel_loop3A_153 : i32
      %parallel_loop3A_155 = arith.extui %parallel_loop3A_154 : i1 to i32
      %parallel_loop3A_156 = arith.subi %parallel_loop3A_152, %parallel_loop3A_155 : i32
      %parallel_loop3A_157 = arith.constant 0 : i32
      %parallel_loop3A_158 = arith.cmpi sgt, %parallel_loop3A_148, %parallel_loop3A_157 : i32
      %parallel_loop3A_159 = arith.extui %parallel_loop3A_158 : i1 to i32
      %parallel_loop3A_160 = arith.constant 0 : i32
      %parallel_loop3A_161 = arith.cmpi slt, %parallel_loop3A_148, %parallel_loop3A_160 : i32
      %parallel_loop3A_162 = arith.extui %parallel_loop3A_161 : i1 to i32
      %parallel_loop3A_163 = arith.subi %parallel_loop3A_159, %parallel_loop3A_162 : i32
      %parallel_loop3A_164 = arith.cmpi ne, %parallel_loop3A_156, %parallel_loop3A_163 : i32
      %parallel_loop3A_165 = arith.remsi %parallel_loop3A_147, %parallel_loop3A_148 : i32
      %parallel_loop3A_166 = arith.constant 0 : i32
      %parallel_loop3A_167 = arith.cmpi ne, %parallel_loop3A_165, %parallel_loop3A_166 : i32
      %parallel_loop3A_168 = arith.andi %parallel_loop3A_164, %parallel_loop3A_167 : i1
      %parallel_loop3A_169 = arith.constant 1 : i32
      %parallel_loop3A_170 = arith.subi %parallel_loop3A_149, %parallel_loop3A_169 : i32
      %parallel_loop3A_171 = arith.select %parallel_loop3A_168, %parallel_loop3A_170, %parallel_loop3A_149 : i32
      %parallel_loop3A_172 = arith.constant 4 : i32
      %parallel_loop3A_173 = arith.constant 0 : i32
      %parallel_loop3A_174 = arith.cmpi eq, %parallel_loop3A_172, %parallel_loop3A_173 : i32
      %parallel_loop3A_175 = arith.constant 1 : i32
      %parallel_loop3A_176 = arith.select %parallel_loop3A_174, %parallel_loop3A_175, %parallel_loop3A_172 : i32
      %parallel_loop3A_177 = arith.remsi %parallel_loop3A_147, %parallel_loop3A_176 : i32
      %parallel_loop3A_178 = arith.constant 0 : i32
      %parallel_loop3A_179 = arith.cmpi ne, %parallel_loop3A_177, %parallel_loop3A_178 : i32
      %parallel_loop3A_180 = arith.constant 0 : i32
      %parallel_loop3A_181 = arith.cmpi slt, %parallel_loop3A_177, %parallel_loop3A_180 : i32
      %parallel_loop3A_182 = arith.constant 0 : i32
      %parallel_loop3A_183 = arith.cmpi slt, %parallel_loop3A_176, %parallel_loop3A_182 : i32
      %parallel_loop3A_184 = arith.xori %parallel_loop3A_181, %parallel_loop3A_183 : i1
      %parallel_loop3A_185 = arith.andi %parallel_loop3A_184, %parallel_loop3A_179 : i1
      %parallel_loop3A_186 = arith.addi %parallel_loop3A_177, %parallel_loop3A_176 : i32
      %parallel_loop3A_187 = arith.select %parallel_loop3A_185, %parallel_loop3A_186, %parallel_loop3A_177 : i32
      %parallel_loop3A_188 = arith.constant 16 : i32
      %parallel_loop3A_189 = arith.muli %parallel_loop3A_187, %parallel_loop3A_188 : i32
      %parallel_loop3A_190 = arith.constant 200 : i32
      %parallel_loop3A_191 = arith.muli %parallel_loop3A_189, %parallel_loop3A_190 : i32
      %parallel_loop3A_192 = arith.addi %parallel_loop3A_191, %parallel_loop3A_171 : i32
      %parallel_loop3A_193 = vector.broadcast %parallel_loop3A_192 : i32 to vector<16xi32>
      %parallel_loop3A_194 = arith.addi %mul3A_5, %parallel_loop3A_193 : vector<16xi32>
      %parallel_loop3A_195 = tpu.vector_load_idx %arg9[%parallel_loop3A_194] : memref<12800xi32, #tpu.memory_space<vmem>>[vector<16xi32>], vector<16xi32>,
      %parallel_loop3A_196 = arith.constant 255 : i32
      %parallel_loop3A_197 = vector.broadcast %parallel_loop3A_196 : i32 to vector<16xi32>
      %parallel_loop3A_198 = arith.andi %parallel_loop3A_195, %parallel_loop3A_197 : vector<16xi32>
      %parallel_loop3A_199 = arith.constant 16 : i32
      %parallel_loop3A_200 = vector.broadcast %parallel_loop3A_199 : i32 to vector<16xi32>
      %parallel_loop3A_201 = arith.muli %parallel_loop3A_198, %parallel_loop3A_200 : vector<16xi32>
      %parallel_loop3A_202 = arith.addi %parallel_loop3A_201, %iota3A : vector<16xi32>
      %parallel_loop3A_203 = tpu.vector_load_idx %arg7[%parallel_loop3A_202] : memref<4096xf32, #tpu.memory_space<vmem>>[vector<16xi32>], vector<16xf32>,
      %parallel_loop3A_204 = arith.constant 16 : i32
      %parallel_loop3A_205 = arith.muli %parallel_loop3A_187, %parallel_loop3A_204 : i32
      %parallel_loop3A_206 = arith.constant 0 : i32
      %parallel_loop3A_207 = arith.addi %parallel_loop3A_206, %parallel_loop3A_205 : i32
      %parallel_loop3A_208 = arith.index_cast %parallel_loop3A_171 : i32 to index
      %parallel_loop3A_209 = arith.index_cast %parallel_loop3A_207 : i32 to index
      %parallel_loop3A_210 = tpu.vector_load %arg10[%parallel_loop3A_208, %parallel_loop3A_209] {strides = array<i32>} : memref<200x128xf32, #tpu.memory_space<vmem>>, vector<16xf32>,
      tpu.vector_store %arg10[%parallel_loop3A_208, %parallel_loop3A_209], %parallel_loop3A_203 {strides = array<i32>} : memref<200x128xf32, #tpu.memory_space<vmem>>, vector<16xf32>,
      %parallel_loop3A_211 = tpu.vector_load_idx %arg8[%parallel_loop3A_202] : memref<4096xf32, #tpu.memory_space<vmem>>[vector<16xi32>], vector<16xf32>,
      %parallel_loop3A_212 = arith.constant 16 : i32
      %parallel_loop3A_213 = arith.muli %parallel_loop3A_187, %parallel_loop3A_212 : i32
      %parallel_loop3A_214 = arith.constant 0 : i32
      %parallel_loop3A_215 = arith.addi %parallel_loop3A_214, %parallel_loop3A_213 : i32
      %parallel_loop3A_216 = arith.index_cast %parallel_loop3A_171 : i32 to index
      %parallel_loop3A_217 = arith.index_cast %parallel_loop3A_215 : i32 to index
      %parallel_loop3A_218 = tpu.vector_load %arg12[%parallel_loop3A_216, %parallel_loop3A_217] {strides = array<i32>} : memref<200x128xf32, #tpu.memory_space<vmem>>, vector<16xf32>,
      tpu.vector_store %arg12[%parallel_loop3A_216, %parallel_loop3A_217], %parallel_loop3A_211 {strides = array<i32>} : memref<200x128xf32, #tpu.memory_space<vmem>>, vector<16xf32>,
    } {sc.loop_unroll_factor = 16 : i64, sc.parallel_access}
    %add3A_14 = arith.constant 0 : i32
    %add3A_15 = arith.addi %mul3A_2, %add3A_14 : i32
    %add3A_16 = arith.constant 64 : i32
    %add3A_17 = arith.addi %add3A_15, %add3A_16 : i32
    %mul3A_18 = arith.constant 200 : i32
    %mul3A_19 = arith.muli %add3A_17, %mul3A_18 : i32
    "tpu.region"() ({
      %run_scoped3A = tpu.sem_alloc : memref<!tpu.dma_semaphore, #tpu.memory_space<semaphore_mem>>
      %dma_start3A_147 = tpu.memref_slice %arg4[%mul3A_19] : memref<3276800xi32, #tpu.memory_space<hbm>> -> memref<12800xi32, #tpu.memory_space<hbm>>
      %dma_start3A_148 = tpu.memref_slice %arg4[%mul3A_19] : memref<3276800xi32, #tpu.memory_space<hbm>> -> memref<12800xi32, #tpu.memory_space<hbm>>
      tpu.enqueue_dma source(%dma_start3A_148 : memref<12800xi32, #tpu.memory_space<hbm>>) target(%arg9 : memref<12800xi32, #tpu.memory_space<vmem>>) target_semaphore(%run_scoped3A : memref<!tpu.dma_semaphore, #tpu.memory_space<semaphore_mem>>)
      %dma_wait3A_149 = tpu.memref_slice %arg4[%mul3A_19] : memref<3276800xi32, #tpu.memory_space<hbm>> -> memref<12800xi32, #tpu.memory_space<hbm>>
      %dma_wait3A_150 = tpu.memref_slice %arg4[%mul3A_19] : memref<3276800xi32, #tpu.memory_space<hbm>> -> memref<12800xi32, #tpu.memory_space<hbm>>
      tpu.wait_dma2 semaphore(%run_scoped3A : memref<!tpu.dma_semaphore, #tpu.memory_space<semaphore_mem>>) src(%dma_wait3A_150 : memref<12800xi32, #tpu.memory_space<hbm>>) dst(%arg9 : memref<12800xi32, #tpu.memory_space<vmem>>)
      tpu.yield
    }) : () -> ()
    %parallel_loop3A_20 = arith.constant 0 : i32
    %parallel_loop3A_21 = arith.constant 800 : i32
    %parallel_loop3A_22 = arith.constant 1 : i32
    scf.for %parallel_loop3A_147 = %parallel_loop3A_20 to %parallel_loop3A_21 step %parallel_loop3A_22  : i32 {
      %parallel_loop3A_148 = arith.constant 4 : i32
      %parallel_loop3A_149 = arith.divsi %parallel_loop3A_147, %parallel_loop3A_148 : i32
      %parallel_loop3A_150 = arith.constant 0 : i32
      %parallel_loop3A_151 = arith.cmpi sgt, %parallel_loop3A_147, %parallel_loop3A_150 : i32
      %parallel_loop3A_152 = arith.extui %parallel_loop3A_151 : i1 to i32
      %parallel_loop3A_153 = arith.constant 0 : i32
      %parallel_loop3A_154 = arith.cmpi slt, %parallel_loop3A_147, %parallel_loop3A_153 : i32
      %parallel_loop3A_155 = arith.extui %parallel_loop3A_154 : i1 to i32
      %parallel_loop3A_156 = arith.subi %parallel_loop3A_152, %parallel_loop3A_155 : i32
      %parallel_loop3A_157 = arith.constant 0 : i32
      %parallel_loop3A_158 = arith.cmpi sgt, %parallel_loop3A_148, %parallel_loop3A_157 : i32
      %parallel_loop3A_159 = arith.extui %parallel_loop3A_158 : i1 to i32
      %parallel_loop3A_160 = arith.constant 0 : i32
      %parallel_loop3A_161 = arith.cmpi slt, %parallel_loop3A_148, %parallel_loop3A_160 : i32
      %parallel_loop3A_162 = arith.extui %parallel_loop3A_161 : i1 to i32
      %parallel_loop3A_163 = arith.subi %parallel_loop3A_159, %parallel_loop3A_162 : i32
      %parallel_loop3A_164 = arith.cmpi ne, %parallel_loop3A_156, %parallel_loop3A_163 : i32
      %parallel_loop3A_165 = arith.remsi %parallel_loop3A_147, %parallel_loop3A_148 : i32
      %parallel_loop3A_166 = arith.constant 0 : i32
      %parallel_loop3A_167 = arith.cmpi ne, %parallel_loop3A_165, %parallel_loop3A_166 : i32
      %parallel_loop3A_168 = arith.andi %parallel_loop3A_164, %parallel_loop3A_167 : i1
      %parallel_loop3A_169 = arith.constant 1 : i32
      %parallel_loop3A_170 = arith.subi %parallel_loop3A_149, %parallel_loop3A_169 : i32
      %parallel_loop3A_171 = arith.select %parallel_loop3A_168, %parallel_loop3A_170, %parallel_loop3A_149 : i32
      %parallel_loop3A_172 = arith.constant 4 : i32
      %parallel_loop3A_173 = arith.constant 0 : i32
      %parallel_loop3A_174 = arith.cmpi eq, %parallel_loop3A_172, %parallel_loop3A_173 : i32
      %parallel_loop3A_175 = arith.constant 1 : i32
      %parallel_loop3A_176 = arith.select %parallel_loop3A_174, %parallel_loop3A_175, %parallel_loop3A_172 : i32
      %parallel_loop3A_177 = arith.remsi %parallel_loop3A_147, %parallel_loop3A_176 : i32
      %parallel_loop3A_178 = arith.constant 0 : i32
      %parallel_loop3A_179 = arith.cmpi ne, %parallel_loop3A_177, %parallel_loop3A_178 : i32
      %parallel_loop3A_180 = arith.constant 0 : i32
      %parallel_loop3A_181 = arith.cmpi slt, %parallel_loop3A_177, %parallel_loop3A_180 : i32
      %parallel_loop3A_182 = arith.constant 0 : i32
      %parallel_loop3A_183 = arith.cmpi slt, %parallel_loop3A_176, %parallel_loop3A_182 : i32
      %parallel_loop3A_184 = arith.xori %parallel_loop3A_181, %parallel_loop3A_183 : i1
      %parallel_loop3A_185 = arith.andi %parallel_loop3A_184, %parallel_loop3A_179 : i1
      %parallel_loop3A_186 = arith.addi %parallel_loop3A_177, %parallel_loop3A_176 : i32
      %parallel_loop3A_187 = arith.select %parallel_loop3A_185, %parallel_loop3A_186, %parallel_loop3A_177 : i32
      %parallel_loop3A_188 = arith.constant 16 : i32
      %parallel_loop3A_189 = arith.muli %parallel_loop3A_187, %parallel_loop3A_188 : i32
      %parallel_loop3A_190 = arith.constant 200 : i32
      %parallel_loop3A_191 = arith.muli %parallel_loop3A_189, %parallel_loop3A_190 : i32
      %parallel_loop3A_192 = arith.addi %parallel_loop3A_191, %parallel_loop3A_171 : i32
      %parallel_loop3A_193 = vector.broadcast %parallel_loop3A_192 : i32 to vector<16xi32>
      %parallel_loop3A_194 = arith.addi %mul3A_5, %parallel_loop3A_193 : vector<16xi32>
      %parallel_loop3A_195 = tpu.vector_load_idx %arg9[%parallel_loop3A_194] : memref<12800xi32, #tpu.memory_space<vmem>>[vector<16xi32>], vector<16xi32>,
      %parallel_loop3A_196 = arith.constant 255 : i32
      %parallel_loop3A_197 = vector.broadcast %parallel_loop3A_196 : i32 to vector<16xi32>
      %parallel_loop3A_198 = arith.andi %parallel_loop3A_195, %parallel_loop3A_197 : vector<16xi32>
      %parallel_loop3A_199 = arith.constant 16 : i32
      %parallel_loop3A_200 = vector.broadcast %parallel_loop3A_199 : i32 to vector<16xi32>
      %parallel_loop3A_201 = arith.muli %parallel_loop3A_198, %parallel_loop3A_200 : vector<16xi32>
      %parallel_loop3A_202 = arith.addi %parallel_loop3A_201, %iota3A : vector<16xi32>
      %parallel_loop3A_203 = tpu.vector_load_idx %arg7[%parallel_loop3A_202] : memref<4096xf32, #tpu.memory_space<vmem>>[vector<16xi32>], vector<16xf32>,
      %parallel_loop3A_204 = arith.constant 16 : i32
      %parallel_loop3A_205 = arith.muli %parallel_loop3A_187, %parallel_loop3A_204 : i32
      %parallel_loop3A_206 = arith.constant 64 : i32
      %parallel_loop3A_207 = arith.addi %parallel_loop3A_206, %parallel_loop3A_205 : i32
      %parallel_loop3A_208 = arith.index_cast %parallel_loop3A_171 : i32 to index
      %parallel_loop3A_209 = arith.index_cast %parallel_loop3A_207 : i32 to index
      %parallel_loop3A_210 = tpu.vector_load %arg10[%parallel_loop3A_208, %parallel_loop3A_209] {strides = array<i32>} : memref<200x128xf32, #tpu.memory_space<vmem>>, vector<16xf32>,
      tpu.vector_store %arg10[%parallel_loop3A_208, %parallel_loop3A_209], %parallel_loop3A_203 {strides = array<i32>} : memref<200x128xf32, #tpu.memory_space<vmem>>, vector<16xf32>,
      %parallel_loop3A_211 = tpu.vector_load_idx %arg8[%parallel_loop3A_202] : memref<4096xf32, #tpu.memory_space<vmem>>[vector<16xi32>], vector<16xf32>,
      %parallel_loop3A_212 = arith.constant 16 : i32
      %parallel_loop3A_213 = arith.muli %parallel_loop3A_187, %parallel_loop3A_212 : i32
      %parallel_loop3A_214 = arith.constant 64 : i32
      %parallel_loop3A_215 = arith.addi %parallel_loop3A_214, %parallel_loop3A_213 : i32
      %parallel_loop3A_216 = arith.index_cast %parallel_loop3A_171 : i32 to index
      %parallel_loop3A_217 = arith.index_cast %parallel_loop3A_215 : i32 to index
      %parallel_loop3A_218 = tpu.vector_load %arg12[%parallel_loop3A_216, %parallel_loop3A_217] {strides = array<i32>} : memref<200x128xf32, #tpu.memory_space<vmem>>, vector<16xf32>,
      tpu.vector_store %arg12[%parallel_loop3A_216, %parallel_loop3A_217], %parallel_loop3A_211 {strides = array<i32>} : memref<200x128xf32, #tpu.memory_space<vmem>>, vector<16xf32>,
    } {sc.loop_unroll_factor = 16 : i64, sc.parallel_access}
    %add3A_23 = arith.constant 0 : i32
    %add3A_24 = arith.addi %mul3A_2, %add3A_23 : i32
    %dma_start3A = arith.constant 0 : i32
    %dma_start3A_25 = tpu.memref_slice %arg5[%dma_start3A, %add3A_24] : memref<200x16384xf32, #tpu.memory_space<hbm>> -> memref<200x128xf32, #tpu.memory_space<hbm>>
    %dma_start3A_26 = arith.constant 0 : i32
    %dma_start3A_27 = tpu.memref_slice %arg5[%dma_start3A_26, %add3A_24] : memref<200x16384xf32, #tpu.memory_space<hbm>> -> memref<200x128xf32, #tpu.memory_space<hbm>>
    tpu.enqueue_dma source(%arg10 : memref<200x128xf32, #tpu.memory_space<vmem>>) target(%dma_start3A_27 : memref<200x128xf32, #tpu.memory_space<hbm>>) target_semaphore(%arg14 : memref<!tpu.dma_semaphore, #tpu.memory_space<semaphore_mem>>)
    %dma_start3A_28 = arith.constant 0 : i32
    %dma_start3A_29 = tpu.memref_slice %arg6[%dma_start3A_28, %add3A_24] : memref<200x16384xf32, #tpu.memory_space<hbm>> -> memref<200x128xf32, #tpu.memory_space<hbm>>
    %dma_start3A_30 = arith.constant 0 : i32
    %dma_start3A_31 = tpu.memref_slice %arg6[%dma_start3A_30, %add3A_24] : memref<200x16384xf32, #tpu.memory_space<hbm>> -> memref<200x128xf32, #tpu.memory_space<hbm>>
    tpu.enqueue_dma source(%arg12 : memref<200x128xf32, #tpu.memory_space<vmem>>) target(%dma_start3A_31 : memref<200x128xf32, #tpu.memory_space<hbm>>) target_semaphore(%arg14 : memref<!tpu.dma_semaphore, #tpu.memory_space<semaphore_mem>>)
    %add3A_32 = arith.constant 128 : i32
    %add3A_33 = arith.addi %mul3A_2, %add3A_32 : i32
    %add3A_34 = arith.constant 0 : i32
    %add3A_35 = arith.addi %add3A_33, %add3A_34 : i32
    %mul3A_36 = arith.constant 200 : i32
    %mul3A_37 = arith.muli %add3A_35, %mul3A_36 : i32
    "tpu.region"() ({
      %run_scoped3A = tpu.sem_alloc : memref<!tpu.dma_semaphore, #tpu.memory_space<semaphore_mem>>
      %dma_start3A_147 = tpu.memref_slice %arg4[%mul3A_37] : memref<3276800xi32, #tpu.memory_space<hbm>> -> memref<12800xi32, #tpu.memory_space<hbm>>
      %dma_start3A_148 = tpu.memref_slice %arg4[%mul3A_37] : memref<3276800xi32, #tpu.memory_space<hbm>> -> memref<12800xi32, #tpu.memory_space<hbm>>
      tpu.enqueue_dma source(%dma_start3A_148 : memref<12800xi32, #tpu.memory_space<hbm>>) target(%arg9 : memref<12800xi32, #tpu.memory_space<vmem>>) target_semaphore(%run_scoped3A : memref<!tpu.dma_semaphore, #tpu.memory_space<semaphore_mem>>)
      %dma_wait3A_149 = tpu.memref_slice %arg4[%mul3A_37] : memref<3276800xi32, #tpu.memory_space<hbm>> -> memref<12800xi32, #tpu.memory_space<hbm>>
      %dma_wait3A_150 = tpu.memref_slice %arg4[%mul3A_37] : memref<3276800xi32, #tpu.memory_space<hbm>> -> memref<12800xi32, #tpu.memory_space<hbm>>
      tpu.wait_dma2 semaphore(%run_scoped3A : memref<!tpu.dma_semaphore, #tpu.memory_space<semaphore_mem>>) src(%dma_wait3A_150 : memref<12800xi32, #tpu.memory_space<hbm>>) dst(%arg9 : memref<12800xi32, #tpu.memory_space<vmem>>)
      tpu.yield
    }) : () -> ()
    %parallel_loop3A_38 = arith.constant 0 : i32
    %parallel_loop3A_39 = arith.constant 800 : i32
    %parallel_loop3A_40 = arith.constant 1 : i32
    scf.for %parallel_loop3A_147 = %parallel_loop3A_38 to %parallel_loop3A_39 step %parallel_loop3A_40  : i32 {
      %parallel_loop3A_148 = arith.constant 4 : i32
      %parallel_loop3A_149 = arith.divsi %parallel_loop3A_147, %parallel_loop3A_148 : i32
      %parallel_loop3A_150 = arith.constant 0 : i32
      %parallel_loop3A_151 = arith.cmpi sgt, %parallel_loop3A_147, %parallel_loop3A_150 : i32
      %parallel_loop3A_152 = arith.extui %parallel_loop3A_151 : i1 to i32
      %parallel_loop3A_153 = arith.constant 0 : i32
      %parallel_loop3A_154 = arith.cmpi slt, %parallel_loop3A_147, %parallel_loop3A_153 : i32
      %parallel_loop3A_155 = arith.extui %parallel_loop3A_154 : i1 to i32
      %parallel_loop3A_156 = arith.subi %parallel_loop3A_152, %parallel_loop3A_155 : i32
      %parallel_loop3A_157 = arith.constant 0 : i32
      %parallel_loop3A_158 = arith.cmpi sgt, %parallel_loop3A_148, %parallel_loop3A_157 : i32
      %parallel_loop3A_159 = arith.extui %parallel_loop3A_158 : i1 to i32
      %parallel_loop3A_160 = arith.constant 0 : i32
      %parallel_loop3A_161 = arith.cmpi slt, %parallel_loop3A_148, %parallel_loop3A_160 : i32
      %parallel_loop3A_162 = arith.extui %parallel_loop3A_161 : i1 to i32
      %parallel_loop3A_163 = arith.subi %parallel_loop3A_159, %parallel_loop3A_162 : i32
      %parallel_loop3A_164 = arith.cmpi ne, %parallel_loop3A_156, %parallel_loop3A_163 : i32
      %parallel_loop3A_165 = arith.remsi %parallel_loop3A_147, %parallel_loop3A_148 : i32
      %parallel_loop3A_166 = arith.constant 0 : i32
      %parallel_loop3A_167 = arith.cmpi ne, %parallel_loop3A_165, %parallel_loop3A_166 : i32
      %parallel_loop3A_168 = arith.andi %parallel_loop3A_164, %parallel_loop3A_167 : i1
      %parallel_loop3A_169 = arith.constant 1 : i32
      %parallel_loop3A_170 = arith.subi %parallel_loop3A_149, %parallel_loop3A_169 : i32
      %parallel_loop3A_171 = arith.select %parallel_loop3A_168, %parallel_loop3A_170, %parallel_loop3A_149 : i32
      %parallel_loop3A_172 = arith.constant 4 : i32
      %parallel_loop3A_173 = arith.constant 0 : i32
      %parallel_loop3A_174 = arith.cmpi eq, %parallel_loop3A_172, %parallel_loop3A_173 : i32
      %parallel_loop3A_175 = arith.constant 1 : i32
      %parallel_loop3A_176 = arith.select %parallel_loop3A_174, %parallel_loop3A_175, %parallel_loop3A_172 : i32
      %parallel_loop3A_177 = arith.remsi %parallel_loop3A_147, %parallel_loop3A_176 : i32
      %parallel_loop3A_178 = arith.constant 0 : i32
      %parallel_loop3A_179 = arith.cmpi ne, %parallel_loop3A_177, %parallel_loop3A_178 : i32
      %parallel_loop3A_180 = arith.constant 0 : i32
      %parallel_loop3A_181 = arith.cmpi slt, %parallel_loop3A_177, %parallel_loop3A_180 : i32
      %parallel_loop3A_182 = arith.constant 0 : i32
      %parallel_loop3A_183 = arith.cmpi slt, %parallel_loop3A_176, %parallel_loop3A_182 : i32
      %parallel_loop3A_184 = arith.xori %parallel_loop3A_181, %parallel_loop3A_183 : i1
      %parallel_loop3A_185 = arith.andi %parallel_loop3A_184, %parallel_loop3A_179 : i1
      %parallel_loop3A_186 = arith.addi %parallel_loop3A_177, %parallel_loop3A_176 : i32
      %parallel_loop3A_187 = arith.select %parallel_loop3A_185, %parallel_loop3A_186, %parallel_loop3A_177 : i32
      %parallel_loop3A_188 = arith.constant 16 : i32
      %parallel_loop3A_189 = arith.muli %parallel_loop3A_187, %parallel_loop3A_188 : i32
      %parallel_loop3A_190 = arith.constant 200 : i32
      %parallel_loop3A_191 = arith.muli %parallel_loop3A_189, %parallel_loop3A_190 : i32
      %parallel_loop3A_192 = arith.addi %parallel_loop3A_191, %parallel_loop3A_171 : i32
      %parallel_loop3A_193 = vector.broadcast %parallel_loop3A_192 : i32 to vector<16xi32>
      %parallel_loop3A_194 = arith.addi %mul3A_5, %parallel_loop3A_193 : vector<16xi32>
      %parallel_loop3A_195 = tpu.vector_load_idx %arg9[%parallel_loop3A_194] : memref<12800xi32, #tpu.memory_space<vmem>>[vector<16xi32>], vector<16xi32>,
      %parallel_loop3A_196 = arith.constant 255 : i32
      %parallel_loop3A_197 = vector.broadcast %parallel_loop3A_196 : i32 to vector<16xi32>
      %parallel_loop3A_198 = arith.andi %parallel_loop3A_195, %parallel_loop3A_197 : vector<16xi32>
      %parallel_loop3A_199 = arith.constant 16 : i32
      %parallel_loop3A_200 = vector.broadcast %parallel_loop3A_199 : i32 to vector<16xi32>
      %parallel_loop3A_201 = arith.muli %parallel_loop3A_198, %parallel_loop3A_200 : vector<16xi32>
      %parallel_loop3A_202 = arith.addi %parallel_loop3A_201, %iota3A : vector<16xi32>
      %parallel_loop3A_203 = tpu.vector_load_idx %arg7[%parallel_loop3A_202] : memref<4096xf32, #tpu.memory_space<vmem>>[vector<16xi32>], vector<16xf32>,
      %parallel_loop3A_204 = arith.constant 16 : i32
      %parallel_loop3A_205 = arith.muli %parallel_loop3A_187, %parallel_loop3A_204 : i32
      %parallel_loop3A_206 = arith.constant 0 : i32
      %parallel_loop3A_207 = arith.addi %parallel_loop3A_206, %parallel_loop3A_205 : i32
      %parallel_loop3A_208 = arith.index_cast %parallel_loop3A_171 : i32 to index
      %parallel_loop3A_209 = arith.index_cast %parallel_loop3A_207 : i32 to index
      %parallel_loop3A_210 = tpu.vector_load %arg11[%parallel_loop3A_208, %parallel_loop3A_209] {strides = array<i32>} : memref<200x128xf32, #tpu.memory_space<vmem>>, vector<16xf32>,
      tpu.vector_store %arg11[%parallel_loop3A_208, %parallel_loop3A_209], %parallel_loop3A_203 {strides = array<i32>} : memref<200x128xf32, #tpu.memory_space<vmem>>, vector<16xf32>,
      %parallel_loop3A_211 = tpu.vector_load_idx %arg8[%parallel_loop3A_202] : memref<4096xf32, #tpu.memory_space<vmem>>[vector<16xi32>], vector<16xf32>,
      %parallel_loop3A_212 = arith.constant 16 : i32
      %parallel_loop3A_213 = arith.muli %parallel_loop3A_187, %parallel_loop3A_212 : i32
      %parallel_loop3A_214 = arith.constant 0 : i32
      %parallel_loop3A_215 = arith.addi %parallel_loop3A_214, %parallel_loop3A_213 : i32
      %parallel_loop3A_216 = arith.index_cast %parallel_loop3A_171 : i32 to index
      %parallel_loop3A_217 = arith.index_cast %parallel_loop3A_215 : i32 to index
      %parallel_loop3A_218 = tpu.vector_load %arg13[%parallel_loop3A_216, %parallel_loop3A_217] {strides = array<i32>} : memref<200x128xf32, #tpu.memory_space<vmem>>, vector<16xf32>,
      tpu.vector_store %arg13[%parallel_loop3A_216, %parallel_loop3A_217], %parallel_loop3A_211 {strides = array<i32>} : memref<200x128xf32, #tpu.memory_space<vmem>>, vector<16xf32>,
    } {sc.loop_unroll_factor = 16 : i64, sc.parallel_access}
    %add3A_41 = arith.constant 128 : i32
    %add3A_42 = arith.addi %mul3A_2, %add3A_41 : i32
    %add3A_43 = arith.constant 64 : i32
    %add3A_44 = arith.addi %add3A_42, %add3A_43 : i32
    %mul3A_45 = arith.constant 200 : i32
    %mul3A_46 = arith.muli %add3A_44, %mul3A_45 : i32
    "tpu.region"() ({
      %run_scoped3A = tpu.sem_alloc : memref<!tpu.dma_semaphore, #tpu.memory_space<semaphore_mem>>
      %dma_start3A_147 = tpu.memref_slice %arg4[%mul3A_46] : memref<3276800xi32, #tpu.memory_space<hbm>> -> memref<12800xi32, #tpu.memory_space<hbm>>
      %dma_start3A_148 = tpu.memref_slice %arg4[%mul3A_46] : memref<3276800xi32, #tpu.memory_space<hbm>> -> memref<12800xi32, #tpu.memory_space<hbm>>
      tpu.enqueue_dma source(%dma_start3A_148 : memref<12800xi32, #tpu.memory_space<hbm>>) target(%arg9 : memref<12800xi32, #tpu.memory_space<vmem>>) target_semaphore(%run_scoped3A : memref<!tpu.dma_semaphore, #tpu.memory_space<semaphore_mem>>)
      %dma_wait3A_149 = tpu.memref_slice %arg4[%mul3A_46] : memref<3276800xi32, #tpu.memory_space<hbm>> -> memref<12800xi32, #tpu.memory_space<hbm>>
      %dma_wait3A_150 = tpu.memref_slice %arg4[%mul3A_46] : memref<3276800xi32, #tpu.memory_space<hbm>> -> memref<12800xi32, #tpu.memory_space<hbm>>
      tpu.wait_dma2 semaphore(%run_scoped3A : memref<!tpu.dma_semaphore, #tpu.memory_space<semaphore_mem>>) src(%dma_wait3A_150 : memref<12800xi32, #tpu.memory_space<hbm>>) dst(%arg9 : memref<12800xi32, #tpu.memory_space<vmem>>)
      tpu.yield
    }) : () -> ()
    %parallel_loop3A_47 = arith.constant 0 : i32
    %parallel_loop3A_48 = arith.constant 800 : i32
    %parallel_loop3A_49 = arith.constant 1 : i32
    scf.for %parallel_loop3A_147 = %parallel_loop3A_47 to %parallel_loop3A_48 step %parallel_loop3A_49  : i32 {
      %parallel_loop3A_148 = arith.constant 4 : i32
      %parallel_loop3A_149 = arith.divsi %parallel_loop3A_147, %parallel_loop3A_148 : i32
      %parallel_loop3A_150 = arith.constant 0 : i32
      %parallel_loop3A_151 = arith.cmpi sgt, %parallel_loop3A_147, %parallel_loop3A_150 : i32
      %parallel_loop3A_152 = arith.extui %parallel_loop3A_151 : i1 to i32
      %parallel_loop3A_153 = arith.constant 0 : i32
      %parallel_loop3A_154 = arith.cmpi slt, %parallel_loop3A_147, %parallel_loop3A_153 : i32
      %parallel_loop3A_155 = arith.extui %parallel_loop3A_154 : i1 to i32
      %parallel_loop3A_156 = arith.subi %parallel_loop3A_152, %parallel_loop3A_155 : i32
      %parallel_loop3A_157 = arith.constant 0 : i32
      %parallel_loop3A_158 = arith.cmpi sgt, %parallel_loop3A_148, %parallel_loop3A_157 : i32
      %parallel_loop3A_159 = arith.extui %parallel_loop3A_158 : i1 to i32
      %parallel_loop3A_160 = arith.constant 0 : i32
      %parallel_loop3A_161 = arith.cmpi slt, %parallel_loop3A_148, %parallel_loop3A_160 : i32
      %parallel_loop3A_162 = arith.extui %parallel_loop3A_161 : i1 to i32
      %parallel_loop3A_163 = arith.subi %parallel_loop3A_159, %parallel_loop3A_162 : i32
      %parallel_loop3A_164 = arith.cmpi ne, %parallel_loop3A_156, %parallel_loop3A_163 : i32
      %parallel_loop3A_165 = arith.remsi %parallel_loop3A_147, %parallel_loop3A_148 : i32
      %parallel_loop3A_166 = arith.constant 0 : i32
      %parallel_loop3A_167 = arith.cmpi ne, %parallel_loop3A_165, %parallel_loop3A_166 : i32
      %parallel_loop3A_168 = arith.andi %parallel_loop3A_164, %parallel_loop3A_167 : i1
      %parallel_loop3A_169 = arith.constant 1 : i32
      %parallel_loop3A_170 = arith.subi %parallel_loop3A_149, %parallel_loop3A_169 : i32
      %parallel_loop3A_171 = arith.select %parallel_loop3A_168, %parallel_loop3A_170, %parallel_loop3A_149 : i32
      %parallel_loop3A_172 = arith.constant 4 : i32
      %parallel_loop3A_173 = arith.constant 0 : i32
      %parallel_loop3A_174 = arith.cmpi eq, %parallel_loop3A_172, %parallel_loop3A_173 : i32
      %parallel_loop3A_175 = arith.constant 1 : i32
      %parallel_loop3A_176 = arith.select %parallel_loop3A_174, %parallel_loop3A_175, %parallel_loop3A_172 : i32
      %parallel_loop3A_177 = arith.remsi %parallel_loop3A_147, %parallel_loop3A_176 : i32
      %parallel_loop3A_178 = arith.constant 0 : i32
      %parallel_loop3A_179 = arith.cmpi ne, %parallel_loop3A_177, %parallel_loop3A_178 : i32
      %parallel_loop3A_180 = arith.constant 0 : i32
      %parallel_loop3A_181 = arith.cmpi slt, %parallel_loop3A_177, %parallel_loop3A_180 : i32
      %parallel_loop3A_182 = arith.constant 0 : i32
      %parallel_loop3A_183 = arith.cmpi slt, %parallel_loop3A_176, %parallel_loop3A_182 : i32
      %parallel_loop3A_184 = arith.xori %parallel_loop3A_181, %parallel_loop3A_183 : i1
      %parallel_loop3A_185 = arith.andi %parallel_loop3A_184, %parallel_loop3A_179 : i1
      %parallel_loop3A_186 = arith.addi %parallel_loop3A_177, %parallel_loop3A_176 : i32
      %parallel_loop3A_187 = arith.select %parallel_loop3A_185, %parallel_loop3A_186, %parallel_loop3A_177 : i32
      %parallel_loop3A_188 = arith.constant 16 : i32
      %parallel_loop3A_189 = arith.muli %parallel_loop3A_187, %parallel_loop3A_188 : i32
      %parallel_loop3A_190 = arith.constant 200 : i32
      %parallel_loop3A_191 = arith.muli %parallel_loop3A_189, %parallel_loop3A_190 : i32
      %parallel_loop3A_192 = arith.addi %parallel_loop3A_191, %parallel_loop3A_171 : i32
      %parallel_loop3A_193 = vector.broadcast %parallel_loop3A_192 : i32 to vector<16xi32>
      %parallel_loop3A_194 = arith.addi %mul3A_5, %parallel_loop3A_193 : vector<16xi32>
      %parallel_loop3A_195 = tpu.vector_load_idx %arg9[%parallel_loop3A_194] : memref<12800xi32, #tpu.memory_space<vmem>>[vector<16xi32>], vector<16xi32>,
      %parallel_loop3A_196 = arith.constant 255 : i32
      %parallel_loop3A_197 = vector.broadcast %parallel_loop3A_196 : i32 to vector<16xi32>
      %parallel_loop3A_198 = arith.andi %parallel_loop3A_195, %parallel_loop3A_197 : vector<16xi32>
      %parallel_loop3A_199 = arith.constant 16 : i32
      %parallel_loop3A_200 = vector.broadcast %parallel_loop3A_199 : i32 to vector<16xi32>
      %parallel_loop3A_201 = arith.muli %parallel_loop3A_198, %parallel_loop3A_200 : vector<16xi32>
      %parallel_loop3A_202 = arith.addi %parallel_loop3A_201, %iota3A : vector<16xi32>
      %parallel_loop3A_203 = tpu.vector_load_idx %arg7[%parallel_loop3A_202] : memref<4096xf32, #tpu.memory_space<vmem>>[vector<16xi32>], vector<16xf32>,
      %parallel_loop3A_204 = arith.constant 16 : i32
      %parallel_loop3A_205 = arith.muli %parallel_loop3A_187, %parallel_loop3A_204 : i32
      %parallel_loop3A_206 = arith.constant 64 : i32
      %parallel_loop3A_207 = arith.addi %parallel_loop3A_206, %parallel_loop3A_205 : i32
      %parallel_loop3A_208 = arith.index_cast %parallel_loop3A_171 : i32 to index
      %parallel_loop3A_209 = arith.index_cast %parallel_loop3A_207 : i32 to index
      %parallel_loop3A_210 = tpu.vector_load %arg11[%parallel_loop3A_208, %parallel_loop3A_209] {strides = array<i32>} : memref<200x128xf32, #tpu.memory_space<vmem>>, vector<16xf32>,
      tpu.vector_store %arg11[%parallel_loop3A_208, %parallel_loop3A_209], %parallel_loop3A_203 {strides = array<i32>} : memref<200x128xf32, #tpu.memory_space<vmem>>, vector<16xf32>,
      %parallel_loop3A_211 = tpu.vector_load_idx %arg8[%parallel_loop3A_202] : memref<4096xf32, #tpu.memory_space<vmem>>[vector<16xi32>], vector<16xf32>,
      %parallel_loop3A_212 = arith.constant 16 : i32
      %parallel_loop3A_213 = arith.muli %parallel_loop3A_187, %parallel_loop3A_212 : i32
      %parallel_loop3A_214 = arith.constant 64 : i32
      %parallel_loop3A_215 = arith.addi %parallel_loop3A_214, %parallel_loop3A_213 : i32
      %parallel_loop3A_216 = arith.index_cast %parallel_loop3A_171 : i32 to index
      %parallel_loop3A_217 = arith.index_cast %parallel_loop3A_215 : i32 to index
      %parallel_loop3A_218 = tpu.vector_load %arg13[%parallel_loop3A_216, %parallel_loop3A_217] {strides = array<i32>} : memref<200x128xf32, #tpu.memory_space<vmem>>, vector<16xf32>,
      tpu.vector_store %arg13[%parallel_loop3A_216, %parallel_loop3A_217], %parallel_loop3A_211 {strides = array<i32>} : memref<200x128xf32, #tpu.memory_space<vmem>>, vector<16xf32>,
    } {sc.loop_unroll_factor = 16 : i64, sc.parallel_access}
    %add3A_50 = arith.constant 128 : i32
    %add3A_51 = arith.addi %mul3A_2, %add3A_50 : i32
    %dma_start3A_52 = arith.constant 0 : i32
    %dma_start3A_53 = tpu.memref_slice %arg5[%dma_start3A_52, %add3A_51] : memref<200x16384xf32, #tpu.memory_space<hbm>> -> memref<200x128xf32, #tpu.memory_space<hbm>>
    %dma_start3A_54 = arith.constant 0 : i32
    %dma_start3A_55 = tpu.memref_slice %arg5[%dma_start3A_54, %add3A_51] : memref<200x16384xf32, #tpu.memory_space<hbm>> -> memref<200x128xf32, #tpu.memory_space<hbm>>
    tpu.enqueue_dma source(%arg11 : memref<200x128xf32, #tpu.memory_space<vmem>>) target(%dma_start3A_55 : memref<200x128xf32, #tpu.memory_space<hbm>>) target_semaphore(%arg15 : memref<!tpu.dma_semaphore, #tpu.memory_space<semaphore_mem>>)
    %dma_start3A_56 = arith.constant 0 : i32
    %dma_start3A_57 = tpu.memref_slice %arg6[%dma_start3A_56, %add3A_51] : memref<200x16384xf32, #tpu.memory_space<hbm>> -> memref<200x128xf32, #tpu.memory_space<hbm>>
    %dma_start3A_58 = arith.constant 0 : i32
    %dma_start3A_59 = tpu.memref_slice %arg6[%dma_start3A_58, %add3A_51] : memref<200x16384xf32, #tpu.memory_space<hbm>> -> memref<200x128xf32, #tpu.memory_space<hbm>>
    tpu.enqueue_dma source(%arg13 : memref<200x128xf32, #tpu.memory_space<vmem>>) target(%dma_start3A_59 : memref<200x128xf32, #tpu.memory_space<hbm>>) target_semaphore(%arg15 : memref<!tpu.dma_semaphore, #tpu.memory_space<semaphore_mem>>)
    %dma_wait3A = arith.constant 0 : i32
    %dma_wait3A_60 = tpu.memref_slice %arg5[%dma_wait3A, %add3A_24] : memref<200x16384xf32, #tpu.memory_space<hbm>> -> memref<200x128xf32, #tpu.memory_space<hbm>>
    %dma_wait3A_61 = arith.constant 0 : i32
    %dma_wait3A_62 = tpu.memref_slice %arg5[%dma_wait3A_61, %add3A_24] : memref<200x16384xf32, #tpu.memory_space<hbm>> -> memref<200x128xf32, #tpu.memory_space<hbm>>
    tpu.wait_dma2 semaphore(%arg14 : memref<!tpu.dma_semaphore, #tpu.memory_space<semaphore_mem>>) src(%arg10 : memref<200x128xf32, #tpu.memory_space<vmem>>) dst(%dma_wait3A_62 : memref<200x128xf32, #tpu.memory_space<hbm>>)
    %dma_wait3A_63 = arith.constant 0 : i32
    %dma_wait3A_64 = tpu.memref_slice %arg6[%dma_wait3A_63, %add3A_24] : memref<200x16384xf32, #tpu.memory_space<hbm>> -> memref<200x128xf32, #tpu.memory_space<hbm>>
    %dma_wait3A_65 = arith.constant 0 : i32
    %dma_wait3A_66 = tpu.memref_slice %arg6[%dma_wait3A_65, %add3A_24] : memref<200x16384xf32, #tpu.memory_space<hbm>> -> memref<200x128xf32, #tpu.memory_space<hbm>>
    tpu.wait_dma2 semaphore(%arg14 : memref<!tpu.dma_semaphore, #tpu.memory_space<semaphore_mem>>) src(%arg12 : memref<200x128xf32, #tpu.memory_space<vmem>>) dst(%dma_wait3A_66 : memref<200x128xf32, #tpu.memory_space<hbm>>)
    %add3A_67 = arith.constant 256 : i32
    %add3A_68 = arith.addi %mul3A_2, %add3A_67 : i32
    %add3A_69 = arith.constant 0 : i32
    %add3A_70 = arith.addi %add3A_68, %add3A_69 : i32
    %mul3A_71 = arith.constant 200 : i32
    %mul3A_72 = arith.muli %add3A_70, %mul3A_71 : i32
    "tpu.region"() ({
      %run_scoped3A = tpu.sem_alloc : memref<!tpu.dma_semaphore, #tpu.memory_space<semaphore_mem>>
      %dma_start3A_147 = tpu.memref_slice %arg4[%mul3A_72] : memref<3276800xi32, #tpu.memory_space<hbm>> -> memref<12800xi32, #tpu.memory_space<hbm>>
      %dma_start3A_148 = tpu.memref_slice %arg4[%mul3A_72] : memref<3276800xi32, #tpu.memory_space<hbm>> -> memref<12800xi32, #tpu.memory_space<hbm>>
      tpu.enqueue_dma source(%dma_start3A_148 : memref<12800xi32, #tpu.memory_space<hbm>>) target(%arg9 : memref<12800xi32, #tpu.memory_space<vmem>>) target_semaphore(%run_scoped3A : memref<!tpu.dma_semaphore, #tpu.memory_space<semaphore_mem>>)
      %dma_wait3A_149 = tpu.memref_slice %arg4[%mul3A_72] : memref<3276800xi32, #tpu.memory_space<hbm>> -> memref<12800xi32, #tpu.memory_space<hbm>>
      %dma_wait3A_150 = tpu.memref_slice %arg4[%mul3A_72] : memref<3276800xi32, #tpu.memory_space<hbm>> -> memref<12800xi32, #tpu.memory_space<hbm>>
      tpu.wait_dma2 semaphore(%run_scoped3A : memref<!tpu.dma_semaphore, #tpu.memory_space<semaphore_mem>>) src(%dma_wait3A_150 : memref<12800xi32, #tpu.memory_space<hbm>>) dst(%arg9 : memref<12800xi32, #tpu.memory_space<vmem>>)
      tpu.yield
    }) : () -> ()
    %parallel_loop3A_73 = arith.constant 0 : i32
    %parallel_loop3A_74 = arith.constant 800 : i32
    %parallel_loop3A_75 = arith.constant 1 : i32
    scf.for %parallel_loop3A_147 = %parallel_loop3A_73 to %parallel_loop3A_74 step %parallel_loop3A_75  : i32 {
      %parallel_loop3A_148 = arith.constant 4 : i32
      %parallel_loop3A_149 = arith.divsi %parallel_loop3A_147, %parallel_loop3A_148 : i32
      %parallel_loop3A_150 = arith.constant 0 : i32
      %parallel_loop3A_151 = arith.cmpi sgt, %parallel_loop3A_147, %parallel_loop3A_150 : i32
      %parallel_loop3A_152 = arith.extui %parallel_loop3A_151 : i1 to i32
      %parallel_loop3A_153 = arith.constant 0 : i32
      %parallel_loop3A_154 = arith.cmpi slt, %parallel_loop3A_147, %parallel_loop3A_153 : i32
      %parallel_loop3A_155 = arith.extui %parallel_loop3A_154 : i1 to i32
      %parallel_loop3A_156 = arith.subi %parallel_loop3A_152, %parallel_loop3A_155 : i32
      %parallel_loop3A_157 = arith.constant 0 : i32
      %parallel_loop3A_158 = arith.cmpi sgt, %parallel_loop3A_148, %parallel_loop3A_157 : i32
      %parallel_loop3A_159 = arith.extui %parallel_loop3A_158 : i1 to i32
      %parallel_loop3A_160 = arith.constant 0 : i32
      %parallel_loop3A_161 = arith.cmpi slt, %parallel_loop3A_148, %parallel_loop3A_160 : i32
      %parallel_loop3A_162 = arith.extui %parallel_loop3A_161 : i1 to i32
      %parallel_loop3A_163 = arith.subi %parallel_loop3A_159, %parallel_loop3A_162 : i32
      %parallel_loop3A_164 = arith.cmpi ne, %parallel_loop3A_156, %parallel_loop3A_163 : i32
      %parallel_loop3A_165 = arith.remsi %parallel_loop3A_147, %parallel_loop3A_148 : i32
      %parallel_loop3A_166 = arith.constant 0 : i32
      %parallel_loop3A_167 = arith.cmpi ne, %parallel_loop3A_165, %parallel_loop3A_166 : i32
      %parallel_loop3A_168 = arith.andi %parallel_loop3A_164, %parallel_loop3A_167 : i1
      %parallel_loop3A_169 = arith.constant 1 : i32
      %parallel_loop3A_170 = arith.subi %parallel_loop3A_149, %parallel_loop3A_169 : i32
      %parallel_loop3A_171 = arith.select %parallel_loop3A_168, %parallel_loop3A_170, %parallel_loop3A_149 : i32
      %parallel_loop3A_172 = arith.constant 4 : i32
      %parallel_loop3A_173 = arith.constant 0 : i32
      %parallel_loop3A_174 = arith.cmpi eq, %parallel_loop3A_172, %parallel_loop3A_173 : i32
      %parallel_loop3A_175 = arith.constant 1 : i32
      %parallel_loop3A_176 = arith.select %parallel_loop3A_174, %parallel_loop3A_175, %parallel_loop3A_172 : i32
      %parallel_loop3A_177 = arith.remsi %parallel_loop3A_147, %parallel_loop3A_176 : i32
      %parallel_loop3A_178 = arith.constant 0 : i32
      %parallel_loop3A_179 = arith.cmpi ne, %parallel_loop3A_177, %parallel_loop3A_178 : i32
      %parallel_loop3A_180 = arith.constant 0 : i32
      %parallel_loop3A_181 = arith.cmpi slt, %parallel_loop3A_177, %parallel_loop3A_180 : i32
      %parallel_loop3A_182 = arith.constant 0 : i32
      %parallel_loop3A_183 = arith.cmpi slt, %parallel_loop3A_176, %parallel_loop3A_182 : i32
      %parallel_loop3A_184 = arith.xori %parallel_loop3A_181, %parallel_loop3A_183 : i1
      %parallel_loop3A_185 = arith.andi %parallel_loop3A_184, %parallel_loop3A_179 : i1
      %parallel_loop3A_186 = arith.addi %parallel_loop3A_177, %parallel_loop3A_176 : i32
      %parallel_loop3A_187 = arith.select %parallel_loop3A_185, %parallel_loop3A_186, %parallel_loop3A_177 : i32
      %parallel_loop3A_188 = arith.constant 16 : i32
      %parallel_loop3A_189 = arith.muli %parallel_loop3A_187, %parallel_loop3A_188 : i32
      %parallel_loop3A_190 = arith.constant 200 : i32
      %parallel_loop3A_191 = arith.muli %parallel_loop3A_189, %parallel_loop3A_190 : i32
      %parallel_loop3A_192 = arith.addi %parallel_loop3A_191, %parallel_loop3A_171 : i32
      %parallel_loop3A_193 = vector.broadcast %parallel_loop3A_192 : i32 to vector<16xi32>
      %parallel_loop3A_194 = arith.addi %mul3A_5, %parallel_loop3A_193 : vector<16xi32>
      %parallel_loop3A_195 = tpu.vector_load_idx %arg9[%parallel_loop3A_194] : memref<12800xi32, #tpu.memory_space<vmem>>[vector<16xi32>], vector<16xi32>,
      %parallel_loop3A_196 = arith.constant 255 : i32
      %parallel_loop3A_197 = vector.broadcast %parallel_loop3A_196 : i32 to vector<16xi32>
      %parallel_loop3A_198 = arith.andi %parallel_loop3A_195, %parallel_loop3A_197 : vector<16xi32>
      %parallel_loop3A_199 = arith.constant 16 : i32
      %parallel_loop3A_200 = vector.broadcast %parallel_loop3A_199 : i32 to vector<16xi32>
      %parallel_loop3A_201 = arith.muli %parallel_loop3A_198, %parallel_loop3A_200 : vector<16xi32>
      %parallel_loop3A_202 = arith.addi %parallel_loop3A_201, %iota3A : vector<16xi32>
      %parallel_loop3A_203 = tpu.vector_load_idx %arg7[%parallel_loop3A_202] : memref<4096xf32, #tpu.memory_space<vmem>>[vector<16xi32>], vector<16xf32>,
      %parallel_loop3A_204 = arith.constant 16 : i32
      %parallel_loop3A_205 = arith.muli %parallel_loop3A_187, %parallel_loop3A_204 : i32
      %parallel_loop3A_206 = arith.constant 0 : i32
      %parallel_loop3A_207 = arith.addi %parallel_loop3A_206, %parallel_loop3A_205 : i32
      %parallel_loop3A_208 = arith.index_cast %parallel_loop3A_171 : i32 to index
      %parallel_loop3A_209 = arith.index_cast %parallel_loop3A_207 : i32 to index
      %parallel_loop3A_210 = tpu.vector_load %arg10[%parallel_loop3A_208, %parallel_loop3A_209] {strides = array<i32>} : memref<200x128xf32, #tpu.memory_space<vmem>>, vector<16xf32>,
      tpu.vector_store %arg10[%parallel_loop3A_208, %parallel_loop3A_209], %parallel_loop3A_203 {strides = array<i32>} : memref<200x128xf32, #tpu.memory_space<vmem>>, vector<16xf32>,
      %parallel_loop3A_211 = tpu.vector_load_idx %arg8[%parallel_loop3A_202] : memref<4096xf32, #tpu.memory_space<vmem>>[vector<16xi32>], vector<16xf32>,
      %parallel_loop3A_212 = arith.constant 16 : i32
      %parallel_loop3A_213 = arith.muli %parallel_loop3A_187, %parallel_loop3A_212 : i32
      %parallel_loop3A_214 = arith.constant 0 : i32
      %parallel_loop3A_215 = arith.addi %parallel_loop3A_214, %parallel_loop3A_213 : i32
      %parallel_loop3A_216 = arith.index_cast %parallel_loop3A_171 : i32 to index
      %parallel_loop3A_217 = arith.index_cast %parallel_loop3A_215 : i32 to index
      %parallel_loop3A_218 = tpu.vector_load %arg12[%parallel_loop3A_216, %parallel_loop3A_217] {strides = array<i32>} : memref<200x128xf32, #tpu.memory_space<vmem>>, vector<16xf32>,
      tpu.vector_store %arg12[%parallel_loop3A_216, %parallel_loop3A_217], %parallel_loop3A_211 {strides = array<i32>} : memref<200x128xf32, #tpu.memory_space<vmem>>, vector<16xf32>,
    } {sc.loop_unroll_factor = 16 : i64, sc.parallel_access}
    %add3A_76 = arith.constant 256 : i32
    %add3A_77 = arith.addi %mul3A_2, %add3A_76 : i32
    %add3A_78 = arith.constant 64 : i32
    %add3A_79 = arith.addi %add3A_77, %add3A_78 : i32
    %mul3A_80 = arith.constant 200 : i32
    %mul3A_81 = arith.muli %add3A_79, %mul3A_80 : i32
    "tpu.region"() ({
      %run_scoped3A = tpu.sem_alloc : memref<!tpu.dma_semaphore, #tpu.memory_space<semaphore_mem>>
      %dma_start3A_147 = tpu.memref_slice %arg4[%mul3A_81] : memref<3276800xi32, #tpu.memory_space<hbm>> -> memref<12800xi32, #tpu.memory_space<hbm>>
      %dma_start3A_148 = tpu.memref_slice %arg4[%mul3A_81] : memref<3276800xi32, #tpu.memory_space<hbm>> -> memref<12800xi32, #tpu.memory_space<hbm>>
      tpu.enqueue_dma source(%dma_start3A_148 : memref<12800xi32, #tpu.memory_space<hbm>>) target(%arg9 : memref<12800xi32, #tpu.memory_space<vmem>>) target_semaphore(%run_scoped3A : memref<!tpu.dma_semaphore, #tpu.memory_space<semaphore_mem>>)
      %dma_wait3A_149 = tpu.memref_slice %arg4[%mul3A_81] : memref<3276800xi32, #tpu.memory_space<hbm>> -> memref<12800xi32, #tpu.memory_space<hbm>>
      %dma_wait3A_150 = tpu.memref_slice %arg4[%mul3A_81] : memref<3276800xi32, #tpu.memory_space<hbm>> -> memref<12800xi32, #tpu.memory_space<hbm>>
      tpu.wait_dma2 semaphore(%run_scoped3A : memref<!tpu.dma_semaphore, #tpu.memory_space<semaphore_mem>>) src(%dma_wait3A_150 : memref<12800xi32, #tpu.memory_space<hbm>>) dst(%arg9 : memref<12800xi32, #tpu.memory_space<vmem>>)
      tpu.yield
    }) : () -> ()
    %parallel_loop3A_82 = arith.constant 0 : i32
    %parallel_loop3A_83 = arith.constant 800 : i32
    %parallel_loop3A_84 = arith.constant 1 : i32
    scf.for %parallel_loop3A_147 = %parallel_loop3A_82 to %parallel_loop3A_83 step %parallel_loop3A_84  : i32 {
      %parallel_loop3A_148 = arith.constant 4 : i32
      %parallel_loop3A_149 = arith.divsi %parallel_loop3A_147, %parallel_loop3A_148 : i32
      %parallel_loop3A_150 = arith.constant 0 : i32
      %parallel_loop3A_151 = arith.cmpi sgt, %parallel_loop3A_147, %parallel_loop3A_150 : i32
      %parallel_loop3A_152 = arith.extui %parallel_loop3A_151 : i1 to i32
      %parallel_loop3A_153 = arith.constant 0 : i32
      %parallel_loop3A_154 = arith.cmpi slt, %parallel_loop3A_147, %parallel_loop3A_153 : i32
      %parallel_loop3A_155 = arith.extui %parallel_loop3A_154 : i1 to i32
      %parallel_loop3A_156 = arith.subi %parallel_loop3A_152, %parallel_loop3A_155 : i32
      %parallel_loop3A_157 = arith.constant 0 : i32
      %parallel_loop3A_158 = arith.cmpi sgt, %parallel_loop3A_148, %parallel_loop3A_157 : i32
      %parallel_loop3A_159 = arith.extui %parallel_loop3A_158 : i1 to i32
      %parallel_loop3A_160 = arith.constant 0 : i32
      %parallel_loop3A_161 = arith.cmpi slt, %parallel_loop3A_148, %parallel_loop3A_160 : i32
      %parallel_loop3A_162 = arith.extui %parallel_loop3A_161 : i1 to i32
      %parallel_loop3A_163 = arith.subi %parallel_loop3A_159, %parallel_loop3A_162 : i32
      %parallel_loop3A_164 = arith.cmpi ne, %parallel_loop3A_156, %parallel_loop3A_163 : i32
      %parallel_loop3A_165 = arith.remsi %parallel_loop3A_147, %parallel_loop3A_148 : i32
      %parallel_loop3A_166 = arith.constant 0 : i32
      %parallel_loop3A_167 = arith.cmpi ne, %parallel_loop3A_165, %parallel_loop3A_166 : i32
      %parallel_loop3A_168 = arith.andi %parallel_loop3A_164, %parallel_loop3A_167 : i1
      %parallel_loop3A_169 = arith.constant 1 : i32
      %parallel_loop3A_170 = arith.subi %parallel_loop3A_149, %parallel_loop3A_169 : i32
      %parallel_loop3A_171 = arith.select %parallel_loop3A_168, %parallel_loop3A_170, %parallel_loop3A_149 : i32
      %parallel_loop3A_172 = arith.constant 4 : i32
      %parallel_loop3A_173 = arith.constant 0 : i32
      %parallel_loop3A_174 = arith.cmpi eq, %parallel_loop3A_172, %parallel_loop3A_173 : i32
      %parallel_loop3A_175 = arith.constant 1 : i32
      %parallel_loop3A_176 = arith.select %parallel_loop3A_174, %parallel_loop3A_175, %parallel_loop3A_172 : i32
      %parallel_loop3A_177 = arith.remsi %parallel_loop3A_147, %parallel_loop3A_176 : i32
      %parallel_loop3A_178 = arith.constant 0 : i32
      %parallel_loop3A_179 = arith.cmpi ne, %parallel_loop3A_177, %parallel_loop3A_178 : i32
      %parallel_loop3A_180 = arith.constant 0 : i32
      %parallel_loop3A_181 = arith.cmpi slt, %parallel_loop3A_177, %parallel_loop3A_180 : i32
      %parallel_loop3A_182 = arith.constant 0 : i32
      %parallel_loop3A_183 = arith.cmpi slt, %parallel_loop3A_176, %parallel_loop3A_182 : i32
      %parallel_loop3A_184 = arith.xori %parallel_loop3A_181, %parallel_loop3A_183 : i1
      %parallel_loop3A_185 = arith.andi %parallel_loop3A_184, %parallel_loop3A_179 : i1
      %parallel_loop3A_186 = arith.addi %parallel_loop3A_177, %parallel_loop3A_176 : i32
      %parallel_loop3A_187 = arith.select %parallel_loop3A_185, %parallel_loop3A_186, %parallel_loop3A_177 : i32
      %parallel_loop3A_188 = arith.constant 16 : i32
      %parallel_loop3A_189 = arith.muli %parallel_loop3A_187, %parallel_loop3A_188 : i32
      %parallel_loop3A_190 = arith.constant 200 : i32
      %parallel_loop3A_191 = arith.muli %parallel_loop3A_189, %parallel_loop3A_190 : i32
      %parallel_loop3A_192 = arith.addi %parallel_loop3A_191, %parallel_loop3A_171 : i32
      %parallel_loop3A_193 = vector.broadcast %parallel_loop3A_192 : i32 to vector<16xi32>
      %parallel_loop3A_194 = arith.addi %mul3A_5, %parallel_loop3A_193 : vector<16xi32>
      %parallel_loop3A_195 = tpu.vector_load_idx %arg9[%parallel_loop3A_194] : memref<12800xi32, #tpu.memory_space<vmem>>[vector<16xi32>], vector<16xi32>,
      %parallel_loop3A_196 = arith.constant 255 : i32
      %parallel_loop3A_197 = vector.broadcast %parallel_loop3A_196 : i32 to vector<16xi32>
      %parallel_loop3A_198 = arith.andi %parallel_loop3A_195, %parallel_loop3A_197 : vector<16xi32>
      %parallel_loop3A_199 = arith.constant 16 : i32
      %parallel_loop3A_200 = vector.broadcast %parallel_loop3A_199 : i32 to vector<16xi32>
      %parallel_loop3A_201 = arith.muli %parallel_loop3A_198, %parallel_loop3A_200 : vector<16xi32>
      %parallel_loop3A_202 = arith.addi %parallel_loop3A_201, %iota3A : vector<16xi32>
      %parallel_loop3A_203 = tpu.vector_load_idx %arg7[%parallel_loop3A_202] : memref<4096xf32, #tpu.memory_space<vmem>>[vector<16xi32>], vector<16xf32>,
      %parallel_loop3A_204 = arith.constant 16 : i32
      %parallel_loop3A_205 = arith.muli %parallel_loop3A_187, %parallel_loop3A_204 : i32
      %parallel_loop3A_206 = arith.constant 64 : i32
      %parallel_loop3A_207 = arith.addi %parallel_loop3A_206, %parallel_loop3A_205 : i32
      %parallel_loop3A_208 = arith.index_cast %parallel_loop3A_171 : i32 to index
      %parallel_loop3A_209 = arith.index_cast %parallel_loop3A_207 : i32 to index
      %parallel_loop3A_210 = tpu.vector_load %arg10[%parallel_loop3A_208, %parallel_loop3A_209] {strides = array<i32>} : memref<200x128xf32, #tpu.memory_space<vmem>>, vector<16xf32>,
      tpu.vector_store %arg10[%parallel_loop3A_208, %parallel_loop3A_209], %parallel_loop3A_203 {strides = array<i32>} : memref<200x128xf32, #tpu.memory_space<vmem>>, vector<16xf32>,
      %parallel_loop3A_211 = tpu.vector_load_idx %arg8[%parallel_loop3A_202] : memref<4096xf32, #tpu.memory_space<vmem>>[vector<16xi32>], vector<16xf32>,
      %parallel_loop3A_212 = arith.constant 16 : i32
      %parallel_loop3A_213 = arith.muli %parallel_loop3A_187, %parallel_loop3A_212 : i32
      %parallel_loop3A_214 = arith.constant 64 : i32
      %parallel_loop3A_215 = arith.addi %parallel_loop3A_214, %parallel_loop3A_213 : i32
      %parallel_loop3A_216 = arith.index_cast %parallel_loop3A_171 : i32 to index
      %parallel_loop3A_217 = arith.index_cast %parallel_loop3A_215 : i32 to index
      %parallel_loop3A_218 = tpu.vector_load %arg12[%parallel_loop3A_216, %parallel_loop3A_217] {strides = array<i32>} : memref<200x128xf32, #tpu.memory_space<vmem>>, vector<16xf32>,
      tpu.vector_store %arg12[%parallel_loop3A_216, %parallel_loop3A_217], %parallel_loop3A_211 {strides = array<i32>} : memref<200x128xf32, #tpu.memory_space<vmem>>, vector<16xf32>,
    } {sc.loop_unroll_factor = 16 : i64, sc.parallel_access}
    %add3A_85 = arith.constant 256 : i32
    %add3A_86 = arith.addi %mul3A_2, %add3A_85 : i32
    %dma_start3A_87 = arith.constant 0 : i32
    %dma_start3A_88 = tpu.memref_slice %arg5[%dma_start3A_87, %add3A_86] : memref<200x16384xf32, #tpu.memory_space<hbm>> -> memref<200x128xf32, #tpu.memory_space<hbm>>
    %dma_start3A_89 = arith.constant 0 : i32
    %dma_start3A_90 = tpu.memref_slice %arg5[%dma_start3A_89, %add3A_86] : memref<200x16384xf32, #tpu.memory_space<hbm>> -> memref<200x128xf32, #tpu.memory_space<hbm>>
    tpu.enqueue_dma source(%arg10 : memref<200x128xf32, #tpu.memory_space<vmem>>) target(%dma_start3A_90 : memref<200x128xf32, #tpu.memory_space<hbm>>) target_semaphore(%arg14 : memref<!tpu.dma_semaphore, #tpu.memory_space<semaphore_mem>>)
    %dma_start3A_91 = arith.constant 0 : i32
    %dma_start3A_92 = tpu.memref_slice %arg6[%dma_start3A_91, %add3A_86] : memref<200x16384xf32, #tpu.memory_space<hbm>> -> memref<200x128xf32, #tpu.memory_space<hbm>>
    %dma_start3A_93 = arith.constant 0 : i32
    %dma_start3A_94 = tpu.memref_slice %arg6[%dma_start3A_93, %add3A_86] : memref<200x16384xf32, #tpu.memory_space<hbm>> -> memref<200x128xf32, #tpu.memory_space<hbm>>
    tpu.enqueue_dma source(%arg12 : memref<200x128xf32, #tpu.memory_space<vmem>>) target(%dma_start3A_94 : memref<200x128xf32, #tpu.memory_space<hbm>>) target_semaphore(%arg14 : memref<!tpu.dma_semaphore, #tpu.memory_space<semaphore_mem>>)
    %dma_wait3A_95 = arith.constant 0 : i32
    %dma_wait3A_96 = tpu.memref_slice %arg5[%dma_wait3A_95, %add3A_51] : memref<200x16384xf32, #tpu.memory_space<hbm>> -> memref<200x128xf32, #tpu.memory_space<hbm>>
    %dma_wait3A_97 = arith.constant 0 : i32
    %dma_wait3A_98 = tpu.memref_slice %arg5[%dma_wait3A_97, %add3A_51] : memref<200x16384xf32, #tpu.memory_space<hbm>> -> memref<200x128xf32, #tpu.memory_space<hbm>>
    tpu.wait_dma2 semaphore(%arg15 : memref<!tpu.dma_semaphore, #tpu.memory_space<semaphore_mem>>) src(%arg11 : memref<200x128xf32, #tpu.memory_space<vmem>>) dst(%dma_wait3A_98 : memref<200x128xf32, #tpu.memory_space<hbm>>)
    %dma_wait3A_99 = arith.constant 0 : i32
    %dma_wait3A_100 = tpu.memref_slice %arg6[%dma_wait3A_99, %add3A_51] : memref<200x16384xf32, #tpu.memory_space<hbm>> -> memref<200x128xf32, #tpu.memory_space<hbm>>
    %dma_wait3A_101 = arith.constant 0 : i32
    %dma_wait3A_102 = tpu.memref_slice %arg6[%dma_wait3A_101, %add3A_51] : memref<200x16384xf32, #tpu.memory_space<hbm>> -> memref<200x128xf32, #tpu.memory_space<hbm>>
    tpu.wait_dma2 semaphore(%arg15 : memref<!tpu.dma_semaphore, #tpu.memory_space<semaphore_mem>>) src(%arg13 : memref<200x128xf32, #tpu.memory_space<vmem>>) dst(%dma_wait3A_102 : memref<200x128xf32, #tpu.memory_space<hbm>>)
    %add3A_103 = arith.constant 384 : i32
    %add3A_104 = arith.addi %mul3A_2, %add3A_103 : i32
    %add3A_105 = arith.constant 0 : i32
    %add3A_106 = arith.addi %add3A_104, %add3A_105 : i32
    %mul3A_107 = arith.constant 200 : i32
    %mul3A_108 = arith.muli %add3A_106, %mul3A_107 : i32
    "tpu.region"() ({
      %run_scoped3A = tpu.sem_alloc : memref<!tpu.dma_semaphore, #tpu.memory_space<semaphore_mem>>
      %dma_start3A_147 = tpu.memref_slice %arg4[%mul3A_108] : memref<3276800xi32, #tpu.memory_space<hbm>> -> memref<12800xi32, #tpu.memory_space<hbm>>
      %dma_start3A_148 = tpu.memref_slice %arg4[%mul3A_108] : memref<3276800xi32, #tpu.memory_space<hbm>> -> memref<12800xi32, #tpu.memory_space<hbm>>
      tpu.enqueue_dma source(%dma_start3A_148 : memref<12800xi32, #tpu.memory_space<hbm>>) target(%arg9 : memref<12800xi32, #tpu.memory_space<vmem>>) target_semaphore(%run_scoped3A : memref<!tpu.dma_semaphore, #tpu.memory_space<semaphore_mem>>)
      %dma_wait3A_149 = tpu.memref_slice %arg4[%mul3A_108] : memref<3276800xi32, #tpu.memory_space<hbm>> -> memref<12800xi32, #tpu.memory_space<hbm>>
      %dma_wait3A_150 = tpu.memref_slice %arg4[%mul3A_108] : memref<3276800xi32, #tpu.memory_space<hbm>> -> memref<12800xi32, #tpu.memory_space<hbm>>
      tpu.wait_dma2 semaphore(%run_scoped3A : memref<!tpu.dma_semaphore, #tpu.memory_space<semaphore_mem>>) src(%dma_wait3A_150 : memref<12800xi32, #tpu.memory_space<hbm>>) dst(%arg9 : memref<12800xi32, #tpu.memory_space<vmem>>)
      tpu.yield
    }) : () -> ()
    %parallel_loop3A_109 = arith.constant 0 : i32
    %parallel_loop3A_110 = arith.constant 800 : i32
    %parallel_loop3A_111 = arith.constant 1 : i32
    scf.for %parallel_loop3A_147 = %parallel_loop3A_109 to %parallel_loop3A_110 step %parallel_loop3A_111  : i32 {
      %parallel_loop3A_148 = arith.constant 4 : i32
      %parallel_loop3A_149 = arith.divsi %parallel_loop3A_147, %parallel_loop3A_148 : i32
      %parallel_loop3A_150 = arith.constant 0 : i32
      %parallel_loop3A_151 = arith.cmpi sgt, %parallel_loop3A_147, %parallel_loop3A_150 : i32
      %parallel_loop3A_152 = arith.extui %parallel_loop3A_151 : i1 to i32
      %parallel_loop3A_153 = arith.constant 0 : i32
      %parallel_loop3A_154 = arith.cmpi slt, %parallel_loop3A_147, %parallel_loop3A_153 : i32
      %parallel_loop3A_155 = arith.extui %parallel_loop3A_154 : i1 to i32
      %parallel_loop3A_156 = arith.subi %parallel_loop3A_152, %parallel_loop3A_155 : i32
      %parallel_loop3A_157 = arith.constant 0 : i32
      %parallel_loop3A_158 = arith.cmpi sgt, %parallel_loop3A_148, %parallel_loop3A_157 : i32
      %parallel_loop3A_159 = arith.extui %parallel_loop3A_158 : i1 to i32
      %parallel_loop3A_160 = arith.constant 0 : i32
      %parallel_loop3A_161 = arith.cmpi slt, %parallel_loop3A_148, %parallel_loop3A_160 : i32
      %parallel_loop3A_162 = arith.extui %parallel_loop3A_161 : i1 to i32
      %parallel_loop3A_163 = arith.subi %parallel_loop3A_159, %parallel_loop3A_162 : i32
      %parallel_loop3A_164 = arith.cmpi ne, %parallel_loop3A_156, %parallel_loop3A_163 : i32
      %parallel_loop3A_165 = arith.remsi %parallel_loop3A_147, %parallel_loop3A_148 : i32
      %parallel_loop3A_166 = arith.constant 0 : i32
      %parallel_loop3A_167 = arith.cmpi ne, %parallel_loop3A_165, %parallel_loop3A_166 : i32
      %parallel_loop3A_168 = arith.andi %parallel_loop3A_164, %parallel_loop3A_167 : i1
      %parallel_loop3A_169 = arith.constant 1 : i32
      %parallel_loop3A_170 = arith.subi %parallel_loop3A_149, %parallel_loop3A_169 : i32
      %parallel_loop3A_171 = arith.select %parallel_loop3A_168, %parallel_loop3A_170, %parallel_loop3A_149 : i32
      %parallel_loop3A_172 = arith.constant 4 : i32
      %parallel_loop3A_173 = arith.constant 0 : i32
      %parallel_loop3A_174 = arith.cmpi eq, %parallel_loop3A_172, %parallel_loop3A_173 : i32
      %parallel_loop3A_175 = arith.constant 1 : i32
      %parallel_loop3A_176 = arith.select %parallel_loop3A_174, %parallel_loop3A_175, %parallel_loop3A_172 : i32
      %parallel_loop3A_177 = arith.remsi %parallel_loop3A_147, %parallel_loop3A_176 : i32
      %parallel_loop3A_178 = arith.constant 0 : i32
      %parallel_loop3A_179 = arith.cmpi ne, %parallel_loop3A_177, %parallel_loop3A_178 : i32
      %parallel_loop3A_180 = arith.constant 0 : i32
      %parallel_loop3A_181 = arith.cmpi slt, %parallel_loop3A_177, %parallel_loop3A_180 : i32
      %parallel_loop3A_182 = arith.constant 0 : i32
      %parallel_loop3A_183 = arith.cmpi slt, %parallel_loop3A_176, %parallel_loop3A_182 : i32
      %parallel_loop3A_184 = arith.xori %parallel_loop3A_181, %parallel_loop3A_183 : i1
      %parallel_loop3A_185 = arith.andi %parallel_loop3A_184, %parallel_loop3A_179 : i1
      %parallel_loop3A_186 = arith.addi %parallel_loop3A_177, %parallel_loop3A_176 : i32
      %parallel_loop3A_187 = arith.select %parallel_loop3A_185, %parallel_loop3A_186, %parallel_loop3A_177 : i32
      %parallel_loop3A_188 = arith.constant 16 : i32
      %parallel_loop3A_189 = arith.muli %parallel_loop3A_187, %parallel_loop3A_188 : i32
      %parallel_loop3A_190 = arith.constant 200 : i32
      %parallel_loop3A_191 = arith.muli %parallel_loop3A_189, %parallel_loop3A_190 : i32
      %parallel_loop3A_192 = arith.addi %parallel_loop3A_191, %parallel_loop3A_171 : i32
      %parallel_loop3A_193 = vector.broadcast %parallel_loop3A_192 : i32 to vector<16xi32>
      %parallel_loop3A_194 = arith.addi %mul3A_5, %parallel_loop3A_193 : vector<16xi32>
      %parallel_loop3A_195 = tpu.vector_load_idx %arg9[%parallel_loop3A_194] : memref<12800xi32, #tpu.memory_space<vmem>>[vector<16xi32>], vector<16xi32>,
      %parallel_loop3A_196 = arith.constant 255 : i32
      %parallel_loop3A_197 = vector.broadcast %parallel_loop3A_196 : i32 to vector<16xi32>
      %parallel_loop3A_198 = arith.andi %parallel_loop3A_195, %parallel_loop3A_197 : vector<16xi32>
      %parallel_loop3A_199 = arith.constant 16 : i32
      %parallel_loop3A_200 = vector.broadcast %parallel_loop3A_199 : i32 to vector<16xi32>
      %parallel_loop3A_201 = arith.muli %parallel_loop3A_198, %parallel_loop3A_200 : vector<16xi32>
      %parallel_loop3A_202 = arith.addi %parallel_loop3A_201, %iota3A : vector<16xi32>
      %parallel_loop3A_203 = tpu.vector_load_idx %arg7[%parallel_loop3A_202] : memref<4096xf32, #tpu.memory_space<vmem>>[vector<16xi32>], vector<16xf32>,
      %parallel_loop3A_204 = arith.constant 16 : i32
      %parallel_loop3A_205 = arith.muli %parallel_loop3A_187, %parallel_loop3A_204 : i32
      %parallel_loop3A_206 = arith.constant 0 : i32
      %parallel_loop3A_207 = arith.addi %parallel_loop3A_206, %parallel_loop3A_205 : i32
      %parallel_loop3A_208 = arith.index_cast %parallel_loop3A_171 : i32 to index
      %parallel_loop3A_209 = arith.index_cast %parallel_loop3A_207 : i32 to index
      %parallel_loop3A_210 = tpu.vector_load %arg11[%parallel_loop3A_208, %parallel_loop3A_209] {strides = array<i32>} : memref<200x128xf32, #tpu.memory_space<vmem>>, vector<16xf32>,
      tpu.vector_store %arg11[%parallel_loop3A_208, %parallel_loop3A_209], %parallel_loop3A_203 {strides = array<i32>} : memref<200x128xf32, #tpu.memory_space<vmem>>, vector<16xf32>,
      %parallel_loop3A_211 = tpu.vector_load_idx %arg8[%parallel_loop3A_202] : memref<4096xf32, #tpu.memory_space<vmem>>[vector<16xi32>], vector<16xf32>,
      %parallel_loop3A_212 = arith.constant 16 : i32
      %parallel_loop3A_213 = arith.muli %parallel_loop3A_187, %parallel_loop3A_212 : i32
      %parallel_loop3A_214 = arith.constant 0 : i32
      %parallel_loop3A_215 = arith.addi %parallel_loop3A_214, %parallel_loop3A_213 : i32
      %parallel_loop3A_216 = arith.index_cast %parallel_loop3A_171 : i32 to index
      %parallel_loop3A_217 = arith.index_cast %parallel_loop3A_215 : i32 to index
      %parallel_loop3A_218 = tpu.vector_load %arg13[%parallel_loop3A_216, %parallel_loop3A_217] {strides = array<i32>} : memref<200x128xf32, #tpu.memory_space<vmem>>, vector<16xf32>,
      tpu.vector_store %arg13[%parallel_loop3A_216, %parallel_loop3A_217], %parallel_loop3A_211 {strides = array<i32>} : memref<200x128xf32, #tpu.memory_space<vmem>>, vector<16xf32>,
    } {sc.loop_unroll_factor = 16 : i64, sc.parallel_access}
    %add3A_112 = arith.constant 384 : i32
    %add3A_113 = arith.addi %mul3A_2, %add3A_112 : i32
    %add3A_114 = arith.constant 64 : i32
    %add3A_115 = arith.addi %add3A_113, %add3A_114 : i32
    %mul3A_116 = arith.constant 200 : i32
    %mul3A_117 = arith.muli %add3A_115, %mul3A_116 : i32
    "tpu.region"() ({
      %run_scoped3A = tpu.sem_alloc : memref<!tpu.dma_semaphore, #tpu.memory_space<semaphore_mem>>
      %dma_start3A_147 = tpu.memref_slice %arg4[%mul3A_117] : memref<3276800xi32, #tpu.memory_space<hbm>> -> memref<12800xi32, #tpu.memory_space<hbm>>
      %dma_start3A_148 = tpu.memref_slice %arg4[%mul3A_117] : memref<3276800xi32, #tpu.memory_space<hbm>> -> memref<12800xi32, #tpu.memory_space<hbm>>
      tpu.enqueue_dma source(%dma_start3A_148 : memref<12800xi32, #tpu.memory_space<hbm>>) target(%arg9 : memref<12800xi32, #tpu.memory_space<vmem>>) target_semaphore(%run_scoped3A : memref<!tpu.dma_semaphore, #tpu.memory_space<semaphore_mem>>)
      %dma_wait3A_149 = tpu.memref_slice %arg4[%mul3A_117] : memref<3276800xi32, #tpu.memory_space<hbm>> -> memref<12800xi32, #tpu.memory_space<hbm>>
      %dma_wait3A_150 = tpu.memref_slice %arg4[%mul3A_117] : memref<3276800xi32, #tpu.memory_space<hbm>> -> memref<12800xi32, #tpu.memory_space<hbm>>
      tpu.wait_dma2 semaphore(%run_scoped3A : memref<!tpu.dma_semaphore, #tpu.memory_space<semaphore_mem>>) src(%dma_wait3A_150 : memref<12800xi32, #tpu.memory_space<hbm>>) dst(%arg9 : memref<12800xi32, #tpu.memory_space<vmem>>)
      tpu.yield
    }) : () -> ()
    %parallel_loop3A_118 = arith.constant 0 : i32
    %parallel_loop3A_119 = arith.constant 800 : i32
    %parallel_loop3A_120 = arith.constant 1 : i32
    scf.for %parallel_loop3A_147 = %parallel_loop3A_118 to %parallel_loop3A_119 step %parallel_loop3A_120  : i32 {
      %parallel_loop3A_148 = arith.constant 4 : i32
      %parallel_loop3A_149 = arith.divsi %parallel_loop3A_147, %parallel_loop3A_148 : i32
      %parallel_loop3A_150 = arith.constant 0 : i32
      %parallel_loop3A_151 = arith.cmpi sgt, %parallel_loop3A_147, %parallel_loop3A_150 : i32
      %parallel_loop3A_152 = arith.extui %parallel_loop3A_151 : i1 to i32
      %parallel_loop3A_153 = arith.constant 0 : i32
      %parallel_loop3A_154 = arith.cmpi slt, %parallel_loop3A_147, %parallel_loop3A_153 : i32
      %parallel_loop3A_155 = arith.extui %parallel_loop3A_154 : i1 to i32
      %parallel_loop3A_156 = arith.subi %parallel_loop3A_152, %parallel_loop3A_155 : i32
      %parallel_loop3A_157 = arith.constant 0 : i32
      %parallel_loop3A_158 = arith.cmpi sgt, %parallel_loop3A_148, %parallel_loop3A_157 : i32
      %parallel_loop3A_159 = arith.extui %parallel_loop3A_158 : i1 to i32
      %parallel_loop3A_160 = arith.constant 0 : i32
      %parallel_loop3A_161 = arith.cmpi slt, %parallel_loop3A_148, %parallel_loop3A_160 : i32
      %parallel_loop3A_162 = arith.extui %parallel_loop3A_161 : i1 to i32
      %parallel_loop3A_163 = arith.subi %parallel_loop3A_159, %parallel_loop3A_162 : i32
      %parallel_loop3A_164 = arith.cmpi ne, %parallel_loop3A_156, %parallel_loop3A_163 : i32
      %parallel_loop3A_165 = arith.remsi %parallel_loop3A_147, %parallel_loop3A_148 : i32
      %parallel_loop3A_166 = arith.constant 0 : i32
      %parallel_loop3A_167 = arith.cmpi ne, %parallel_loop3A_165, %parallel_loop3A_166 : i32
      %parallel_loop3A_168 = arith.andi %parallel_loop3A_164, %parallel_loop3A_167 : i1
      %parallel_loop3A_169 = arith.constant 1 : i32
      %parallel_loop3A_170 = arith.subi %parallel_loop3A_149, %parallel_loop3A_169 : i32
      %parallel_loop3A_171 = arith.select %parallel_loop3A_168, %parallel_loop3A_170, %parallel_loop3A_149 : i32
      %parallel_loop3A_172 = arith.constant 4 : i32
      %parallel_loop3A_173 = arith.constant 0 : i32
      %parallel_loop3A_174 = arith.cmpi eq, %parallel_loop3A_172, %parallel_loop3A_173 : i32
      %parallel_loop3A_175 = arith.constant 1 : i32
      %parallel_loop3A_176 = arith.select %parallel_loop3A_174, %parallel_loop3A_175, %parallel_loop3A_172 : i32
      %parallel_loop3A_177 = arith.remsi %parallel_loop3A_147, %parallel_loop3A_176 : i32
      %parallel_loop3A_178 = arith.constant 0 : i32
      %parallel_loop3A_179 = arith.cmpi ne, %parallel_loop3A_177, %parallel_loop3A_178 : i32
      %parallel_loop3A_180 = arith.constant 0 : i32
      %parallel_loop3A_181 = arith.cmpi slt, %parallel_loop3A_177, %parallel_loop3A_180 : i32
      %parallel_loop3A_182 = arith.constant 0 : i32
      %parallel_loop3A_183 = arith.cmpi slt, %parallel_loop3A_176, %parallel_loop3A_182 : i32
      %parallel_loop3A_184 = arith.xori %parallel_loop3A_181, %parallel_loop3A_183 : i1
      %parallel_loop3A_185 = arith.andi %parallel_loop3A_184, %parallel_loop3A_179 : i1
      %parallel_loop3A_186 = arith.addi %parallel_loop3A_177, %parallel_loop3A_176 : i32
      %parallel_loop3A_187 = arith.select %parallel_loop3A_185, %parallel_loop3A_186, %parallel_loop3A_177 : i32
      %parallel_loop3A_188 = arith.constant 16 : i32
      %parallel_loop3A_189 = arith.muli %parallel_loop3A_187, %parallel_loop3A_188 : i32
      %parallel_loop3A_190 = arith.constant 200 : i32
      %parallel_loop3A_191 = arith.muli %parallel_loop3A_189, %parallel_loop3A_190 : i32
      %parallel_loop3A_192 = arith.addi %parallel_loop3A_191, %parallel_loop3A_171 : i32
      %parallel_loop3A_193 = vector.broadcast %parallel_loop3A_192 : i32 to vector<16xi32>
      %parallel_loop3A_194 = arith.addi %mul3A_5, %parallel_loop3A_193 : vector<16xi32>
      %parallel_loop3A_195 = tpu.vector_load_idx %arg9[%parallel_loop3A_194] : memref<12800xi32, #tpu.memory_space<vmem>>[vector<16xi32>], vector<16xi32>,
      %parallel_loop3A_196 = arith.constant 255 : i32
      %parallel_loop3A_197 = vector.broadcast %parallel_loop3A_196 : i32 to vector<16xi32>
      %parallel_loop3A_198 = arith.andi %parallel_loop3A_195, %parallel_loop3A_197 : vector<16xi32>
      %parallel_loop3A_199 = arith.constant 16 : i32
      %parallel_loop3A_200 = vector.broadcast %parallel_loop3A_199 : i32 to vector<16xi32>
      %parallel_loop3A_201 = arith.muli %parallel_loop3A_198, %parallel_loop3A_200 : vector<16xi32>
      %parallel_loop3A_202 = arith.addi %parallel_loop3A_201, %iota3A : vector<16xi32>
      %parallel_loop3A_203 = tpu.vector_load_idx %arg7[%parallel_loop3A_202] : memref<4096xf32, #tpu.memory_space<vmem>>[vector<16xi32>], vector<16xf32>,
      %parallel_loop3A_204 = arith.constant 16 : i32
      %parallel_loop3A_205 = arith.muli %parallel_loop3A_187, %parallel_loop3A_204 : i32
      %parallel_loop3A_206 = arith.constant 64 : i32
      %parallel_loop3A_207 = arith.addi %parallel_loop3A_206, %parallel_loop3A_205 : i32
      %parallel_loop3A_208 = arith.index_cast %parallel_loop3A_171 : i32 to index
      %parallel_loop3A_209 = arith.index_cast %parallel_loop3A_207 : i32 to index
      %parallel_loop3A_210 = tpu.vector_load %arg11[%parallel_loop3A_208, %parallel_loop3A_209] {strides = array<i32>} : memref<200x128xf32, #tpu.memory_space<vmem>>, vector<16xf32>,
      tpu.vector_store %arg11[%parallel_loop3A_208, %parallel_loop3A_209], %parallel_loop3A_203 {strides = array<i32>} : memref<200x128xf32, #tpu.memory_space<vmem>>, vector<16xf32>,
      %parallel_loop3A_211 = tpu.vector_load_idx %arg8[%parallel_loop3A_202] : memref<4096xf32, #tpu.memory_space<vmem>>[vector<16xi32>], vector<16xf32>,
      %parallel_loop3A_212 = arith.constant 16 : i32
      %parallel_loop3A_213 = arith.muli %parallel_loop3A_187, %parallel_loop3A_212 : i32
      %parallel_loop3A_214 = arith.constant 64 : i32
      %parallel_loop3A_215 = arith.addi %parallel_loop3A_214, %parallel_loop3A_213 : i32
      %parallel_loop3A_216 = arith.index_cast %parallel_loop3A_171 : i32 to index
      %parallel_loop3A_217 = arith.index_cast %parallel_loop3A_215 : i32 to index
      %parallel_loop3A_218 = tpu.vector_load %arg13[%parallel_loop3A_216, %parallel_loop3A_217] {strides = array<i32>} : memref<200x128xf32, #tpu.memory_space<vmem>>, vector<16xf32>,
      tpu.vector_store %arg13[%parallel_loop3A_216, %parallel_loop3A_217], %parallel_loop3A_211 {strides = array<i32>} : memref<200x128xf32, #tpu.memory_space<vmem>>, vector<16xf32>,
    } {sc.loop_unroll_factor = 16 : i64, sc.parallel_access}
    %add3A_121 = arith.constant 384 : i32
    %add3A_122 = arith.addi %mul3A_2, %add3A_121 : i32
    %dma_start3A_123 = arith.constant 0 : i32
    %dma_start3A_124 = tpu.memref_slice %arg5[%dma_start3A_123, %add3A_122] : memref<200x16384xf32, #tpu.memory_space<hbm>> -> memref<200x128xf32, #tpu.memory_space<hbm>>
    %dma_start3A_125 = arith.constant 0 : i32
    %dma_start3A_126 = tpu.memref_slice %arg5[%dma_start3A_125, %add3A_122] : memref<200x16384xf32, #tpu.memory_space<hbm>> -> memref<200x128xf32, #tpu.memory_space<hbm>>
    tpu.enqueue_dma source(%arg11 : memref<200x128xf32, #tpu.memory_space<vmem>>) target(%dma_start3A_126 : memref<200x128xf32, #tpu.memory_space<hbm>>) target_semaphore(%arg15 : memref<!tpu.dma_semaphore, #tpu.memory_space<semaphore_mem>>)
    %dma_start3A_127 = arith.constant 0 : i32
    %dma_start3A_128 = tpu.memref_slice %arg6[%dma_start3A_127, %add3A_122] : memref<200x16384xf32, #tpu.memory_space<hbm>> -> memref<200x128xf32, #tpu.memory_space<hbm>>
    %dma_start3A_129 = arith.constant 0 : i32
    %dma_start3A_130 = tpu.memref_slice %arg6[%dma_start3A_129, %add3A_122] : memref<200x16384xf32, #tpu.memory_space<hbm>> -> memref<200x128xf32, #tpu.memory_space<hbm>>
    tpu.enqueue_dma source(%arg13 : memref<200x128xf32, #tpu.memory_space<vmem>>) target(%dma_start3A_130 : memref<200x128xf32, #tpu.memory_space<hbm>>) target_semaphore(%arg15 : memref<!tpu.dma_semaphore, #tpu.memory_space<semaphore_mem>>)
    %dma_wait3A_131 = arith.constant 0 : i32
    %dma_wait3A_132 = tpu.memref_slice %arg5[%dma_wait3A_131, %add3A_86] : memref<200x16384xf32, #tpu.memory_space<hbm>> -> memref<200x128xf32, #tpu.memory_space<hbm>>
    %dma_wait3A_133 = arith.constant 0 : i32
    %dma_wait3A_134 = tpu.memref_slice %arg5[%dma_wait3A_133, %add3A_86] : memref<200x16384xf32, #tpu.memory_space<hbm>> -> memref<200x128xf32, #tpu.memory_space<hbm>>
    tpu.wait_dma2 semaphore(%arg14 : memref<!tpu.dma_semaphore, #tpu.memory_space<semaphore_mem>>) src(%arg10 : memref<200x128xf32, #tpu.memory_space<vmem>>) dst(%dma_wait3A_134 : memref<200x128xf32, #tpu.memory_space<hbm>>)
    %dma_wait3A_135 = arith.constant 0 : i32
    %dma_wait3A_136 = tpu.memref_slice %arg6[%dma_wait3A_135, %add3A_86] : memref<200x16384xf32, #tpu.memory_space<hbm>> -> memref<200x128xf32, #tpu.memory_space<hbm>>
    %dma_wait3A_137 = arith.constant 0 : i32
    %dma_wait3A_138 = tpu.memref_slice %arg6[%dma_wait3A_137, %add3A_86] : memref<200x16384xf32, #tpu.memory_space<hbm>> -> memref<200x128xf32, #tpu.memory_space<hbm>>
    tpu.wait_dma2 semaphore(%arg14 : memref<!tpu.dma_semaphore, #tpu.memory_space<semaphore_mem>>) src(%arg12 : memref<200x128xf32, #tpu.memory_space<vmem>>) dst(%dma_wait3A_138 : memref<200x128xf32, #tpu.memory_space<hbm>>)
    %dma_wait3A_139 = arith.constant 0 : i32
    %dma_wait3A_140 = tpu.memref_slice %arg5[%dma_wait3A_139, %add3A_122] : memref<200x16384xf32, #tpu.memory_space<hbm>> -> memref<200x128xf32, #tpu.memory_space<hbm>>
    %dma_wait3A_141 = arith.constant 0 : i32
    %dma_wait3A_142 = tpu.memref_slice %arg5[%dma_wait3A_141, %add3A_122] : memref<200x16384xf32, #tpu.memory_space<hbm>> -> memref<200x128xf32, #tpu.memory_space<hbm>>
    tpu.wait_dma2 semaphore(%arg15 : memref<!tpu.dma_semaphore, #tpu.memory_space<semaphore_mem>>) src(%arg11 : memref<200x128xf32, #tpu.memory_space<vmem>>) dst(%dma_wait3A_142 : memref<200x128xf32, #tpu.memory_space<hbm>>)
    %dma_wait3A_143 = arith.constant 0 : i32
    %dma_wait3A_144 = tpu.memref_slice %arg6[%dma_wait3A_143, %add3A_122] : memref<200x16384xf32, #tpu.memory_space<hbm>> -> memref<200x128xf32, #tpu.memory_space<hbm>>
    %dma_wait3A_145 = arith.constant 0 : i32
    %dma_wait3A_146 = tpu.memref_slice %arg6[%dma_wait3A_145, %add3A_122] : memref<200x16384xf32, #tpu.memory_space<hbm>> -> memref<200x128xf32, #tpu.memory_space<hbm>>
    tpu.wait_dma2 semaphore(%arg15 : memref<!tpu.dma_semaphore, #tpu.memory_space<semaphore_mem>>) src(%arg13 : memref<200x128xf32, #tpu.memory_space<vmem>>) dst(%dma_wait3A_146 : memref<200x128xf32, #tpu.memory_space<hbm>>)
    return
  }
}

</mosaic_0001>

<sc_bundles>
// kernel: kernel.3.cloned.1.call-start
scs
__scs_entry_jumppad:
0x0: {  	(pc) =	sbr.rel $0x88, $3  }
0x1: {  	(tag) =	ssettag $0x0;
	lr =	simm.s32 $0x1  }
0x2: {  	[smem:$0x3F9F] =	sst lr;
	_ =	strace $0xD0000000  }
0x3: {  	_ = 	snop  }
0x4: {  	_ = 	snop  }
0x5: {  	_ = 	snop  }
0x6: {  	_ = 	snop  }
0x7: {  	_ = 	snop  }
__scs_overlays_trampoline_lowered:
0x8: {  	[smem:$0x3FAE] =	sst s0  }
0x9: {  	[smem:$0x3FAF] =	sst s1  }
0xa: {  	[smem:$0x3FB0] =	sst s2  }
0xb: {  	[smem:$0x3FB1] =	sst s3  }
0xc: {  	[smem:$0x3FB2] =	sst s4  }
0xd: {  	[smem:$0x3FB3] =	sst s5  }
0xe: {  	[smem:$0x3FB4] =	sst s6  }
0xf: {  	[smem:$0x3FB5] =	sst s7  }
0x10: {  	[smem:$0x3FB6] =	sst s8  }
0x11: {  	[smem:$0x3FB7] =	sst s9;
	s0 =	simm.s32 @!p0 $0x0  }
0x12: {  	s1 =	sld [smem:$0x3F9D];
	s0 =	simm.s32 @p0 $0x1  }
0x13: {  	[smem:$0x3FB8] =	sst s0;
	s0 =	simm.s32 @!p1 $0x0  }
0x14: {  	s2 =	sld [smem:$0x3F9C];
	s0 =	simm.s32 @p1 $0x1  }
0x15: {  	[smem:$0x3FB9] =	sst s0;
	s0 =	simm.s32 @!p2 $0x0  }
0x16: {  	s3 =	sld [smem:$0x3FDB];
	s0 =	simm.s32 @p2 $0x1  }
0x17: {  	s4 =	simm.s32 $0x1BF5;
	[smem:$0x3FBB] =	sst s0  }
0x18: {  	s0 =	sld [smem:$0x3F9E];
	_ =	swait.ge [sflag:s4], $0x0  }
0x19: {  	s7 =	sld [smem:$0x3F9F]  }
0x1a: {  	s8 =	sadd.s32 $0xFFFFE003, lr  }
0x1b: {  	s9 =	sadd.s32 $0xFFFFFEF7, lr;
	s5 =	simm.s32 $0xFFFFFFFF;
	p2 =	slt.u32 s8, $0xFFFFF086  }
0x1c: {  	p1 =	slt.u32 s9, $0xF7A;
	s5 =	simm.s32 @!p2 $0x0  }
0x1d: {  	s5 =	simm.s32 @p1 $0x1;
	p0 =	seq.s32 s7, s2  }
0x1e: {  	s7 =	smul.u32 @!p0 $0xF7A, s2;
	p2 =	seq.s32 @!p0 s5, $0x0  }
0x1f: {  	s9 =	smul.u32 $0xF7A, s1;
	s8 =	simm.s32 @!p0 $0x1BF5;
	p2 =	por !p2, p0  }
0x20: {  	[sflag:s8] =	ssyncset.s32 @!p0 $0xFFFFF086;
	s6 =	sadd.s32 @!p0 s3, s7;
	s7 =	simm.s32 @!p0 $0x108  }
0x21: {  	s3 =	sadd.s32 s3, s9;
	s6 =	sadd.s32 @!p0 $0x88, s6;
	s7 =	simm.s32 @p2 $0x1082  }
0x22: {  	[simem:s7], [sflag:s8] =	dma.local @!p0 [hbm:s6], $0xF7A  }
0x23: {  	s9 =	sor.u32 $0xD0000000, s2;
	s6 =	simm.s32 $0x108;
	_ =	swait.ge @!p0 [sflag:s8], $0x0  }
0x24: {  	s3 =	sadd.s32 $0x88, s3;
	s6 =	simm.s32 @!p1 $0x1082;
	[sflag:s4] =	ssyncset.s32 $0xFFFFF086  }
0x25: {  	[simem:s6], [sflag:s4] =	dma.local [hbm:s3], $0xF7A  }
0x26: {  	[smem:$0x3F9F] =	sst s1;
	(tag) =	ssettag s2;
	_ =	strace s9  }
0x27: {  	s1 =	sld [smem:$0x3FAF]  }
0x28: {  	s2 =	sld [smem:$0x3FB0]  }
0x29: {  	s4 =	sld [smem:$0x3FB2]  }
0x2a: {  	p0 =	seq.s32 s5, $0x0;
	s5 =	sld [smem:$0x3FB3]  }
0x2b: {  	s6 =	sld [smem:$0x3FB4]  }
0x2c: {  	s7 =	sld [smem:$0x3FB5]  }
0x2d: {  	s3 =	simm.s32 $0x108;
	s8 =	sld [smem:$0x3FB6]  }
0x2e: {  	s3 =	simm.s32 @!p0 $0x1082;
	s9 =	sld [smem:$0x3FB7]  }
0x2f: {  	lr =	sadd.s32 s0, s3;
	s0 =	sld [smem:$0x3FAE]  }
0x30: {  	s3 =	sld [smem:$0x3FB1]  }
0x31: {  	[smem:$0x3FBA] =	sst s10  }
0x32: {  	s10 =	sld [smem:$0x3FB8];
	_ =	sdelay $0x3  }
0x33: {  	p0 =	seq.s32 s10, $0x1;
	s10 =	sld [smem:$0x3FBA];
	_ =	sdelay $0x3  }
0x34: {  	[smem:$0x3FBA] =	sst s10  }
0x35: {  	s10 =	sld [smem:$0x3FB9];
	_ =	sdelay $0x3  }
0x36: {  	p1 =	seq.s32 s10, $0x1;
	s10 =	sld [smem:$0x3FBA];
	_ =	sdelay $0x3  }
0x37: {  	[smem:$0x3FBA] =	sst s10  }
0x38: {  	s10 =	sld [smem:$0x3FBB]  }
0x39: {  	_ = 	snop;
	(pc) =	sbr.ind lr, $3  }
0x3a: {  	_ = 	snop  }
0x3b: {  	_ = 	snop  }
0x3c: {  	p2 =	seq.s32 s10, $0x1;
	s10 =	sld [smem:$0x3FBA]  }
0x3d: {  	_ =	shalt  }
0x3e: {  	_ =	shalt  }
0x3f: {  	_ =	shalt  }
0x40: {  	_ =	shalt  }
0x41: {  	_ =	shalt  }
0x42: {  	_ =	shalt  }
0x43: {  	_ =	shalt  }
0x44: {  	_ =	shalt  }
0x45: {  	_ =	shalt  }
0x46: {  	_ =	shalt  }
0x47: {  	_ =	shalt  }
0x48: {  	_ =	shalt  }
0x49: {  	_ =	shalt  }
0x4a: {  	_ =	shalt  }
0x4b: {  	_ =	shalt  }
0x4c: {  	_ =	shalt  }
0x4d: {  	_ =	shalt  }
0x4e: {  	_ =	shalt  }
0x4f: {  	_ =	shalt  }
0x50: {  	_ =	shalt  }
0x51: {  	_ =	shalt  }
0x52: {  	_ =	shalt  }
0x53: {  	_ =	shalt  }
0x54: {  	_ =	shalt  }
0x55: {  	_ =	shalt  }
0x56: {  	_ =	shalt  }
0x57: {  	_ =	shalt  }
0x58: {  	_ =	shalt  }
0x59: {  	_ =	shalt  }
0x5a: {  	_ =	shalt  }
0x5b: {  	_ =	shalt  }
0x5c: {  	_ =	shalt  }
0x5d: {  	_ =	shalt  }
0x5e: {  	_ =	shalt  }
0x5f: {  	_ =	shalt  }
0x60: {  	_ =	shalt  }
0x61: {  	_ =	shalt  }
0x62: {  	_ =	shalt  }
0x63: {  	_ =	shalt  }
0x64: {  	_ =	shalt  }
0x65: {  	_ =	shalt  }
0x66: {  	_ =	shalt  }
0x67: {  	_ =	shalt  }
0x68: {  	_ =	shalt  }
0x69: {  	_ =	shalt  }
0x6a: {  	_ =	shalt  }
0x6b: {  	_ =	shalt  }
0x6c: {  	_ =	shalt  }
0x6d: {  	_ =	shalt  }
0x6e: {  	_ =	shalt  }
0x6f: {  	_ =	shalt  }
0x70: {  	_ =	shalt  }
0x71: {  	_ =	shalt  }
0x72: {  	_ =	shalt  }
0x73: {  	_ =	shalt  }
0x74: {  	_ =	shalt  }
0x75: {  	_ =	shalt  }
0x76: {  	_ =	shalt  }
0x77: {  	_ =	shalt  }
0x78: {  	_ =	shalt  }
0x79: {  	_ =	shalt  }
0x7a: {  	_ =	shalt  }
0x7b: {  	_ =	shalt  }
0x7c: {  	_ =	shalt  }
0x7d: {  	_ =	shalt  }
0x7e: {  	_ =	shalt  }
0x7f: {  	_ =	shalt  }
0x80: {  	_ =	shalt  }
0x81: {  	_ =	shalt  }
0x82: {  	_ =	shalt  }
0x83: {  	_ =	shalt  }
0x84: {  	_ =	shalt  }
0x85: {  	_ =	shalt  }
0x86: {  	_ =	shalt  }
0x87: {  	_ =	shalt  }
.Lfunc_end0:
.L_simem_size_0:
called_computation_lowered:
.L_overlay_start_0:
0x88: {  	s2 =	sld [smem:$0x3FD9]  }
0x89: {  	s3 =	sld [smem:$0x3FFE];
	_ =	sdelay $0x1  }
0x8a: {  	s1 =	srdreg.scid  }
0x8b: {  	s0 =	sand.u32 $0x1, s1  }
0x8c: {  	s17 =	sshll.u32 s0, $0xA;
	s2 =	sadd.s32 s3, s2  }
0x8d: {  	s2 =	sadd.s32 s2, s17  }
0x8e: {  	[smem:$0x3FC6] =	sst s2  }
0x8f: {  	_ = 	snop  }
0x90: {  	s2 =	sld [smem:$0x3FD0];
	(tm) =	ssettm $0x1  }
0x91: {  	s18 =	sld [smem:$0x3FFB];
	_ =	sdelay $0x3  }
0x92: {  	_ =	strace s18  }
0x93: {  	s3 =	sld [smem:$0x3FFC];
	_ =	sdelay $0x3  }
0x94: {  	_ =	strace s3  }
0x95: {  	s3 =	sld [smem:$0x3FFD];
	_ =	sdelay $0x3  }
0x96: {  	_ =	strace s3  }
0x97: {  	_ =	strace $0x8FFFFFFF  }
0x98: {  	s19 =	sld [smem:$0x3FDB];
	_ =	sdelay $0x1  }
0x99: {  	s4 =	simm.s32 $_scs_section_size  }
0x9a: {  	s5 =	simm.s32 $_size__tile_overlayer_lowered;
	s6 =	simm.s32 $_tile_overlayer_lowered  }
0x9b: {  	s22 =	simm.s32 $0x1BFF;
	s21 =	sshll.u32 s6, $0x1;
	s3 =	sadd.s32 s4, s19  }
0x9c: {  	s7 =	simm.s32 $0x0;
	s20 =	sshll.u32 s5, $0x1;
	s5 =	sadd.s32 s21, s3  }
0x9d: {  	[timem:s7], [sflag:s22] =	dma.local [hbm:s5], s20  }
0x9e: {  	_ =	swait.ge [sflag:s22], s20  }
0x9f: {  	s4 =	ssub.s32 $0x0, s20;
	[sflag:s22] =	ssyncset.done $0x0  }
0xa0: {  	[sflag:s22] =	ssyncadd.s32 s4;
	_ =	sdelay $0x1  }
0xa1: {  	s23 =	simm.s32 $0x1B8B  }
0xa2: {  	_ =	swait.ge [sflag:s23], $0x1  }
0xa3: {  	[sflag:s23] =	ssyncset.done $0x0  }
0xa4: {  	s25 =	simm.s32 $0x1B8E;
	s24 =	sld [smem:$0x3FFE];
	[sflag:s23] =	ssyncadd.s32 $0xFFFFFFFF  }
0xa5: {  	s26 =	simm.s32 $execute0_lowered;
	[smem:$0x3FD2] =	sst s25  }
0xa6: {  	s5 =	sshll.u32 s26, $0x1;
	_ =	strace $0x80000046;
	[dreg:$0x1] =	wrdreg $0xFFFFFFFF  }
0xa7: {  	s28 =	simm.s32 $_size_execute0_lowered;
	s3 =	sadd.s32 s3, s5;
	[dreg:$0x0] =	wrdreg $0x0  }
0xa8: {  	s5 =	sshll.u32 s28, $0x1;
	[dreg:$0x2] =	wrdreg s3  }
0xa9: {  	[dreg:$0x3] =	wrdreg s5  }
0xaa: {  	[dreg:$0x4] =	wrdreg $0xC0  }
0xab: {  	_ =	task [dreg:s7], $0x5FFFF  }
0xac: {  	[dreg:$0x1] =	wrdreg $0xFFFFFFFF  }
0xad: {  	[dreg:$0x0] =	wrdreg $0x60  }
0xae: {  	[dreg:$0x2] =	wrdreg s24  }
0xaf: {  	[dreg:$0x3] =	wrdreg s2  }
0xb0: {  	[dreg:$0x4] =	wrdreg $0x9  }
0xb1: {  	_ =	task.clear_ibuf [dreg:s7], $0x5FFFF;
	_ =	strace $0x90000046  }
0xb2: {  	s29 =	simm.s32 $0x9;
	_ =	strace $0x80000048  }
0xb3: {  	_ =	swait.ge [sflag:s29], $0x1  }
0xb4: {  	[sflag:s29] =	ssyncadd.s32 $0xFFFFFFFF  }
0xb5: {  	_ =	strace $0x90000048  }
0xb6: {  	_ =	sfence  }
0xb7: {  	s30 =	sld [smem:$0x0];
	_ =	sdelay $0x2  }
0xb8: {  	s31 =	sshll.u32 s1, $0xD;
	s1 =	sshrl.u32 s1, $0x2  }
0xb9: {  	s3 =	sand.u32 $0x4000, s31;
	s1 =	sadd.s32 s1, s30  }
0xba: {  	s0 =	sor.u32 s3, s0;
	s1 =	sshll.u32 s1, $0x11  }
0xbb: {  	s0 =	sor.u32 s1, s0  }
0xbc: {  	s0 =	sadd.s32 $0x8F2B, s0  }
0xbd: {  	[sflag:s0] =	ssyncadd.remote.s32 $0x1  }
0xbe: {  	_ =	sfence.sel $0xFFFF  }
0xbf: {  	[dreg:$0x0] =	wrdreg $0xFFFFFFFF;
	(pc) =	sbr.abs _section_cstart, $3  }
0xc0: {  	[dreg:$0x1] =	wrdreg $0xFFFFFFFF  }
0xc1: {  	_ =	task.clear_ibuf [dreg:s7], $0x2FFFF;
	_ =	strace $0x9FFFFFFF  }
0xc2: {  	(tm) =	ssettm $0x7FFFFFFF  }
0xc3: {  	_ =	shalt  }
tec
execute0_lowered:
.L_overlay_start_1:
0x0: {  	(tag) =	ssettag $0x1  }
0x1: {  	s0 =	rddreg [dreg:$0x0]  }
0x2: {  	s1 =	rddreg [dreg:$0x1];
	s2 =	simm.s32 $0x0;
	s3 =	srdreg.scid  }
0x3: {  	s4 =	stileid.u32;
	s22 =	simm.s32 $0x3;
	s23 =	simm.s32 $0x1000  }
0x4: {  	s24 =	simm.s32 $0x2000;
	s28 =	simm.s32 $0x0;
	[smem:$0x7FF] =	sst s2  }
0x5: {  	s3 =	sand.u32 $0x1, s3;
	s5 =	sshll.u32 s4, $0x1;
	s25 =	sadd.s32 $0x800, s0  }
0x6: {  	s26 =	sadd.s32 $0xA00, s0;
	_ =	strace $0x80000047;
	[dreg:$0x3] =	wrdreg s25  }
0x7: {  	s19 =	sadd.s32 $0xC00, s0;
	s0 =	sadd.s32 $0x64C00, s0;
	[dreg:$0x4] =	wrdreg s26  }
0x8: {  	s5 =	sor.u32 s3, s5;
	s3 =	ssub.s32 $0x2, s3;
	s25 =	simm.s32 $0x400  }
0x9: {  	s26 =	simm.s32 $0x20000;
	s6 =	smul.u32 $0x19000, s5;
	s11 =	sshll.u32 s5, $0x9  }
0xa: {  	s7 =	sshrl.u32 s3, $0x1;
	s5 =	smul.u32 $0x3200, s5;
	s12 =	sor.u32 $0x80, s11  }
0xb: {  	s3 =	ssub.s32 s3, s7;
	s31 =	sadd.s32 s19, s11;
	s8 =	sadd.s32 s0, s11  }
0xc: {  	s16 =	sor.u32 $0x100, s11;
	s20 =	sor.u32 $0x180, s11;
	s6 =	sshrl.u32 s6, $0x3  }
0xd: {  	s9 =	smul.u32 $0x19, s12;
	s29 =	sadd.s32 s1, s5;
	[dreg:$0x7] =	wrdreg s31  }
0xe: {  	s13 =	smul.u32 $0x19, s16;
	s11 =	sadd.s32 s19, s12;
	s12 =	sadd.s32 s0, s12  }
0xf: {  	s17 =	smul.u32 $0x19, s20;
	s15 =	sadd.s32 s19, s16;
	s16 =	sadd.s32 s0, s16  }
0x10: {  	s19 =	sadd.s32 s19, s20;
	s20 =	sadd.s32 s0, s20;
	s21 =	smax.u32 s3, $0x1  }
0x11: {  	s0 =	simm.s32 $0x1;
	s18 =	sadd.s32 s1, s6;
	[dreg:$0x5] =	wrdreg s29  }
0x12: {  	v0 =	vlaneseq.u32;
	s30 =	sadd.s32 $0x640, s18;
	s9 =	sadd.s32 s1, s9;
	s10 =	sadd.s32 $0x12C0, s18  }
0x13: {  	v1 =	vmul.u32 $0xC8, v0;
	s13 =	sadd.s32 s1, s13;
	s14 =	sadd.s32 $0x1F40, s18;
	s17 =	sadd.s32 s1, s17  }
0x14: {  	s18 =	sadd.s32 $0x2BC0, s18;
	s1 =	simm.s32 $0x2;
	[dreg:$0x6] =	wrdreg s30  }
.LBB2_1:
0x15: {  	s3 =	rddreg [dreg:$0x3]  }
0x16: {  	[tilespmem:s2], [sflag:$0x3] =	stream.linear.gather [hbm4b:s3+s2], $0x1000, $0x38;
	[tilespmem:$0x1E200] =	vst v63  }
0x17: {  	_ =	swait.ge [sflag:s22], $0x1000  }
0x18: {  	[sflag:s22] =	ssyncset.done $0x0  }
0x19: {  	s7 =	rddreg [dreg:$0x4];
	[sflag:s22] =	ssyncadd.s32 $0xFFFFF000  }
0x1a: {  	[tilespmem:s23], [sflag:$0x3] =	stream.linear.gather [hbm4b:s7+s2], $0x1000, $0x38;
	[tilespmem:$0x1E200] =	vst v63  }
0x1b: {  	_ =	swait.ge [sflag:s22], $0x1000  }
0x1c: {  	s5 =	simm.s32 $0x2583;
	s29 =	simm.s32 $0x1903;
	[sflag:s22] =	ssyncset.done $0x0  }
0x1d: {  	s6 =	simm.s32 $0xC80;
	v2 =	vadd.s32 s5, v1;
	s4 =	rddreg [dreg:$0x5];
	[sflag:s22] =	ssyncadd.s32 $0xFFFFF000  }
0x1e: {  	v3 =	vadd.s32 s29, v1;
	[tilespmem:s24], [sflag:$0x3] =	stream.linear.gather [hbm4b:s4+s2], $0x3200, $0x38;
	[tilespmem:$0x1E200] =	vst v63  }
0x1f: {  	v4 =	vadd.s32 s6, v1;
	s7 =	simm.s32 $0x1900;
	_ =	swait.ge [sflag:s22], $0x3200  }
0x20: {  	s29 =	simm.s32 $0x2580;
	v5 =	vadd.s32 s7, v1;
	[sflag:s22] =	ssyncset.done $0x0  }
0x21: {  	s6 =	simm.s32 $0x1901;
	v6 =	vadd.s32 s29, v1;
	[sflag:s22] =	ssyncadd.s32 $0xFFFFCE00  }
0x22: {  	v10 =	vadd.s32 s6, v1;
	s7 =	simm.s32 $0x2581;
	v2 =	vld.idx.msk [tilespmem:v2+s24+$0x0], $0xffff  }
0x23: {  	s5 =	simm.s32 $0x0;
	v11 =	vadd.s32 s7, v1;
	v3 =	vld.idx.msk [tilespmem:v3+s24+$0x0], $0xffff  }
0x24: {  	s29 =	simm.s32 $0xC81;
	v8 =	vadd.s32 s5, v1;
	v4 =	vld.idx.msk [tilespmem:v4+s24+$0x0], $0xffff  }
0x25: {  	v9 =	vadd.s32 s29, v1;
	s29 =	simm.s32 $0x2;
	v5 =	vld.idx.msk [tilespmem:v5+s24+$0x0], $0xffff  }
0x26: {  	v12 =	vadd.s32 s29, v1;
	s7 =	simm.s32 $0xC83;
	v6 =	vld.idx.msk [tilespmem:v6+s24+$0x0], $0xffff  }
0x27: {  	v17 =	vadd.s32 s7, v1;
	s4 =	simm.s32 $0x1;
	v10 =	vld.idx.msk [tilespmem:v10+s24+$0x0], $0xffff  }
0x28: {  	v7 =	vadd.s32 s4, v1;
	s4 =	simm.s32 $0xC82;
	v11 =	vld.idx.msk [tilespmem:v11+s24+$0x0], $0xffff  }
0x29: {  	s5 =	simm.s32 $0x1902;
	s6 =	simm.s32 $0x3;
	s29 =	simm.s32 $0x2582;
	v13 =	vadd.s32 s4, v1;
	v8 =	vld.idx.msk [tilespmem:v8+s24+$0x0], $0xffff  }
0x2a: {  	v14 =	vadd.s32 s5, v1;
	v16 =	vadd.s32 s6, v1;
	v15 =	vadd.s32 s29, v1;
	v9 =	vld.idx.msk [tilespmem:v9+s24+$0x0], $0xffff  }
0x2b: {  	v12 =	vld.idx.msk [tilespmem:v12+s24+$0x0], $0xffff;
	v3 =	vshll.u32 v3, $0x4;
	v4 =	vshll.u32 v4, $0x4;
	v5 =	vshll.u32 v5, $0x4  }
0x2c: {  	v57 =	vld.idx.msk [tilespmem:v17+s24+$0x0], $0xffff;
	v6 =	vshll.u32 v6, $0x4;
	v10 =	vshll.u32 v10, $0x4;
	v3 =	vor.u32 v0, v3  }
0x2d: {  	v7 =	vld.idx.msk [tilespmem:v7+s24+$0x0], $0xffff;
	v11 =	vshll.u32 v11, $0x4;
	v4 =	vor.u32 v0, v4;
	v3 =	vand.u32 $0xFFF, v3  }
0x2e: {  	v13 =	vld.idx.msk [tilespmem:v13+s24+$0x0], $0xffff;
	v6 =	vor.u32 v0, v6;
	v10 =	vor.u32 v0, v10;
	v18 =	vand.u32 $0xFFF, v4  }
0x2f: {  	v4 =	vor.u32 v0, v5;
	v5 =	vshll.u32 v8, $0x4;
	v8 =	vld.idx.msk [tilespmem:v14+s24+$0x0], $0xffff;
	v19 =	vand.u32 $0xFFF, v6  }
0x30: {  	v11 =	vor.u32 v0, v11;
	v6 =	vld.idx.msk [tilespmem:v16+s24+$0x0], $0xffff;
	v10 =	vand.u32 $0xFFF, v10  }
0x31: {  	v22 =	vand.u32 $0xFFF, v11;
	v14 =	vand.u32 $0xFFF, v4;
	v4 =	vor.u32 v0, v5;
	v5 =	vld.idx.msk [tilespmem:v15+s24+$0x0], $0xffff  }
0x32: {  	v9 =	vshll.u32 v9, $0x4;
	v15 =	vand.u32 $0xFFF, v4;
	v4 =	vld.idx.msk [tilespmem:v3+s2+$0x0], $0xffff  }
0x33: {  	v12 =	vshll.u32 v12, $0x4;
	v9 =	vor.u32 v0, v9;
	v58 =	vld.idx.msk [tilespmem:v18+s2+$0x0], $0xffff  }
0x34: {  	v9 =	vand.u32 $0xFFF, v9;
	v11 =	vor.u32 v0, v12;
	v12 =	vshll.u32 v13, $0x4;
	v13 =	vld.idx.msk [tilespmem:v19+s2+$0x0], $0xffff  }
0x35: {  	v7 =	vshll.u32 v7, $0x4;
	v23 =	vand.u32 $0xFFF, v11;
	v59 =	vld.idx.msk [tilespmem:v10+s2+$0x0], $0xffff  }
0x36: {  	v7 =	vor.u32 v0, v7;
	v60 =	vld.idx.msk [tilespmem:v22+s2+$0x0], $0xffff  }
0x37: {  	s29 =	simm.s32 $0x5300;
	v7 =	vand.u32 $0xFFF, v7;
	v20 =	vld.idx.msk [tilespmem:v14+s2+$0x0], $0xffff  }
0x38: {  	v2 =	vshll.u32 v2, $0x4;
	v21 =	vld.idx.msk [tilespmem:v15+s2+$0x0], $0xffff;
	[tilespmem:s29+$0xA0] =	vst v4  }
0x39: {  	v2 =	vor.u32 v0, v2;
	v4 =	vor.u32 v0, v12;
	[tilespmem:s29+$0xFFFFFF10] =	vst v58;
	v12 =	vld.idx.msk [tilespmem:v9+s2+$0x0], $0xffff  }
0x3a: {  	v2 =	vand.u32 $0xFFF, v2;
	v8 =	vshll.u32 v8, $0x4;
	[tilespmem:s29+$0xFFFFFF30] =	vst v13;
	v13 =	vld.idx.msk [tilespmem:v23+s2+$0x0], $0xffff  }
0x3b: {  	v5 =	vshll.u32 v5, $0x4;
	[tilespmem:s29+$0xFFFFFFA0] =	vst v59;
	v11 =	vld.idx.msk [tilespmem:v3+s23+$0x0], $0xffff;
	v24 =	vand.u32 $0xFFF, v4;
	v3 =	vor.u32 v0, v8  }
0x3c: {  	[tilespmem:s29+$0xFFFFFFB0] =	vst v60;
	v8 =	vld.idx.msk [tilespmem:v7+s2+$0x0], $0xffff;
	v4 =	vand.u32 $0xFFF, v3;
	v3 =	vor.u32 v0, v5;
	v5 =	vshll.u32 v6, $0x4  }
0x3d: {  	[tilespmem:s29+$0xFFFFFF20] =	vst v20;
	v63 =	vld.idx.msk [tilespmem:v18+s23+$0x0], $0xffff;
	v5 =	vor.u32 v0, v5  }
0x3e: {  	v10 =	vld.idx.msk [tilespmem:v10+s23+$0x0], $0xffff;
	v6 =	vshll.u32 v57, $0x4;
	[tilespmem:s29+$0xFFFFFF00] =	vst v21;
	v5 =	vand.u32 $0xFFF, v5  }
0x3f: {  	v3 =	vand.u32 $0xFFF, v3;
	v6 =	vor.u32 v0, v6;
	v15 =	vld.idx.msk [tilespmem:v15+s23+$0x0], $0xffff;
	[tilespmem:s29+$0xFFFFFF90] =	vst v12  }
0x40: {  	v6 =	vand.u32 $0xFFF, v6;
	[tilespmem:s29+$0x0] =	vst v13;
	v13 =	vld.idx.msk [tilespmem:v2+s2+$0x0], $0xffff  }
0x41: {  	s30 =	simm.s32 $0x11B00;
	[tilespmem:s29+$0xFFFFFF80] =	vst v8;
	v8 =	vld.idx.msk [tilespmem:v4+s2+$0x0], $0xffff  }
0x42: {  	v61 =	vld.idx.msk [tilespmem:v24+s2+$0x0], $0xffff;
	[tilespmem:s30+$0xA0] =	vst v11  }
0x43: {  	[tilespmem:s30+$0xFFFFFF10] =	vst v63;
	v12 =	vld.idx.msk [tilespmem:v5+s2+$0x0], $0xffff  }
0x44: {  	v11 =	vld.idx.msk [tilespmem:v3+s2+$0x0], $0xffff;
	[tilespmem:s30+$0xFFFFFF00] =	vst v15  }
0x45: {  	v62 =	vld.idx.msk [tilespmem:v6+s2+$0x0], $0xffff;
	[tilespmem:s29+$0xB0] =	vst v13  }
0x46: {  	[tilespmem:s29+$0x20] =	vst v8;
	v8 =	vld.idx.msk [tilespmem:v14+s23+$0x0], $0xffff  }
0x47: {  	[tilespmem:s29+$0x10] =	vst v61;
	v14 =	vld.idx.msk [tilespmem:v19+s23+$0x0], $0xffff  }
0x48: {  	[tilespmem:s29+$0x80] =	vst v12;
	v12 =	vld.idx.msk [tilespmem:v7+s23+$0x0], $0xffff  }
0x49: {  	[tilespmem:s29+$0x30] =	vst v11;
	v11 =	vld.idx.msk [tilespmem:v9+s23+$0x0], $0xffff  }
0x4a: {  	v9 =	vld.idx.msk [tilespmem:v24+s23+$0x0], $0xffff;
	[tilespmem:s29+$0x90] =	vst v62  }
0x4b: {  	v7 =	vld.idx.msk [tilespmem:v22+s23+$0x0], $0xffff;
	[tilespmem:s30+$0xFFFFFF20] =	vst v8  }
0x4c: {  	s31 =	simm.s32 $0x0;
	s3 =	simm.s32 $0x2587;
	v8 =	vld.idx.msk [tilespmem:v23+s23+$0x0], $0xffff;
	[tilespmem:s30+$0xFFFFFF30] =	vst v14  }
.LBB2_2:
0x4d: {  	s4 =	sadd.s32 $0xFFFFE6FD, s3;
	s5 =	sadd.s32 $0xFFFFF380, s3;
	v13 =	vadd.s32 s3, v1;
	s31 =	sadd.s32 $0x10, s31;
	[tilespmem:s30+$0xFFFFFF80] =	vst v12;
	v4 =	vld.idx.msk [tilespmem:v4+s23+$0x0], $0xffff  }
0x4e: {  	s6 =	sadd.s32 $0xFFFFFFFD, s3;
	v12 =	vadd.s32 s4, v1;
	s4 =	sadd.s32 $0xFFFFF37D, s3;
	v14 =	vadd.s32 s5, v1;
	p0 =	slt.u32 s31, $0x310;
	[tilespmem:s30+$0xFFFFFF90] =	vst v11;
	v3 =	vld.idx.msk [tilespmem:v3+s23+$0x0], $0xffff  }
0x4f: {  	v15 =	vadd.s32 s6, v1;
	s5 =	sadd.s32 $0xFFFFE6FE, s3;
	s6 =	sadd.s32 $0xFFFFF37E, s3;
	v11 =	vadd.s32 s4, v1;
	s4 =	sadd.s32 $0xFFFFDA7E, s3;
	[tilespmem:s30+$0xFFFFFFA0] =	vst v10;
	v5 =	vld.idx.msk [tilespmem:v5+s23+$0x0], $0xffff  }
0x50: {  	v16 =	vadd.s32 s5, v1;
	v17 =	vadd.s32 s6, v1;
	s5 =	sadd.s32 $0xFFFFDA7F, s3;
	s6 =	sadd.s32 $0xFFFFE6FF, s3;
	v10 =	vadd.s32 s4, v1;
	s4 =	sadd.s32 $0xFFFFFFFE, s3;
	v6 =	vld.idx.msk [tilespmem:v6+s23+$0x0], $0xffff  }
0x51: {  	v19 =	vadd.s32 s5, v1;
	v20 =	vadd.s32 s6, v1;
	s5 =	sadd.s32 $0xFFFFFFFF, s3;
	s6 =	sadd.s32 $0xFFFFDA80, s3;
	v18 =	vadd.s32 s4, v1;
	s4 =	sadd.s32 $0xFFFFF37F, s3;
	v21 =	vld.idx.msk [tilespmem:v2+s23+$0x0], $0xffff  }
0x52: {  	s7 =	sadd.s32 $0xFFFFDA7D, s3;
	v23 =	vadd.s32 s5, v1;
	v24 =	vadd.s32 s6, v1;
	v22 =	vadd.s32 s4, v1;
	s4 =	sadd.s32 $0xFFFFE700, s3;
	v2 =	vld.idx.msk [tilespmem:v13+s24+$0x0], $0xffff  }
0x53: {  	v13 =	vadd.s32 s7, v1;
	v25 =	vadd.s32 s4, v1;
	v14 =	vld.idx.msk [tilespmem:v14+s24+$0x0], $0xffff;
	[tilespmem:s30+$0xFFFFFFB0] =	vst v7  }
0x54: {  	v7 =	vld.idx.msk [tilespmem:v12+s24+$0x0], $0xffff;
	[tilespmem:s30+$0x0] =	vst v8  }
0x55: {  	v8 =	vld.idx.msk [tilespmem:v11+s24+$0x0], $0xffff;
	[tilespmem:s30+$0x10] =	vst v9  }
0x56: {  	v9 =	vld.idx.msk [tilespmem:v15+s24+$0x0], $0xffff;
	[tilespmem:s30+$0x20] =	vst v4  }
0x57: {  	v4 =	vld.idx.msk [tilespmem:v10+s24+$0x0], $0xffff;
	[tilespmem:s30+$0x30] =	vst v3  }
0x58: {  	v2 =	vshll.u32 v2, $0x4;
	v3 =	vld.idx.msk [tilespmem:v13+s24+$0x0], $0xffff;
	[tilespmem:s30+$0x80] =	vst v5  }
0x59: {  	v10 =	vshll.u32 v14, $0x4;
	v2 =	vor.u32 v0, v2;
	v5 =	vld.idx.msk [tilespmem:v16+s24+$0x0], $0xffff;
	[tilespmem:s30+$0x90] =	vst v6  }
0x5a: {  	v6 =	vshll.u32 v7, $0x4;
	v10 =	vor.u32 v0, v10;
	v2 =	vand.u32 $0xFFF, v2;
	v7 =	vld.idx.msk [tilespmem:v17+s24+$0x0], $0xffff;
	[tilespmem:s30+$0xB0] =	vst v21  }
0x5b: {  	v6 =	vor.u32 v0, v6;
	v8 =	vshll.u32 v8, $0x4;
	v10 =	vand.u32 $0xFFF, v10;
	v11 =	vld.idx.msk [tilespmem:v18+s24+$0x0], $0xffff  }
0x5c: {  	v12 =	vand.u32 $0xFFF, v6;
	v6 =	vor.u32 v0, v8;
	v8 =	vshll.u32 v9, $0x4;
	v9 =	vld.idx.msk [tilespmem:v19+s24+$0x0], $0xffff  }
0x5d: {  	v13 =	vand.u32 $0xFFF, v6;
	v6 =	vor.u32 v0, v8;
	v4 =	vshll.u32 v4, $0x4;
	v8 =	vld.idx.msk [tilespmem:v20+s24+$0x0], $0xffff  }
0x5e: {  	v3 =	vshll.u32 v3, $0x4;
	v14 =	vand.u32 $0xFFF, v6;
	v4 =	vor.u32 v0, v4;
	v6 =	vld.idx.msk [tilespmem:v22+s24+$0x0], $0xffff  }
0x5f: {  	v3 =	vor.u32 v0, v3;
	v15 =	vand.u32 $0xFFF, v4;
	v4 =	vshll.u32 v5, $0x4;
	v5 =	vld.idx.msk [tilespmem:v23+s24+$0x0], $0xffff  }
0x60: {  	v16 =	vand.u32 $0xFFF, v3;
	v3 =	vor.u32 v0, v4;
	v4 =	vshll.u32 v7, $0x4;
	v7 =	vld.idx.msk [tilespmem:v10+s2+$0x0], $0xffff  }
0x61: {  	v17 =	vand.u32 $0xFFF, v3;
	v3 =	vor.u32 v0, v4;
	v4 =	vshll.u32 v11, $0x4;
	v11 =	vld.idx.msk [tilespmem:v24+s24+$0x0], $0xffff  }
0x62: {  	v18 =	vand.u32 $0xFFF, v3;
	v3 =	vor.u32 v0, v4;
	v4 =	vshll.u32 v9, $0x4;
	v9 =	vld.idx.msk [tilespmem:v25+s24+$0x0], $0xffff  }
0x63: {  	v20 =	vand.u32 $0xFFF, v3;
	v3 =	vor.u32 v0, v4;
	v4 =	vshll.u32 v8, $0x4;
	v19 =	vld.idx.msk [tilespmem:v12+s2+$0x0], $0xffff  }
0x64: {  	v21 =	vand.u32 $0xFFF, v3;
	v3 =	vor.u32 v0, v4;
	v4 =	vshll.u32 v6, $0x4;
	v8 =	vld.idx.msk [tilespmem:v13+s2+$0x0], $0xffff  }
0x65: {  	s29 =	sadd.s32 $0x200, s29;
	v23 =	vand.u32 $0xFFF, v3;
	v3 =	vor.u32 v0, v4;
	v5 =	vshll.u32 v5, $0x4;
	v22 =	vld.idx.msk [tilespmem:v16+s2+$0x0], $0xffff  }
0x66: {  	v4 =	vand.u32 $0xFFF, v3;
	v3 =	vor.u32 v0, v5;
	v24 =	vld.idx.msk [tilespmem:v14+s2+$0x0], $0xffff;
	[tilespmem:s29+$0xA0] =	vst v7  }
0x67: {  	v3 =	vand.u32 $0xFFF, v3;
	v5 =	vshll.u32 v11, $0x4;
	v7 =	vld.idx.msk [tilespmem:v10+s23+$0x0], $0xffff  }
0x68: {  	v5 =	vor.u32 v0, v5;
	v6 =	vshll.u32 v9, $0x4;
	v10 =	vld.idx.msk [tilespmem:v15+s2+$0x0], $0xffff  }
0x69: {  	v5 =	vand.u32 $0xFFF, v5;
	v6 =	vor.u32 v0, v6;
	[tilespmem:s29+$0xFFFFFF10] =	vst v19;
	v9 =	vld.idx.msk [tilespmem:v17+s2+$0x0], $0xffff  }
0x6a: {  	v6 =	vand.u32 $0xFFF, v6;
	[tilespmem:s29+$0xFFFFFF20] =	vst v8;
	v8 =	vld.idx.msk [tilespmem:v18+s2+$0x0], $0xffff  }
0x6b: {  	[tilespmem:s29+$0xFFFFFF00] =	vst v22;
	v11 =	vld.idx.msk [tilespmem:v20+s2+$0x0], $0xffff  }
0x6c: {  	s30 =	sadd.s32 $0x200, s30;
	[tilespmem:s29+$0xFFFFFF30] =	vst v24;
	v19 =	vld.idx.msk [tilespmem:v21+s2+$0x0], $0xffff  }
0x6d: {  	v22 =	vld.idx.msk [tilespmem:v23+s2+$0x0], $0xffff;
	[tilespmem:s30+$0xA0] =	vst v7  }
0x6e: {  	[tilespmem:s29+$0xFFFFFF80] =	vst v10;
	v7 =	vld.idx.msk [tilespmem:v4+s2+$0x0], $0xffff  }
0x6f: {  	[tilespmem:s29+$0xFFFFFF90] =	vst v9;
	v9 =	vld.idx.msk [tilespmem:v3+s2+$0x0], $0xffff  }
0x70: {  	[tilespmem:s29+$0xFFFFFFA0] =	vst v8;
	v8 =	vld.idx.msk [tilespmem:v5+s2+$0x0], $0xffff  }
0x71: {  	[tilespmem:s29+$0xFFFFFFB0] =	vst v11;
	v10 =	vld.idx.msk [tilespmem:v6+s2+$0x0], $0xffff  }
0x72: {  	[tilespmem:s29+$0x0] =	vst v19;
	v19 =	vld.idx.msk [tilespmem:v2+s2+$0x0], $0xffff  }
0x73: {  	v16 =	vld.idx.msk [tilespmem:v16+s23+$0x0], $0xffff;
	[tilespmem:s29+$0x10] =	vst v22  }
0x74: {  	v22 =	vld.idx.msk [tilespmem:v12+s23+$0x0], $0xffff;
	[tilespmem:s29+$0x20] =	vst v7  }
0x75: {  	v13 =	vld.idx.msk [tilespmem:v13+s23+$0x0], $0xffff;
	[tilespmem:s29+$0x30] =	vst v9  }
0x76: {  	v9 =	vld.idx.msk [tilespmem:v14+s23+$0x0], $0xffff;
	[tilespmem:s29+$0x80] =	vst v8  }
0x77: {  	v12 =	vld.idx.msk [tilespmem:v15+s23+$0x0], $0xffff;
	[tilespmem:s29+$0x90] =	vst v10  }
.Ltmp0:
0x78: {  	v11 =	vld.idx.msk [tilespmem:v17+s23+$0x0], $0xffff;
	[tilespmem:s29+$0xB0] =	vst v19;
	(pc) =	sbr.rel @p0 .LBB2_2-.Ltmp0, $4  }
0x79: {  	[tilespmem:s30+$0xFFFFFF00] =	vst v16;
	v10 =	vld.idx.msk [tilespmem:v18+s23+$0x0], $0xffff  }
0x7a: {  	[tilespmem:s30+$0xFFFFFF10] =	vst v22;
	v7 =	vld.idx.msk [tilespmem:v20+s23+$0x0], $0xffff  }
0x7b: {  	[tilespmem:s30+$0xFFFFFF20] =	vst v13;
	v8 =	vld.idx.msk [tilespmem:v21+s23+$0x0], $0xffff  }
0x7c: {  	s3 =	sadd.s32 $0x4, s3;
	[tilespmem:s30+$0xFFFFFF30] =	vst v9;
	v9 =	vld.idx.msk [tilespmem:v23+s23+$0x0], $0xffff  }
0x7d: {  	_ =	sdelay $0x2  }
0x7e: {  	[tilespmem:s30+$0xFFFFFF80] =	vst v12  }
0x7f: {  	v4 =	vld.idx.msk [tilespmem:v4+s23+$0x0], $0xffff;
	[tilespmem:s30+$0xFFFFFF90] =	vst v11  }
0x80: {  	v3 =	vld.idx.msk [tilespmem:v3+s23+$0x0], $0xffff;
	[tilespmem:s30+$0xFFFFFFA0] =	vst v10  }
0x81: {  	v5 =	vld.idx.msk [tilespmem:v5+s23+$0x0], $0xffff;
	[tilespmem:s30+$0xFFFFFFB0] =	vst v7  }
0x82: {  	v6 =	vld.idx.msk [tilespmem:v6+s23+$0x0], $0xffff;
	[tilespmem:s30+$0x0] =	vst v8  }
0x83: {  	v2 =	vld.idx.msk [tilespmem:v2+s23+$0x0], $0xffff;
	[tilespmem:s30+$0x10] =	vst v9  }
0x84: {  	[tilespmem:s30+$0x20] =	vst v4  }
0x85: {  	[tilespmem:s30+$0x30] =	vst v3  }
0x86: {  	[tilespmem:s30+$0x80] =	vst v5  }
0x87: {  	[tilespmem:s30+$0x90] =	vst v6  }
0x88: {  	s7 =	simm.s32 $0x2583;
	[tilespmem:s30+$0xB0] =	vst v2  }
0x89: {  	s4 =	simm.s32 $0x1903;
	s5 =	simm.s32 $0xC80;
	v2 =	vadd.s32 s7, v1;
	s3 =	rddreg [dreg:$0x6]  }
0x8a: {  	v3 =	vadd.s32 s4, v1;
	[tilespmem:s24], [sflag:$0x3] =	stream.linear.gather [hbm4b:s3+s2], $0x3200, $0x38;
	[tilespmem:$0x1E200] =	vst v63  }
0x8b: {  	s6 =	simm.s32 $0x1900;
	v4 =	vadd.s32 s5, v1;
	_ =	swait.ge [sflag:s22], $0x3200  }
0x8c: {  	s7 =	simm.s32 $0x2580;
	v5 =	vadd.s32 s6, v1;
	[sflag:s22] =	ssyncset.done $0x0  }
0x8d: {  	s4 =	simm.s32 $0x1;
	v6 =	vadd.s32 s7, v1;
	[sflag:s22] =	ssyncadd.s32 $0xFFFFCE00  }
0x8e: {  	s5 =	simm.s32 $0x0;
	v7 =	vadd.s32 s4, v1;
	v2 =	vld.idx.msk [tilespmem:v2+s24+$0x0], $0xffff  }
0x8f: {  	v8 =	vadd.s32 s5, v1;
	s7 =	simm.s32 $0x1901;
	v3 =	vld.idx.msk [tilespmem:v3+s24+$0x0], $0xffff  }
0x90: {  	s6 =	simm.s32 $0xC81;
	v10 =	vadd.s32 s7, v1;
	v4 =	vld.idx.msk [tilespmem:v4+s24+$0x0], $0xffff  }
0x91: {  	v9 =	vadd.s32 s6, v1;
	s5 =	simm.s32 $0x2581;
	v5 =	vld.idx.msk [tilespmem:v5+s24+$0x0], $0xffff  }
0x92: {  	s6 =	simm.s32 $0x2;
	v11 =	vadd.s32 s5, v1;
	v6 =	vld.idx.msk [tilespmem:v6+s24+$0x0], $0xffff  }
0x93: {  	s7 =	simm.s32 $0xC82;
	v12 =	vadd.s32 s6, v1;
	v7 =	vld.idx.msk [tilespmem:v7+s24+$0x0], $0xffff  }
0x94: {  	v13 =	vadd.s32 s7, v1;
	s7 =	simm.s32 $0xC83;
	v8 =	vld.idx.msk [tilespmem:v8+s24+$0x0], $0xffff  }
0x95: {  	s4 =	simm.s32 $0x1902;
	v17 =	vadd.s32 s7, v1;
	v10 =	vld.idx.msk [tilespmem:v10+s24+$0x0], $0xffff  }
0x96: {  	s5 =	simm.s32 $0x2582;
	v14 =	vadd.s32 s4, v1;
	s6 =	simm.s32 $0x3;
	v9 =	vld.idx.msk [tilespmem:v9+s24+$0x0], $0xffff  }
0x97: {  	v15 =	vadd.s32 s5, v1;
	v16 =	vadd.s32 s6, v1;
	v11 =	vld.idx.msk [tilespmem:v11+s24+$0x0], $0xffff;
	v3 =	vshll.u32 v3, $0x4  }
0x98: {  	v12 =	vld.idx.msk [tilespmem:v12+s24+$0x0], $0xffff;
	v4 =	vshll.u32 v4, $0x4;
	v5 =	vshll.u32 v5, $0x4;
	v3 =	vor.u32 v0, v3  }
0x99: {  	v13 =	vld.idx.msk [tilespmem:v13+s24+$0x0], $0xffff;
	v6 =	vshll.u32 v6, $0x4;
	v4 =	vor.u32 v0, v4;
	v3 =	vand.u32 $0xFFF, v3  }
0x9a: {  	v57 =	vld.idx.msk [tilespmem:v17+s24+$0x0], $0xffff;
	v6 =	vor.u32 v0, v6;
	v10 =	vshll.u32 v10, $0x4;
	v18 =	vand.u32 $0xFFF, v4  }
0x9b: {  	v4 =	vor.u32 v0, v5;
	v5 =	vshll.u32 v8, $0x4;
	v8 =	vld.idx.msk [tilespmem:v14+s24+$0x0], $0xffff;
	v19 =	vand.u32 $0xFFF, v6  }
0x9c: {  	v11 =	vshll.u32 v11, $0x4;
	v6 =	vld.idx.msk [tilespmem:v16+s24+$0x0], $0xffff;
	v10 =	vor.u32 v0, v10;
	v14 =	vand.u32 $0xFFF, v4  }
0x9d: {  	v11 =	vor.u32 v0, v11;
	v4 =	vor.u32 v0, v5;
	v5 =	vld.idx.msk [tilespmem:v15+s24+$0x0], $0xffff;
	v10 =	vand.u32 $0xFFF, v10  }
0x9e: {  	v9 =	vshll.u32 v9, $0x4;
	v22 =	vand.u32 $0xFFF, v11;
	v15 =	vand.u32 $0xFFF, v4;
	v4 =	vld.idx.msk [tilespmem:v3+s2+$0x0], $0xffff  }
0x9f: {  	v9 =	vor.u32 v0, v9;
	v12 =	vshll.u32 v12, $0x4;
	v58 =	vld.idx.msk [tilespmem:v18+s2+$0x0], $0xffff  }
0xa0: {  	v9 =	vand.u32 $0xFFF, v9;
	v11 =	vor.u32 v0, v12;
	v12 =	vshll.u32 v13, $0x4;
	v13 =	vld.idx.msk [tilespmem:v19+s2+$0x0], $0xffff  }
0xa1: {  	v7 =	vshll.u32 v7, $0x4;
	v23 =	vand.u32 $0xFFF, v11;
	v20 =	vld.idx.msk [tilespmem:v14+s2+$0x0], $0xffff  }
0xa2: {  	v7 =	vor.u32 v0, v7;
	v59 =	vld.idx.msk [tilespmem:v10+s2+$0x0], $0xffff  }
0xa3: {  	s29 =	simm.s32 $0x5340;
	v7 =	vand.u32 $0xFFF, v7;
	v60 =	vld.idx.msk [tilespmem:v22+s2+$0x0], $0xffff  }
0xa4: {  	v2 =	vshll.u32 v2, $0x4;
	v21 =	vld.idx.msk [tilespmem:v15+s2+$0x0], $0xffff;
	[tilespmem:s29+$0xA0] =	vst v4  }
0xa5: {  	v2 =	vor.u32 v0, v2;
	v4 =	vor.u32 v0, v12;
	[tilespmem:s29+$0xFFFFFF10] =	vst v58;
	v12 =	vld.idx.msk [tilespmem:v9+s2+$0x0], $0xffff  }
0xa6: {  	v2 =	vand.u32 $0xFFF, v2;
	v8 =	vshll.u32 v8, $0x4;
	[tilespmem:s29+$0xFFFFFF30] =	vst v13;
	v13 =	vld.idx.msk [tilespmem:v23+s2+$0x0], $0xffff  }
0xa7: {  	v5 =	vshll.u32 v5, $0x4;
	v11 =	vld.idx.msk [tilespmem:v3+s23+$0x0], $0xffff;
	v24 =	vand.u32 $0xFFF, v4;
	v3 =	vor.u32 v0, v8;
	[tilespmem:s29+$0xFFFFFF20] =	vst v20  }
0xa8: {  	v8 =	vld.idx.msk [tilespmem:v7+s2+$0x0], $0xffff;
	[tilespmem:s29+$0xFFFFFFA0] =	vst v59;
	v4 =	vand.u32 $0xFFF, v3;
	v3 =	vor.u32 v0, v5;
	v5 =	vshll.u32 v6, $0x4  }
0xa9: {  	[tilespmem:s29+$0xFFFFFFB0] =	vst v60;
	v63 =	vld.idx.msk [tilespmem:v18+s23+$0x0], $0xffff;
	v5 =	vor.u32 v0, v5  }
0xaa: {  	v6 =	vshll.u32 v57, $0x4;
	[tilespmem:s29+$0xFFFFFF00] =	vst v21;
	v10 =	vld.idx.msk [tilespmem:v10+s23+$0x0], $0xffff;
	v5 =	vand.u32 $0xFFF, v5  }
0xab: {  	v3 =	vand.u32 $0xFFF, v3;
	v6 =	vor.u32 v0, v6;
	v15 =	vld.idx.msk [tilespmem:v15+s23+$0x0], $0xffff;
	[tilespmem:s29+$0xFFFFFF90] =	vst v12  }
0xac: {  	v6 =	vand.u32 $0xFFF, v6;
	[tilespmem:s29+$0x0] =	vst v13;
	v13 =	vld.idx.msk [tilespmem:v2+s2+$0x0], $0xffff  }
0xad: {  	s30 =	simm.s32 $0x11B40;
	[tilespmem:s29+$0xFFFFFF80] =	vst v8;
	v8 =	vld.idx.msk [tilespmem:v4+s2+$0x0], $0xffff  }
0xae: {  	v61 =	vld.idx.msk [tilespmem:v24+s2+$0x0], $0xffff;
	[tilespmem:s30+$0xA0] =	vst v11  }
0xaf: {  	[tilespmem:s30+$0xFFFFFF10] =	vst v63;
	v12 =	vld.idx.msk [tilespmem:v5+s2+$0x0], $0xffff  }
0xb0: {  	v11 =	vld.idx.msk [tilespmem:v3+s2+$0x0], $0xffff;
	[tilespmem:s30+$0xFFFFFF00] =	vst v15  }
0xb1: {  	v62 =	vld.idx.msk [tilespmem:v6+s2+$0x0], $0xffff;
	[tilespmem:s29+$0xB0] =	vst v13  }
0xb2: {  	[tilespmem:s29+$0x20] =	vst v8;
	v8 =	vld.idx.msk [tilespmem:v14+s23+$0x0], $0xffff  }
0xb3: {  	[tilespmem:s29+$0x10] =	vst v61;
	v14 =	vld.idx.msk [tilespmem:v19+s23+$0x0], $0xffff  }
0xb4: {  	[tilespmem:s29+$0x80] =	vst v12;
	v12 =	vld.idx.msk [tilespmem:v7+s23+$0x0], $0xffff  }
0xb5: {  	[tilespmem:s29+$0x30] =	vst v11;
	v11 =	vld.idx.msk [tilespmem:v9+s23+$0x0], $0xffff  }
0xb6: {  	v9 =	vld.idx.msk [tilespmem:v24+s23+$0x0], $0xffff;
	[tilespmem:s29+$0x90] =	vst v62  }
0xb7: {  	v7 =	vld.idx.msk [tilespmem:v22+s23+$0x0], $0xffff;
	[tilespmem:s30+$0xFFFFFF20] =	vst v8  }
0xb8: {  	s31 =	simm.s32 $0x0;
	s3 =	simm.s32 $0x2587;
	v8 =	vld.idx.msk [tilespmem:v23+s23+$0x0], $0xffff;
	[tilespmem:s30+$0xFFFFFF30] =	vst v14  }
.LBB2_4:
0xb9: {  	s4 =	sadd.s32 $0xFFFFE6FD, s3;
	s5 =	sadd.s32 $0xFFFFF380, s3;
	v13 =	vadd.s32 s3, v1;
	s31 =	sadd.s32 $0x10, s31;
	[tilespmem:s30+$0xFFFFFF80] =	vst v12;
	v4 =	vld.idx.msk [tilespmem:v4+s23+$0x0], $0xffff  }
0xba: {  	s6 =	sadd.s32 $0xFFFFFFFD, s3;
	v12 =	vadd.s32 s4, v1;
	s4 =	sadd.s32 $0xFFFFF37D, s3;
	v14 =	vadd.s32 s5, v1;
	p0 =	slt.u32 s31, $0x310;
	[tilespmem:s30+$0xFFFFFF90] =	vst v11;
	v3 =	vld.idx.msk [tilespmem:v3+s23+$0x0], $0xffff  }
0xbb: {  	v15 =	vadd.s32 s6, v1;
	s5 =	sadd.s32 $0xFFFFE6FE, s3;
	s6 =	sadd.s32 $0xFFFFF37E, s3;
	v11 =	vadd.s32 s4, v1;
	s4 =	sadd.s32 $0xFFFFDA7E, s3;
	[tilespmem:s30+$0xFFFFFFA0] =	vst v10;
	v5 =	vld.idx.msk [tilespmem:v5+s23+$0x0], $0xffff  }
0xbc: {  	v16 =	vadd.s32 s5, v1;
	v17 =	vadd.s32 s6, v1;
	s5 =	sadd.s32 $0xFFFFDA7F, s3;
	s6 =	sadd.s32 $0xFFFFE6FF, s3;
	v10 =	vadd.s32 s4, v1;
	s4 =	sadd.s32 $0xFFFFFFFE, s3;
	v6 =	vld.idx.msk [tilespmem:v6+s23+$0x0], $0xffff  }
0xbd: {  	v19 =	vadd.s32 s5, v1;
	v20 =	vadd.s32 s6, v1;
	s5 =	sadd.s32 $0xFFFFFFFF, s3;
	s6 =	sadd.s32 $0xFFFFDA80, s3;
	v18 =	vadd.s32 s4, v1;
	s4 =	sadd.s32 $0xFFFFF37F, s3;
	v21 =	vld.idx.msk [tilespmem:v2+s23+$0x0], $0xffff  }
0xbe: {  	s7 =	sadd.s32 $0xFFFFDA7D, s3;
	v23 =	vadd.s32 s5, v1;
	v24 =	vadd.s32 s6, v1;
	v22 =	vadd.s32 s4, v1;
	s4 =	sadd.s32 $0xFFFFE700, s3;
	v2 =	vld.idx.msk [tilespmem:v13+s24+$0x0], $0xffff  }
0xbf: {  	v13 =	vadd.s32 s7, v1;
	v25 =	vadd.s32 s4, v1;
	v14 =	vld.idx.msk [tilespmem:v14+s24+$0x0], $0xffff;
	[tilespmem:s30+$0xFFFFFFB0] =	vst v7  }
0xc0: {  	v7 =	vld.idx.msk [tilespmem:v12+s24+$0x0], $0xffff;
	[tilespmem:s30+$0x0] =	vst v8  }
0xc1: {  	v8 =	vld.idx.msk [tilespmem:v11+s24+$0x0], $0xffff;
	[tilespmem:s30+$0x10] =	vst v9  }
0xc2: {  	v9 =	vld.idx.msk [tilespmem:v15+s24+$0x0], $0xffff;
	[tilespmem:s30+$0x20] =	vst v4  }
0xc3: {  	v4 =	vld.idx.msk [tilespmem:v10+s24+$0x0], $0xffff;
	[tilespmem:s30+$0x30] =	vst v3  }
0xc4: {  	v2 =	vshll.u32 v2, $0x4;
	v3 =	vld.idx.msk [tilespmem:v13+s24+$0x0], $0xffff;
	[tilespmem:s30+$0x80] =	vst v5  }
0xc5: {  	v10 =	vshll.u32 v14, $0x4;
	v2 =	vor.u32 v0, v2;
	v5 =	vld.idx.msk [tilespmem:v16+s24+$0x0], $0xffff;
	[tilespmem:s30+$0x90] =	vst v6  }
0xc6: {  	v6 =	vshll.u32 v7, $0x4;
	v10 =	vor.u32 v0, v10;
	v2 =	vand.u32 $0xFFF, v2;
	v7 =	vld.idx.msk [tilespmem:v17+s24+$0x0], $0xffff;
	[tilespmem:s30+$0xB0] =	vst v21  }
0xc7: {  	v6 =	vor.u32 v0, v6;
	v8 =	vshll.u32 v8, $0x4;
	v10 =	vand.u32 $0xFFF, v10;
	v11 =	vld.idx.msk [tilespmem:v18+s24+$0x0], $0xffff  }
0xc8: {  	v12 =	vand.u32 $0xFFF, v6;
	v6 =	vor.u32 v0, v8;
	v8 =	vshll.u32 v9, $0x4;
	v9 =	vld.idx.msk [tilespmem:v19+s24+$0x0], $0xffff  }
0xc9: {  	v13 =	vand.u32 $0xFFF, v6;
	v6 =	vor.u32 v0, v8;
	v4 =	vshll.u32 v4, $0x4;
	v8 =	vld.idx.msk [tilespmem:v20+s24+$0x0], $0xffff  }
0xca: {  	v3 =	vshll.u32 v3, $0x4;
	v14 =	vand.u32 $0xFFF, v6;
	v4 =	vor.u32 v0, v4;
	v6 =	vld.idx.msk [tilespmem:v22+s24+$0x0], $0xffff  }
0xcb: {  	v3 =	vor.u32 v0, v3;
	v15 =	vand.u32 $0xFFF, v4;
	v4 =	vshll.u32 v5, $0x4;
	v5 =	vld.idx.msk [tilespmem:v23+s24+$0x0], $0xffff  }
0xcc: {  	v16 =	vand.u32 $0xFFF, v3;
	v3 =	vor.u32 v0, v4;
	v4 =	vshll.u32 v7, $0x4;
	v7 =	vld.idx.msk [tilespmem:v10+s2+$0x0], $0xffff  }
0xcd: {  	v17 =	vand.u32 $0xFFF, v3;
	v3 =	vor.u32 v0, v4;
	v4 =	vshll.u32 v11, $0x4;
	v11 =	vld.idx.msk [tilespmem:v24+s24+$0x0], $0xffff  }
0xce: {  	v18 =	vand.u32 $0xFFF, v3;
	v3 =	vor.u32 v0, v4;
	v4 =	vshll.u32 v9, $0x4;
	v9 =	vld.idx.msk [tilespmem:v25+s24+$0x0], $0xffff  }
0xcf: {  	v20 =	vand.u32 $0xFFF, v3;
	v3 =	vor.u32 v0, v4;
	v4 =	vshll.u32 v8, $0x4;
	v19 =	vld.idx.msk [tilespmem:v12+s2+$0x0], $0xffff  }
0xd0: {  	v21 =	vand.u32 $0xFFF, v3;
	v3 =	vor.u32 v0, v4;
	v4 =	vshll.u32 v6, $0x4;
	v8 =	vld.idx.msk [tilespmem:v13+s2+$0x0], $0xffff  }
0xd1: {  	s29 =	sadd.s32 $0x200, s29;
	v23 =	vand.u32 $0xFFF, v3;
	v3 =	vor.u32 v0, v4;
	v5 =	vshll.u32 v5, $0x4;
	v22 =	vld.idx.msk [tilespmem:v16+s2+$0x0], $0xffff  }
0xd2: {  	v4 =	vand.u32 $0xFFF, v3;
	v3 =	vor.u32 v0, v5;
	v24 =	vld.idx.msk [tilespmem:v14+s2+$0x0], $0xffff;
	[tilespmem:s29+$0xA0] =	vst v7  }
0xd3: {  	v3 =	vand.u32 $0xFFF, v3;
	v5 =	vshll.u32 v11, $0x4;
	v7 =	vld.idx.msk [tilespmem:v10+s23+$0x0], $0xffff  }
0xd4: {  	v5 =	vor.u32 v0, v5;
	v6 =	vshll.u32 v9, $0x4;
	v10 =	vld.idx.msk [tilespmem:v15+s2+$0x0], $0xffff  }
0xd5: {  	v5 =	vand.u32 $0xFFF, v5;
	v6 =	vor.u32 v0, v6;
	[tilespmem:s29+$0xFFFFFF10] =	vst v19;
	v9 =	vld.idx.msk [tilespmem:v17+s2+$0x0], $0xffff  }
0xd6: {  	v6 =	vand.u32 $0xFFF, v6;
	[tilespmem:s29+$0xFFFFFF20] =	vst v8;
	v8 =	vld.idx.msk [tilespmem:v18+s2+$0x0], $0xffff  }
0xd7: {  	[tilespmem:s29+$0xFFFFFF00] =	vst v22;
	v11 =	vld.idx.msk [tilespmem:v20+s2+$0x0], $0xffff  }
0xd8: {  	s30 =	sadd.s32 $0x200, s30;
	[tilespmem:s29+$0xFFFFFF30] =	vst v24;
	v19 =	vld.idx.msk [tilespmem:v21+s2+$0x0], $0xffff  }
0xd9: {  	v22 =	vld.idx.msk [tilespmem:v23+s2+$0x0], $0xffff;
	[tilespmem:s30+$0xA0] =	vst v7  }
0xda: {  	[tilespmem:s29+$0xFFFFFF80] =	vst v10;
	v7 =	vld.idx.msk [tilespmem:v4+s2+$0x0], $0xffff  }
0xdb: {  	[tilespmem:s29+$0xFFFFFF90] =	vst v9;
	v9 =	vld.idx.msk [tilespmem:v3+s2+$0x0], $0xffff  }
0xdc: {  	[tilespmem:s29+$0xFFFFFFA0] =	vst v8;
	v8 =	vld.idx.msk [tilespmem:v5+s2+$0x0], $0xffff  }
0xdd: {  	[tilespmem:s29+$0xFFFFFFB0] =	vst v11;
	v10 =	vld.idx.msk [tilespmem:v6+s2+$0x0], $0xffff  }
0xde: {  	[tilespmem:s29+$0x0] =	vst v19;
	v19 =	vld.idx.msk [tilespmem:v2+s2+$0x0], $0xffff  }
0xdf: {  	v16 =	vld.idx.msk [tilespmem:v16+s23+$0x0], $0xffff;
	[tilespmem:s29+$0x10] =	vst v22  }
0xe0: {  	v22 =	vld.idx.msk [tilespmem:v12+s23+$0x0], $0xffff;
	[tilespmem:s29+$0x20] =	vst v7  }
0xe1: {  	v13 =	vld.idx.msk [tilespmem:v13+s23+$0x0], $0xffff;
	[tilespmem:s29+$0x30] =	vst v9  }
0xe2: {  	v9 =	vld.idx.msk [tilespmem:v14+s23+$0x0], $0xffff;
	[tilespmem:s29+$0x80] =	vst v8  }
0xe3: {  	v12 =	vld.idx.msk [tilespmem:v15+s23+$0x0], $0xffff;
	[tilespmem:s29+$0x90] =	vst v10  }
.Ltmp1:
0xe4: {  	v11 =	vld.idx.msk [tilespmem:v17+s23+$0x0], $0xffff;
	[tilespmem:s29+$0xB0] =	vst v19;
	(pc) =	sbr.rel @p0 .LBB2_4-.Ltmp1, $4  }
0xe5: {  	[tilespmem:s30+$0xFFFFFF00] =	vst v16;
	v10 =	vld.idx.msk [tilespmem:v18+s23+$0x0], $0xffff  }
0xe6: {  	[tilespmem:s30+$0xFFFFFF10] =	vst v22;
	v7 =	vld.idx.msk [tilespmem:v20+s23+$0x0], $0xffff  }
0xe7: {  	[tilespmem:s30+$0xFFFFFF20] =	vst v13;
	v8 =	vld.idx.msk [tilespmem:v21+s23+$0x0], $0xffff  }
0xe8: {  	s3 =	sadd.s32 $0x4, s3;
	[tilespmem:s30+$0xFFFFFF30] =	vst v9;
	v9 =	vld.idx.msk [tilespmem:v23+s23+$0x0], $0xffff  }
0xe9: {  	_ =	sdelay $0x2  }
0xea: {  	[tilespmem:s30+$0xFFFFFF80] =	vst v12  }
0xeb: {  	v4 =	vld.idx.msk [tilespmem:v4+s23+$0x0], $0xffff;
	[tilespmem:s30+$0xFFFFFF90] =	vst v11  }
0xec: {  	v3 =	vld.idx.msk [tilespmem:v3+s23+$0x0], $0xffff;
	[tilespmem:s30+$0xFFFFFFA0] =	vst v10  }
0xed: {  	v5 =	vld.idx.msk [tilespmem:v5+s23+$0x0], $0xffff;
	[tilespmem:s30+$0xFFFFFFB0] =	vst v7  }
0xee: {  	v6 =	vld.idx.msk [tilespmem:v6+s23+$0x0], $0xffff;
	[tilespmem:s30+$0x0] =	vst v8  }
0xef: {  	v2 =	vld.idx.msk [tilespmem:v2+s23+$0x0], $0xffff;
	[tilespmem:s30+$0x10] =	vst v9  }
0xf0: {  	[tilespmem:s30+$0x20] =	vst v4  }
0xf1: {  	[tilespmem:s30+$0x30] =	vst v3  }
0xf2: {  	[tilespmem:s30+$0x80] =	vst v5  }
0xf3: {  	[tilespmem:s30+$0x90] =	vst v6  }
0xf4: {  	[tilespmem:s30+$0xB0] =	vst v2  }
0xf5: {  	s4 =	simm.s32 $0x5200;
	s3 =	rddreg [dreg:$0x7]  }
0xf6: {  	[hbm4b:s3+s25] =	stream.strided.scatter [tilespmem:s4], [sflag:$0x1], $0x6400, s26, s25, $0x38;
	[tilespmem:$0x1E200] =	vst v63  }
0xf7: {  	s5 =	simm.s32 $0x11A00;
	s6 =	simm.s32 $0x2583  }
0xf8: {  	[hbm4b:s8+s25] =	stream.strided.scatter [tilespmem:s5], [sflag:$0x1], $0x6400, s26, s25, $0x38;
	[tilespmem:$0x1E200] =	vst v63  }
0xf9: {  	s7 =	simm.s32 $0x1903;
	v2 =	vadd.s32 s6, v1;
	s5 =	simm.s32 $0xC80  }
0xfa: {  	v3 =	vadd.s32 s7, v1;
	[tilespmem:s24], [sflag:$0x3] =	stream.linear.gather [hbm4b:s9+s2], $0x3200, $0x38;
	[tilespmem:$0x1E200] =	vst v63  }
0xfb: {  	s6 =	simm.s32 $0x1900;
	v4 =	vadd.s32 s5, v1;
	_ =	swait.ge [sflag:s22], $0x3200  }
0xfc: {  	s7 =	simm.s32 $0x2580;
	v5 =	vadd.s32 s6, v1;
	[sflag:s22] =	ssyncset.done $0x0  }
0xfd: {  	v6 =	vadd.s32 s7, v1;
	s4 =	simm.s32 $0x1;
	[sflag:s22] =	ssyncadd.s32 $0xFFFFCE00  }
0xfe: {  	s7 =	simm.s32 $0x1901;
	v7 =	vadd.s32 s4, v1;
	v2 =	vld.idx.msk [tilespmem:v2+s24+$0x0], $0xffff  }
0xff: {  	s6 =	simm.s32 $0xC81;
	v10 =	vadd.s32 s7, v1;
	v3 =	vld.idx.msk [tilespmem:v3+s24+$0x0], $0xffff  }
0x100: {  	v9 =	vadd.s32 s6, v1;
	s5 =	simm.s32 $0x0;
	v4 =	vld.idx.msk [tilespmem:v4+s24+$0x0], $0xffff  }
0x101: {  	s6 =	simm.s32 $0x2;
	v8 =	vadd.s32 s5, v1;
	v5 =	vld.idx.msk [tilespmem:v5+s24+$0x0], $0xffff  }
0x102: {  	v12 =	vadd.s32 s6, v1;
	s5 =	simm.s32 $0x2581;
	v6 =	vld.idx.msk [tilespmem:v6+s24+$0x0], $0xffff  }
0x103: {  	s7 =	simm.s32 $0xC82;
	v11 =	vadd.s32 s5, v1;
	v7 =	vld.idx.msk [tilespmem:v7+s24+$0x0], $0xffff  }
0x104: {  	v13 =	vadd.s32 s7, v1;
	s7 =	simm.s32 $0xC83;
	v10 =	vld.idx.msk [tilespmem:v10+s24+$0x0], $0xffff  }
0x105: {  	s4 =	simm.s32 $0x1902;
	s6 =	simm.s32 $0x3;
	v17 =	vadd.s32 s7, v1;
	v9 =	vld.idx.msk [tilespmem:v9+s24+$0x0], $0xffff  }
0x106: {  	v14 =	vadd.s32 s4, v1;
	v16 =	vadd.s32 s6, v1;
	s5 =	simm.s32 $0x2582;
	v8 =	vld.idx.msk [tilespmem:v8+s24+$0x0], $0xffff  }
0x107: {  	v15 =	vadd.s32 s5, v1;
	v12 =	vld.idx.msk [tilespmem:v12+s24+$0x0], $0xffff;
	v3 =	vshll.u32 v3, $0x4;
	v4 =	vshll.u32 v4, $0x4  }
0x108: {  	v11 =	vld.idx.msk [tilespmem:v11+s24+$0x0], $0xffff;
	v5 =	vshll.u32 v5, $0x4;
	v6 =	vshll.u32 v6, $0x4;
	v3 =	vor.u32 v0, v3  }
0x109: {  	v13 =	vld.idx.msk [tilespmem:v13+s24+$0x0], $0xffff;
	v10 =	vshll.u32 v10, $0x4;
	v4 =	vor.u32 v0, v4;
	v3 =	vand.u32 $0xFFF, v3  }
0x10a: {  	v57 =	vld.idx.msk [tilespmem:v17+s24+$0x0], $0xffff;
	v6 =	vor.u32 v0, v6;
	v10 =	vor.u32 v0, v10;
	v18 =	vand.u32 $0xFFF, v4  }
0x10b: {  	v4 =	vor.u32 v0, v5;
	v5 =	vshll.u32 v8, $0x4;
	v8 =	vld.idx.msk [tilespmem:v14+s24+$0x0], $0xffff;
	v19 =	vand.u32 $0xFFF, v6  }
0x10c: {  	v6 =	vld.idx.msk [tilespmem:v16+s24+$0x0], $0xffff;
	v10 =	vand.u32 $0xFFF, v10  }
0x10d: {  	v11 =	vshll.u32 v11, $0x4;
	v14 =	vand.u32 $0xFFF, v4;
	v4 =	vor.u32 v0, v5;
	v5 =	vld.idx.msk [tilespmem:v15+s24+$0x0], $0xffff  }
0x10e: {  	v9 =	vshll.u32 v9, $0x4;
	v11 =	vor.u32 v0, v11;
	v15 =	vand.u32 $0xFFF, v4;
	v4 =	vld.idx.msk [tilespmem:v3+s2+$0x0], $0xffff  }
0x10f: {  	v12 =	vshll.u32 v12, $0x4;
	v9 =	vor.u32 v0, v9;
	v22 =	vand.u32 $0xFFF, v11;
	v58 =	vld.idx.msk [tilespmem:v18+s2+$0x0], $0xffff  }
0x110: {  	v9 =	vand.u32 $0xFFF, v9;
	v11 =	vor.u32 v0, v12;
	v12 =	vshll.u32 v13, $0x4;
	v13 =	vld.idx.msk [tilespmem:v19+s2+$0x0], $0xffff  }
0x111: {  	v7 =	vshll.u32 v7, $0x4;
	v23 =	vand.u32 $0xFFF, v11;
	v59 =	vld.idx.msk [tilespmem:v10+s2+$0x0], $0xffff  }
0x112: {  	v7 =	vor.u32 v0, v7;
	v20 =	vld.idx.msk [tilespmem:v14+s2+$0x0], $0xffff  }
0x113: {  	s29 =	simm.s32 $0xB700;
	v7 =	vand.u32 $0xFFF, v7;
	v21 =	vld.idx.msk [tilespmem:v15+s2+$0x0], $0xffff  }
0x114: {  	v2 =	vshll.u32 v2, $0x4;
	v60 =	vld.idx.msk [tilespmem:v22+s2+$0x0], $0xffff;
	[tilespmem:s29+$0xA0] =	vst v4  }
0x115: {  	v2 =	vor.u32 v0, v2;
	v4 =	vor.u32 v0, v12;
	[tilespmem:s29+$0xFFFFFF10] =	vst v58;
	v12 =	vld.idx.msk [tilespmem:v9+s2+$0x0], $0xffff  }
0x116: {  	v2 =	vand.u32 $0xFFF, v2;
	v8 =	vshll.u32 v8, $0x4;
	[tilespmem:s29+$0xFFFFFF30] =	vst v13;
	v13 =	vld.idx.msk [tilespmem:v23+s2+$0x0], $0xffff  }
0x117: {  	v5 =	vshll.u32 v5, $0x4;
	[tilespmem:s29+$0xFFFFFFA0] =	vst v59;
	v11 =	vld.idx.msk [tilespmem:v3+s23+$0x0], $0xffff;
	v24 =	vand.u32 $0xFFF, v4;
	v3 =	vor.u32 v0, v8  }
0x118: {  	v8 =	vld.idx.msk [tilespmem:v7+s2+$0x0], $0xffff;
	[tilespmem:s29+$0xFFFFFF20] =	vst v20;
	v4 =	vand.u32 $0xFFF, v3;
	v3 =	vor.u32 v0, v5;
	v5 =	vshll.u32 v6, $0x4  }
0x119: {  	v63 =	vld.idx.msk [tilespmem:v18+s23+$0x0], $0xffff;
	[tilespmem:s29+$0xFFFFFF00] =	vst v21;
	v5 =	vor.u32 v0, v5  }
0x11a: {  	v10 =	vld.idx.msk [tilespmem:v10+s23+$0x0], $0xffff;
	v6 =	vshll.u32 v57, $0x4;
	[tilespmem:s29+$0xFFFFFFB0] =	vst v60;
	v5 =	vand.u32 $0xFFF, v5  }
0x11b: {  	v3 =	vand.u32 $0xFFF, v3;
	v6 =	vor.u32 v0, v6;
	v15 =	vld.idx.msk [tilespmem:v15+s23+$0x0], $0xffff;
	[tilespmem:s29+$0xFFFFFF90] =	vst v12  }
0x11c: {  	v6 =	vand.u32 $0xFFF, v6;
	[tilespmem:s29+$0x0] =	vst v13;
	v13 =	vld.idx.msk [tilespmem:v2+s2+$0x0], $0xffff  }
0x11d: {  	s30 =	simm.s32 $0x17F00;
	[tilespmem:s29+$0xFFFFFF80] =	vst v8;
	v8 =	vld.idx.msk [tilespmem:v4+s2+$0x0], $0xffff  }
0x11e: {  	v61 =	vld.idx.msk [tilespmem:v24+s2+$0x0], $0xffff;
	[tilespmem:s30+$0xA0] =	vst v11  }
0x11f: {  	[tilespmem:s30+$0xFFFFFF10] =	vst v63;
	v12 =	vld.idx.msk [tilespmem:v5+s2+$0x0], $0xffff  }
0x120: {  	v11 =	vld.idx.msk [tilespmem:v3+s2+$0x0], $0xffff;
	[tilespmem:s30+$0xFFFFFF00] =	vst v15  }
0x121: {  	v62 =	vld.idx.msk [tilespmem:v6+s2+$0x0], $0xffff;
	[tilespmem:s29+$0xB0] =	vst v13  }
0x122: {  	[tilespmem:s29+$0x20] =	vst v8;
	v8 =	vld.idx.msk [tilespmem:v14+s23+$0x0], $0xffff  }
0x123: {  	[tilespmem:s29+$0x10] =	vst v61;
	v14 =	vld.idx.msk [tilespmem:v19+s23+$0x0], $0xffff  }
0x124: {  	[tilespmem:s29+$0x80] =	vst v12;
	v12 =	vld.idx.msk [tilespmem:v7+s23+$0x0], $0xffff  }
0x125: {  	[tilespmem:s29+$0x30] =	vst v11;
	v11 =	vld.idx.msk [tilespmem:v9+s23+$0x0], $0xffff  }
0x126: {  	v9 =	vld.idx.msk [tilespmem:v24+s23+$0x0], $0xffff;
	[tilespmem:s29+$0x90] =	vst v62  }
0x127: {  	v7 =	vld.idx.msk [tilespmem:v22+s23+$0x0], $0xffff;
	[tilespmem:s30+$0xFFFFFF20] =	vst v8  }
0x128: {  	s31 =	simm.s32 $0x0;
	s3 =	simm.s32 $0x2587;
	v8 =	vld.idx.msk [tilespmem:v23+s23+$0x0], $0xffff;
	[tilespmem:s30+$0xFFFFFF30] =	vst v14  }
.LBB2_6:
0x129: {  	s4 =	sadd.s32 $0xFFFFE6FD, s3;
	s5 =	sadd.s32 $0xFFFFF380, s3;
	v13 =	vadd.s32 s3, v1;
	s31 =	sadd.s32 $0x10, s31;
	[tilespmem:s30+$0xFFFFFF80] =	vst v12;
	v4 =	vld.idx.msk [tilespmem:v4+s23+$0x0], $0xffff  }
0x12a: {  	s6 =	sadd.s32 $0xFFFFFFFD, s3;
	v12 =	vadd.s32 s4, v1;
	s4 =	sadd.s32 $0xFFFFF37D, s3;
	v14 =	vadd.s32 s5, v1;
	p0 =	slt.u32 s31, $0x310;
	[tilespmem:s30+$0xFFFFFF90] =	vst v11;
	v3 =	vld.idx.msk [tilespmem:v3+s23+$0x0], $0xffff  }
0x12b: {  	v15 =	vadd.s32 s6, v1;
	s5 =	sadd.s32 $0xFFFFE6FE, s3;
	s6 =	sadd.s32 $0xFFFFF37E, s3;
	v11 =	vadd.s32 s4, v1;
	s4 =	sadd.s32 $0xFFFFDA7E, s3;
	[tilespmem:s30+$0xFFFFFFA0] =	vst v10;
	v5 =	vld.idx.msk [tilespmem:v5+s23+$0x0], $0xffff  }
0x12c: {  	v16 =	vadd.s32 s5, v1;
	v17 =	vadd.s32 s6, v1;
	s5 =	sadd.s32 $0xFFFFDA7F, s3;
	s6 =	sadd.s32 $0xFFFFE6FF, s3;
	v10 =	vadd.s32 s4, v1;
	s4 =	sadd.s32 $0xFFFFFFFE, s3;
	v6 =	vld.idx.msk [tilespmem:v6+s23+$0x0], $0xffff  }
0x12d: {  	v19 =	vadd.s32 s5, v1;
	v20 =	vadd.s32 s6, v1;
	s5 =	sadd.s32 $0xFFFFFFFF, s3;
	s6 =	sadd.s32 $0xFFFFDA80, s3;
	v18 =	vadd.s32 s4, v1;
	s4 =	sadd.s32 $0xFFFFF37F, s3;
	v21 =	vld.idx.msk [tilespmem:v2+s23+$0x0], $0xffff  }
0x12e: {  	s7 =	sadd.s32 $0xFFFFDA7D, s3;
	v23 =	vadd.s32 s5, v1;
	v24 =	vadd.s32 s6, v1;
	v22 =	vadd.s32 s4, v1;
	s4 =	sadd.s32 $0xFFFFE700, s3;
	v2 =	vld.idx.msk [tilespmem:v13+s24+$0x0], $0xffff  }
0x12f: {  	v13 =	vadd.s32 s7, v1;
	v25 =	vadd.s32 s4, v1;
	v14 =	vld.idx.msk [tilespmem:v14+s24+$0x0], $0xffff;
	[tilespmem:s30+$0xFFFFFFB0] =	vst v7  }
0x130: {  	v7 =	vld.idx.msk [tilespmem:v12+s24+$0x0], $0xffff;
	[tilespmem:s30+$0x0] =	vst v8  }
0x131: {  	v8 =	vld.idx.msk [tilespmem:v11+s24+$0x0], $0xffff;
	[tilespmem:s30+$0x10] =	vst v9  }
0x132: {  	v9 =	vld.idx.msk [tilespmem:v15+s24+$0x0], $0xffff;
	[tilespmem:s30+$0x20] =	vst v4  }
0x133: {  	v4 =	vld.idx.msk [tilespmem:v10+s24+$0x0], $0xffff;
	[tilespmem:s30+$0x30] =	vst v3  }
0x134: {  	v2 =	vshll.u32 v2, $0x4;
	v3 =	vld.idx.msk [tilespmem:v13+s24+$0x0], $0xffff;
	[tilespmem:s30+$0x80] =	vst v5  }
0x135: {  	v10 =	vshll.u32 v14, $0x4;
	v2 =	vor.u32 v0, v2;
	v5 =	vld.idx.msk [tilespmem:v16+s24+$0x0], $0xffff;
	[tilespmem:s30+$0x90] =	vst v6  }
0x136: {  	v6 =	vshll.u32 v7, $0x4;
	v10 =	vor.u32 v0, v10;
	v2 =	vand.u32 $0xFFF, v2;
	v7 =	vld.idx.msk [tilespmem:v17+s24+$0x0], $0xffff;
	[tilespmem:s30+$0xB0] =	vst v21  }
0x137: {  	v6 =	vor.u32 v0, v6;
	v8 =	vshll.u32 v8, $0x4;
	v10 =	vand.u32 $0xFFF, v10;
	v11 =	vld.idx.msk [tilespmem:v18+s24+$0x0], $0xffff  }
0x138: {  	v12 =	vand.u32 $0xFFF, v6;
	v6 =	vor.u32 v0, v8;
	v8 =	vshll.u32 v9, $0x4;
	v9 =	vld.idx.msk [tilespmem:v19+s24+$0x0], $0xffff  }
0x139: {  	v13 =	vand.u32 $0xFFF, v6;
	v6 =	vor.u32 v0, v8;
	v4 =	vshll.u32 v4, $0x4;
	v8 =	vld.idx.msk [tilespmem:v20+s24+$0x0], $0xffff  }
0x13a: {  	v3 =	vshll.u32 v3, $0x4;
	v14 =	vand.u32 $0xFFF, v6;
	v4 =	vor.u32 v0, v4;
	v6 =	vld.idx.msk [tilespmem:v22+s24+$0x0], $0xffff  }
0x13b: {  	v3 =	vor.u32 v0, v3;
	v15 =	vand.u32 $0xFFF, v4;
	v4 =	vshll.u32 v5, $0x4;
	v5 =	vld.idx.msk [tilespmem:v23+s24+$0x0], $0xffff  }
0x13c: {  	v16 =	vand.u32 $0xFFF, v3;
	v3 =	vor.u32 v0, v4;
	v4 =	vshll.u32 v7, $0x4;
	v7 =	vld.idx.msk [tilespmem:v10+s2+$0x0], $0xffff  }
0x13d: {  	v17 =	vand.u32 $0xFFF, v3;
	v3 =	vor.u32 v0, v4;
	v4 =	vshll.u32 v11, $0x4;
	v11 =	vld.idx.msk [tilespmem:v24+s24+$0x0], $0xffff  }
0x13e: {  	v18 =	vand.u32 $0xFFF, v3;
	v3 =	vor.u32 v0, v4;
	v4 =	vshll.u32 v9, $0x4;
	v9 =	vld.idx.msk [tilespmem:v25+s24+$0x0], $0xffff  }
0x13f: {  	v20 =	vand.u32 $0xFFF, v3;
	v3 =	vor.u32 v0, v4;
	v4 =	vshll.u32 v8, $0x4;
	v19 =	vld.idx.msk [tilespmem:v12+s2+$0x0], $0xffff  }
0x140: {  	v21 =	vand.u32 $0xFFF, v3;
	v3 =	vor.u32 v0, v4;
	v4 =	vshll.u32 v6, $0x4;
	v8 =	vld.idx.msk [tilespmem:v13+s2+$0x0], $0xffff  }
0x141: {  	s29 =	sadd.s32 $0x200, s29;
	v23 =	vand.u32 $0xFFF, v3;
	v3 =	vor.u32 v0, v4;
	v5 =	vshll.u32 v5, $0x4;
	v22 =	vld.idx.msk [tilespmem:v16+s2+$0x0], $0xffff  }
0x142: {  	v4 =	vand.u32 $0xFFF, v3;
	v3 =	vor.u32 v0, v5;
	v24 =	vld.idx.msk [tilespmem:v14+s2+$0x0], $0xffff;
	[tilespmem:s29+$0xA0] =	vst v7  }
0x143: {  	v3 =	vand.u32 $0xFFF, v3;
	v5 =	vshll.u32 v11, $0x4;
	v7 =	vld.idx.msk [tilespmem:v10+s23+$0x0], $0xffff  }
0x144: {  	v5 =	vor.u32 v0, v5;
	v6 =	vshll.u32 v9, $0x4;
	v10 =	vld.idx.msk [tilespmem:v15+s2+$0x0], $0xffff  }
0x145: {  	v5 =	vand.u32 $0xFFF, v5;
	v6 =	vor.u32 v0, v6;
	[tilespmem:s29+$0xFFFFFF10] =	vst v19;
	v9 =	vld.idx.msk [tilespmem:v17+s2+$0x0], $0xffff  }
0x146: {  	v6 =	vand.u32 $0xFFF, v6;
	[tilespmem:s29+$0xFFFFFF20] =	vst v8;
	v8 =	vld.idx.msk [tilespmem:v18+s2+$0x0], $0xffff  }
0x147: {  	[tilespmem:s29+$0xFFFFFF00] =	vst v22;
	v11 =	vld.idx.msk [tilespmem:v20+s2+$0x0], $0xffff  }
0x148: {  	s30 =	sadd.s32 $0x200, s30;
	[tilespmem:s29+$0xFFFFFF30] =	vst v24;
	v19 =	vld.idx.msk [tilespmem:v21+s2+$0x0], $0xffff  }
0x149: {  	v22 =	vld.idx.msk [tilespmem:v23+s2+$0x0], $0xffff;
	[tilespmem:s30+$0xA0] =	vst v7  }
0x14a: {  	[tilespmem:s29+$0xFFFFFF80] =	vst v10;
	v7 =	vld.idx.msk [tilespmem:v4+s2+$0x0], $0xffff  }
0x14b: {  	[tilespmem:s29+$0xFFFFFF90] =	vst v9;
	v9 =	vld.idx.msk [tilespmem:v3+s2+$0x0], $0xffff  }
0x14c: {  	[tilespmem:s29+$0xFFFFFFA0] =	vst v8;
	v8 =	vld.idx.msk [tilespmem:v5+s2+$0x0], $0xffff  }
0x14d: {  	[tilespmem:s29+$0xFFFFFFB0] =	vst v11;
	v10 =	vld.idx.msk [tilespmem:v6+s2+$0x0], $0xffff  }
0x14e: {  	[tilespmem:s29+$0x0] =	vst v19;
	v19 =	vld.idx.msk [tilespmem:v2+s2+$0x0], $0xffff  }
0x14f: {  	v16 =	vld.idx.msk [tilespmem:v16+s23+$0x0], $0xffff;
	[tilespmem:s29+$0x10] =	vst v22  }
0x150: {  	v22 =	vld.idx.msk [tilespmem:v12+s23+$0x0], $0xffff;
	[tilespmem:s29+$0x20] =	vst v7  }
0x151: {  	v13 =	vld.idx.msk [tilespmem:v13+s23+$0x0], $0xffff;
	[tilespmem:s29+$0x30] =	vst v9  }
0x152: {  	v9 =	vld.idx.msk [tilespmem:v14+s23+$0x0], $0xffff;
	[tilespmem:s29+$0x80] =	vst v8  }
0x153: {  	v12 =	vld.idx.msk [tilespmem:v15+s23+$0x0], $0xffff;
	[tilespmem:s29+$0x90] =	vst v10  }
.Ltmp2:
0x154: {  	v11 =	vld.idx.msk [tilespmem:v17+s23+$0x0], $0xffff;
	[tilespmem:s29+$0xB0] =	vst v19;
	(pc) =	sbr.rel @p0 .LBB2_6-.Ltmp2, $4  }
0x155: {  	[tilespmem:s30+$0xFFFFFF00] =	vst v16;
	v10 =	vld.idx.msk [tilespmem:v18+s23+$0x0], $0xffff  }
0x156: {  	[tilespmem:s30+$0xFFFFFF10] =	vst v22;
	v7 =	vld.idx.msk [tilespmem:v20+s23+$0x0], $0xffff  }
0x157: {  	[tilespmem:s30+$0xFFFFFF20] =	vst v13;
	v8 =	vld.idx.msk [tilespmem:v21+s23+$0x0], $0xffff  }
0x158: {  	s3 =	sadd.s32 $0x4, s3;
	[tilespmem:s30+$0xFFFFFF30] =	vst v9;
	v9 =	vld.idx.msk [tilespmem:v23+s23+$0x0], $0xffff  }
0x159: {  	_ =	sdelay $0x2  }
0x15a: {  	[tilespmem:s30+$0xFFFFFF80] =	vst v12  }
0x15b: {  	v4 =	vld.idx.msk [tilespmem:v4+s23+$0x0], $0xffff;
	[tilespmem:s30+$0xFFFFFF90] =	vst v11  }
0x15c: {  	v3 =	vld.idx.msk [tilespmem:v3+s23+$0x0], $0xffff;
	[tilespmem:s30+$0xFFFFFFA0] =	vst v10  }
0x15d: {  	v5 =	vld.idx.msk [tilespmem:v5+s23+$0x0], $0xffff;
	[tilespmem:s30+$0xFFFFFFB0] =	vst v7  }
0x15e: {  	v6 =	vld.idx.msk [tilespmem:v6+s23+$0x0], $0xffff;
	[tilespmem:s30+$0x0] =	vst v8  }
0x15f: {  	v2 =	vld.idx.msk [tilespmem:v2+s23+$0x0], $0xffff;
	[tilespmem:s30+$0x10] =	vst v9  }
0x160: {  	[tilespmem:s30+$0x20] =	vst v4  }
0x161: {  	[tilespmem:s30+$0x30] =	vst v3  }
0x162: {  	[tilespmem:s30+$0x80] =	vst v5  }
0x163: {  	s3 =	simm.s32 $0x2583;
	[tilespmem:s30+$0x90] =	vst v6  }
0x164: {  	s4 =	simm.s32 $0x1903;
	s5 =	simm.s32 $0xC80;
	[tilespmem:s30+$0xB0] =	vst v2;
	v2 =	vadd.s32 s3, v1  }
0x165: {  	v3 =	vadd.s32 s4, v1;
	[tilespmem:s24], [sflag:$0x3] =	stream.linear.gather [hbm4b:s10+s2], $0x3200, $0x38;
	[tilespmem:$0x1E200] =	vst v63  }
0x166: {  	s6 =	simm.s32 $0x1900;
	v4 =	vadd.s32 s5, v1;
	_ =	swait.ge [sflag:s22], $0x3200  }
0x167: {  	s7 =	simm.s32 $0x2580;
	v5 =	vadd.s32 s6, v1;
	[sflag:s22] =	ssyncset.done $0x0  }
0x168: {  	v6 =	vadd.s32 s7, v1;
	s4 =	simm.s32 $0x1;
	[sflag:s22] =	ssyncadd.s32 $0xFFFFCE00  }
0x169: {  	s5 =	simm.s32 $0x0;
	v7 =	vadd.s32 s4, v1;
	v2 =	vld.idx.msk [tilespmem:v2+s24+$0x0], $0xffff  }
0x16a: {  	s7 =	simm.s32 $0x1901;
	v8 =	vadd.s32 s5, v1;
	v3 =	vld.idx.msk [tilespmem:v3+s24+$0x0], $0xffff  }
0x16b: {  	s6 =	simm.s32 $0xC81;
	v10 =	vadd.s32 s7, v1;
	v4 =	vld.idx.msk [tilespmem:v4+s24+$0x0], $0xffff  }
0x16c: {  	v9 =	vadd.s32 s6, v1;
	s5 =	simm.s32 $0x2581;
	v5 =	vld.idx.msk [tilespmem:v5+s24+$0x0], $0xffff  }
0x16d: {  	s6 =	simm.s32 $0x2;
	v11 =	vadd.s32 s5, v1;
	v6 =	vld.idx.msk [tilespmem:v6+s24+$0x0], $0xffff  }
0x16e: {  	s7 =	simm.s32 $0xC82;
	v12 =	vadd.s32 s6, v1;
	v7 =	vld.idx.msk [tilespmem:v7+s24+$0x0], $0xffff  }
0x16f: {  	v13 =	vadd.s32 s7, v1;
	s7 =	simm.s32 $0xC83;
	v8 =	vld.idx.msk [tilespmem:v8+s24+$0x0], $0xffff  }
0x170: {  	s4 =	simm.s32 $0x1902;
	v17 =	vadd.s32 s7, v1;
	v10 =	vld.idx.msk [tilespmem:v10+s24+$0x0], $0xffff  }
0x171: {  	s5 =	simm.s32 $0x2582;
	v14 =	vadd.s32 s4, v1;
	s6 =	simm.s32 $0x3;
	v9 =	vld.idx.msk [tilespmem:v9+s24+$0x0], $0xffff  }
0x172: {  	v15 =	vadd.s32 s5, v1;
	v16 =	vadd.s32 s6, v1;
	v11 =	vld.idx.msk [tilespmem:v11+s24+$0x0], $0xffff;
	v3 =	vshll.u32 v3, $0x4  }
0x173: {  	v12 =	vld.idx.msk [tilespmem:v12+s24+$0x0], $0xffff;
	v4 =	vshll.u32 v4, $0x4;
	v5 =	vshll.u32 v5, $0x4;
	v3 =	vor.u32 v0, v3  }
0x174: {  	v13 =	vld.idx.msk [tilespmem:v13+s24+$0x0], $0xffff;
	v6 =	vshll.u32 v6, $0x4;
	v4 =	vor.u32 v0, v4;
	v3 =	vand.u32 $0xFFF, v3  }
0x175: {  	v57 =	vld.idx.msk [tilespmem:v17+s24+$0x0], $0xffff;
	v6 =	vor.u32 v0, v6;
	v10 =	vshll.u32 v10, $0x4;
	v18 =	vand.u32 $0xFFF, v4  }
0x176: {  	v4 =	vor.u32 v0, v5;
	v5 =	vshll.u32 v8, $0x4;
	v8 =	vld.idx.msk [tilespmem:v14+s24+$0x0], $0xffff;
	v19 =	vand.u32 $0xFFF, v6  }
0x177: {  	v6 =	vld.idx.msk [tilespmem:v16+s24+$0x0], $0xffff;
	v10 =	vor.u32 v0, v10;
	v14 =	vand.u32 $0xFFF, v4  }
0x178: {  	v11 =	vshll.u32 v11, $0x4;
	v4 =	vor.u32 v0, v5;
	v5 =	vld.idx.msk [tilespmem:v15+s24+$0x0], $0xffff;
	v10 =	vand.u32 $0xFFF, v10  }
0x179: {  	v9 =	vshll.u32 v9, $0x4;
	v11 =	vor.u32 v0, v11;
	v15 =	vand.u32 $0xFFF, v4;
	v4 =	vld.idx.msk [tilespmem:v3+s2+$0x0], $0xffff  }
0x17a: {  	v9 =	vor.u32 v0, v9;
	v12 =	vshll.u32 v12, $0x4;
	v22 =	vand.u32 $0xFFF, v11;
	v58 =	vld.idx.msk [tilespmem:v18+s2+$0x0], $0xffff  }
0x17b: {  	v9 =	vand.u32 $0xFFF, v9;
	v11 =	vor.u32 v0, v12;
	v12 =	vshll.u32 v13, $0x4;
	v13 =	vld.idx.msk [tilespmem:v19+s2+$0x0], $0xffff  }
0x17c: {  	v7 =	vshll.u32 v7, $0x4;
	v23 =	vand.u32 $0xFFF, v11;
	v20 =	vld.idx.msk [tilespmem:v14+s2+$0x0], $0xffff  }
0x17d: {  	v7 =	vor.u32 v0, v7;
	v59 =	vld.idx.msk [tilespmem:v10+s2+$0x0], $0xffff  }
0x17e: {  	s29 =	simm.s32 $0xB740;
	v7 =	vand.u32 $0xFFF, v7;
	v21 =	vld.idx.msk [tilespmem:v15+s2+$0x0], $0xffff  }
0x17f: {  	v2 =	vshll.u32 v2, $0x4;
	v60 =	vld.idx.msk [tilespmem:v22+s2+$0x0], $0xffff;
	[tilespmem:s29+$0xA0] =	vst v4  }
0x180: {  	v2 =	vor.u32 v0, v2;
	v4 =	vor.u32 v0, v12;
	[tilespmem:s29+$0xFFFFFF10] =	vst v58;
	v12 =	vld.idx.msk [tilespmem:v9+s2+$0x0], $0xffff  }
0x181: {  	v2 =	vand.u32 $0xFFF, v2;
	v8 =	vshll.u32 v8, $0x4;
	[tilespmem:s29+$0xFFFFFF30] =	vst v13;
	v13 =	vld.idx.msk [tilespmem:v23+s2+$0x0], $0xffff  }
0x182: {  	v5 =	vshll.u32 v5, $0x4;
	v11 =	vld.idx.msk [tilespmem:v3+s23+$0x0], $0xffff;
	v24 =	vand.u32 $0xFFF, v4;
	v3 =	vor.u32 v0, v8;
	[tilespmem:s29+$0xFFFFFF20] =	vst v20  }
0x183: {  	v8 =	vld.idx.msk [tilespmem:v7+s2+$0x0], $0xffff;
	[tilespmem:s29+$0xFFFFFFA0] =	vst v59;
	v4 =	vand.u32 $0xFFF, v3;
	v3 =	vor.u32 v0, v5;
	v5 =	vshll.u32 v6, $0x4  }
0x184: {  	v63 =	vld.idx.msk [tilespmem:v18+s23+$0x0], $0xffff;
	[tilespmem:s29+$0xFFFFFF00] =	vst v21;
	v5 =	vor.u32 v0, v5  }
0x185: {  	v6 =	vshll.u32 v57, $0x4;
	[tilespmem:s29+$0xFFFFFFB0] =	vst v60;
	v10 =	vld.idx.msk [tilespmem:v10+s23+$0x0], $0xffff;
	v5 =	vand.u32 $0xFFF, v5  }
0x186: {  	v3 =	vand.u32 $0xFFF, v3;
	v6 =	vor.u32 v0, v6;
	v15 =	vld.idx.msk [tilespmem:v15+s23+$0x0], $0xffff;
	[tilespmem:s29+$0xFFFFFF90] =	vst v12  }
0x187: {  	v6 =	vand.u32 $0xFFF, v6;
	[tilespmem:s29+$0x0] =	vst v13;
	v13 =	vld.idx.msk [tilespmem:v2+s2+$0x0], $0xffff  }
0x188: {  	s30 =	simm.s32 $0x17F40;
	[tilespmem:s29+$0xFFFFFF80] =	vst v8;
	v8 =	vld.idx.msk [tilespmem:v4+s2+$0x0], $0xffff  }
0x189: {  	v61 =	vld.idx.msk [tilespmem:v24+s2+$0x0], $0xffff;
	[tilespmem:s30+$0xA0] =	vst v11  }
0x18a: {  	[tilespmem:s30+$0xFFFFFF10] =	vst v63;
	v12 =	vld.idx.msk [tilespmem:v5+s2+$0x0], $0xffff  }
0x18b: {  	v11 =	vld.idx.msk [tilespmem:v3+s2+$0x0], $0xffff;
	[tilespmem:s30+$0xFFFFFF00] =	vst v15  }
0x18c: {  	v62 =	vld.idx.msk [tilespmem:v6+s2+$0x0], $0xffff;
	[tilespmem:s29+$0xB0] =	vst v13  }
0x18d: {  	[tilespmem:s29+$0x20] =	vst v8;
	v8 =	vld.idx.msk [tilespmem:v14+s23+$0x0], $0xffff  }
0x18e: {  	[tilespmem:s29+$0x10] =	vst v61;
	v14 =	vld.idx.msk [tilespmem:v19+s23+$0x0], $0xffff  }
0x18f: {  	[tilespmem:s29+$0x80] =	vst v12;
	v12 =	vld.idx.msk [tilespmem:v7+s23+$0x0], $0xffff  }
0x190: {  	[tilespmem:s29+$0x30] =	vst v11;
	v11 =	vld.idx.msk [tilespmem:v9+s23+$0x0], $0xffff  }
0x191: {  	v9 =	vld.idx.msk [tilespmem:v24+s23+$0x0], $0xffff;
	[tilespmem:s29+$0x90] =	vst v62  }
0x192: {  	v7 =	vld.idx.msk [tilespmem:v22+s23+$0x0], $0xffff;
	[tilespmem:s30+$0xFFFFFF20] =	vst v8  }
0x193: {  	s31 =	simm.s32 $0x0;
	s3 =	simm.s32 $0x2587;
	v8 =	vld.idx.msk [tilespmem:v23+s23+$0x0], $0xffff;
	[tilespmem:s30+$0xFFFFFF30] =	vst v14  }
.LBB2_8:
0x194: {  	s4 =	sadd.s32 $0xFFFFE6FD, s3;
	s5 =	sadd.s32 $0xFFFFF380, s3;
	v13 =	vadd.s32 s3, v1;
	s31 =	sadd.s32 $0x10, s31;
	[tilespmem:s30+$0xFFFFFF80] =	vst v12;
	v4 =	vld.idx.msk [tilespmem:v4+s23+$0x0], $0xffff  }
0x195: {  	s6 =	sadd.s32 $0xFFFFFFFD, s3;
	v12 =	vadd.s32 s4, v1;
	s4 =	sadd.s32 $0xFFFFF37D, s3;
	v14 =	vadd.s32 s5, v1;
	p0 =	slt.u32 s31, $0x310;
	[tilespmem:s30+$0xFFFFFF90] =	vst v11;
	v3 =	vld.idx.msk [tilespmem:v3+s23+$0x0], $0xffff  }
0x196: {  	v15 =	vadd.s32 s6, v1;
	s5 =	sadd.s32 $0xFFFFE6FE, s3;
	s6 =	sadd.s32 $0xFFFFF37E, s3;
	v11 =	vadd.s32 s4, v1;
	s4 =	sadd.s32 $0xFFFFDA7E, s3;
	[tilespmem:s30+$0xFFFFFFA0] =	vst v10;
	v5 =	vld.idx.msk [tilespmem:v5+s23+$0x0], $0xffff  }
0x197: {  	v16 =	vadd.s32 s5, v1;
	v17 =	vadd.s32 s6, v1;
	s5 =	sadd.s32 $0xFFFFDA7F, s3;
	s6 =	sadd.s32 $0xFFFFE6FF, s3;
	v10 =	vadd.s32 s4, v1;
	s4 =	sadd.s32 $0xFFFFFFFE, s3;
	v6 =	vld.idx.msk [tilespmem:v6+s23+$0x0], $0xffff  }
0x198: {  	v19 =	vadd.s32 s5, v1;
	v20 =	vadd.s32 s6, v1;
	s5 =	sadd.s32 $0xFFFFFFFF, s3;
	s6 =	sadd.s32 $0xFFFFDA80, s3;
	v18 =	vadd.s32 s4, v1;
	s4 =	sadd.s32 $0xFFFFF37F, s3;
	v21 =	vld.idx.msk [tilespmem:v2+s23+$0x0], $0xffff  }
0x199: {  	s7 =	sadd.s32 $0xFFFFDA7D, s3;
	v23 =	vadd.s32 s5, v1;
	v24 =	vadd.s32 s6, v1;
	v22 =	vadd.s32 s4, v1;
	s4 =	sadd.s32 $0xFFFFE700, s3;
	v2 =	vld.idx.msk [tilespmem:v13+s24+$0x0], $0xffff  }
0x19a: {  	v13 =	vadd.s32 s7, v1;
	v25 =	vadd.s32 s4, v1;
	v14 =	vld.idx.msk [tilespmem:v14+s24+$0x0], $0xffff;
	[tilespmem:s30+$0xFFFFFFB0] =	vst v7  }
0x19b: {  	v7 =	vld.idx.msk [tilespmem:v12+s24+$0x0], $0xffff;
	[tilespmem:s30+$0x0] =	vst v8  }
0x19c: {  	v8 =	vld.idx.msk [tilespmem:v11+s24+$0x0], $0xffff;
	[tilespmem:s30+$0x10] =	vst v9  }
0x19d: {  	v9 =	vld.idx.msk [tilespmem:v15+s24+$0x0], $0xffff;
	[tilespmem:s30+$0x20] =	vst v4  }
0x19e: {  	v4 =	vld.idx.msk [tilespmem:v10+s24+$0x0], $0xffff;
	[tilespmem:s30+$0x30] =	vst v3  }
0x19f: {  	v2 =	vshll.u32 v2, $0x4;
	v3 =	vld.idx.msk [tilespmem:v13+s24+$0x0], $0xffff;
	[tilespmem:s30+$0x80] =	vst v5  }
0x1a0: {  	v10 =	vshll.u32 v14, $0x4;
	v2 =	vor.u32 v0, v2;
	v5 =	vld.idx.msk [tilespmem:v16+s24+$0x0], $0xffff;
	[tilespmem:s30+$0x90] =	vst v6  }
0x1a1: {  	v6 =	vshll.u32 v7, $0x4;
	v10 =	vor.u32 v0, v10;
	v2 =	vand.u32 $0xFFF, v2;
	v7 =	vld.idx.msk [tilespmem:v17+s24+$0x0], $0xffff;
	[tilespmem:s30+$0xB0] =	vst v21  }
0x1a2: {  	v6 =	vor.u32 v0, v6;
	v8 =	vshll.u32 v8, $0x4;
	v10 =	vand.u32 $0xFFF, v10;
	v11 =	vld.idx.msk [tilespmem:v18+s24+$0x0], $0xffff  }
0x1a3: {  	v12 =	vand.u32 $0xFFF, v6;
	v6 =	vor.u32 v0, v8;
	v8 =	vshll.u32 v9, $0x4;
	v9 =	vld.idx.msk [tilespmem:v19+s24+$0x0], $0xffff  }
0x1a4: {  	v13 =	vand.u32 $0xFFF, v6;
	v6 =	vor.u32 v0, v8;
	v4 =	vshll.u32 v4, $0x4;
	v8 =	vld.idx.msk [tilespmem:v20+s24+$0x0], $0xffff  }
0x1a5: {  	v3 =	vshll.u32 v3, $0x4;
	v14 =	vand.u32 $0xFFF, v6;
	v4 =	vor.u32 v0, v4;
	v6 =	vld.idx.msk [tilespmem:v22+s24+$0x0], $0xffff  }
0x1a6: {  	v3 =	vor.u32 v0, v3;
	v15 =	vand.u32 $0xFFF, v4;
	v4 =	vshll.u32 v5, $0x4;
	v5 =	vld.idx.msk [tilespmem:v23+s24+$0x0], $0xffff  }
0x1a7: {  	v16 =	vand.u32 $0xFFF, v3;
	v3 =	vor.u32 v0, v4;
	v4 =	vshll.u32 v7, $0x4;
	v7 =	vld.idx.msk [tilespmem:v10+s2+$0x0], $0xffff  }
0x1a8: {  	v17 =	vand.u32 $0xFFF, v3;
	v3 =	vor.u32 v0, v4;
	v4 =	vshll.u32 v11, $0x4;
	v11 =	vld.idx.msk [tilespmem:v24+s24+$0x0], $0xffff  }
0x1a9: {  	v18 =	vand.u32 $0xFFF, v3;
	v3 =	vor.u32 v0, v4;
	v4 =	vshll.u32 v9, $0x4;
	v9 =	vld.idx.msk [tilespmem:v25+s24+$0x0], $0xffff  }
0x1aa: {  	v20 =	vand.u32 $0xFFF, v3;
	v3 =	vor.u32 v0, v4;
	v4 =	vshll.u32 v8, $0x4;
	v19 =	vld.idx.msk [tilespmem:v12+s2+$0x0], $0xffff  }
0x1ab: {  	v21 =	vand.u32 $0xFFF, v3;
	v3 =	vor.u32 v0, v4;
	v4 =	vshll.u32 v6, $0x4;
	v8 =	vld.idx.msk [tilespmem:v13+s2+$0x0], $0xffff  }
0x1ac: {  	s29 =	sadd.s32 $0x200, s29;
	v23 =	vand.u32 $0xFFF, v3;
	v3 =	vor.u32 v0, v4;
	v5 =	vshll.u32 v5, $0x4;
	v22 =	vld.idx.msk [tilespmem:v16+s2+$0x0], $0xffff  }
0x1ad: {  	v4 =	vand.u32 $0xFFF, v3;
	v3 =	vor.u32 v0, v5;
	v24 =	vld.idx.msk [tilespmem:v14+s2+$0x0], $0xffff;
	[tilespmem:s29+$0xA0] =	vst v7  }
0x1ae: {  	v3 =	vand.u32 $0xFFF, v3;
	v5 =	vshll.u32 v11, $0x4;
	v7 =	vld.idx.msk [tilespmem:v10+s23+$0x0], $0xffff  }
0x1af: {  	v5 =	vor.u32 v0, v5;
	v6 =	vshll.u32 v9, $0x4;
	v10 =	vld.idx.msk [tilespmem:v15+s2+$0x0], $0xffff  }
0x1b0: {  	v5 =	vand.u32 $0xFFF, v5;
	v6 =	vor.u32 v0, v6;
	[tilespmem:s29+$0xFFFFFF10] =	vst v19;
	v9 =	vld.idx.msk [tilespmem:v17+s2+$0x0], $0xffff  }
0x1b1: {  	v6 =	vand.u32 $0xFFF, v6;
	[tilespmem:s29+$0xFFFFFF20] =	vst v8;
	v8 =	vld.idx.msk [tilespmem:v18+s2+$0x0], $0xffff  }
0x1b2: {  	[tilespmem:s29+$0xFFFFFF00] =	vst v22;
	v11 =	vld.idx.msk [tilespmem:v20+s2+$0x0], $0xffff  }
0x1b3: {  	s30 =	sadd.s32 $0x200, s30;
	[tilespmem:s29+$0xFFFFFF30] =	vst v24;
	v19 =	vld.idx.msk [tilespmem:v21+s2+$0x0], $0xffff  }
0x1b4: {  	v22 =	vld.idx.msk [tilespmem:v23+s2+$0x0], $0xffff;
	[tilespmem:s30+$0xA0] =	vst v7  }
0x1b5: {  	[tilespmem:s29+$0xFFFFFF80] =	vst v10;
	v7 =	vld.idx.msk [tilespmem:v4+s2+$0x0], $0xffff  }
0x1b6: {  	[tilespmem:s29+$0xFFFFFF90] =	vst v9;
	v9 =	vld.idx.msk [tilespmem:v3+s2+$0x0], $0xffff  }
0x1b7: {  	[tilespmem:s29+$0xFFFFFFA0] =	vst v8;
	v8 =	vld.idx.msk [tilespmem:v5+s2+$0x0], $0xffff  }
0x1b8: {  	[tilespmem:s29+$0xFFFFFFB0] =	vst v11;
	v10 =	vld.idx.msk [tilespmem:v6+s2+$0x0], $0xffff  }
0x1b9: {  	[tilespmem:s29+$0x0] =	vst v19;
	v19 =	vld.idx.msk [tilespmem:v2+s2+$0x0], $0xffff  }
0x1ba: {  	v16 =	vld.idx.msk [tilespmem:v16+s23+$0x0], $0xffff;
	[tilespmem:s29+$0x10] =	vst v22  }
0x1bb: {  	v22 =	vld.idx.msk [tilespmem:v12+s23+$0x0], $0xffff;
	[tilespmem:s29+$0x20] =	vst v7  }
0x1bc: {  	v13 =	vld.idx.msk [tilespmem:v13+s23+$0x0], $0xffff;
	[tilespmem:s29+$0x30] =	vst v9  }
0x1bd: {  	v9 =	vld.idx.msk [tilespmem:v14+s23+$0x0], $0xffff;
	[tilespmem:s29+$0x80] =	vst v8  }
0x1be: {  	v12 =	vld.idx.msk [tilespmem:v15+s23+$0x0], $0xffff;
	[tilespmem:s29+$0x90] =	vst v10  }
.Ltmp3:
0x1bf: {  	v11 =	vld.idx.msk [tilespmem:v17+s23+$0x0], $0xffff;
	[tilespmem:s29+$0xB0] =	vst v19;
	(pc) =	sbr.rel @p0 .LBB2_8-.Ltmp3, $4  }
0x1c0: {  	[tilespmem:s30+$0xFFFFFF00] =	vst v16;
	v10 =	vld.idx.msk [tilespmem:v18+s23+$0x0], $0xffff  }
0x1c1: {  	[tilespmem:s30+$0xFFFFFF10] =	vst v22;
	v7 =	vld.idx.msk [tilespmem:v20+s23+$0x0], $0xffff  }
0x1c2: {  	[tilespmem:s30+$0xFFFFFF20] =	vst v13;
	v8 =	vld.idx.msk [tilespmem:v21+s23+$0x0], $0xffff  }
0x1c3: {  	s3 =	sadd.s32 $0x4, s3;
	[tilespmem:s30+$0xFFFFFF30] =	vst v9;
	v9 =	vld.idx.msk [tilespmem:v23+s23+$0x0], $0xffff  }
0x1c4: {  	_ =	sdelay $0x2  }
0x1c5: {  	[tilespmem:s30+$0xFFFFFF80] =	vst v12  }
0x1c6: {  	v4 =	vld.idx.msk [tilespmem:v4+s23+$0x0], $0xffff;
	[tilespmem:s30+$0xFFFFFF90] =	vst v11  }
0x1c7: {  	v3 =	vld.idx.msk [tilespmem:v3+s23+$0x0], $0xffff;
	[tilespmem:s30+$0xFFFFFFA0] =	vst v10  }
0x1c8: {  	v5 =	vld.idx.msk [tilespmem:v5+s23+$0x0], $0xffff;
	[tilespmem:s30+$0xFFFFFFB0] =	vst v7  }
0x1c9: {  	v6 =	vld.idx.msk [tilespmem:v6+s23+$0x0], $0xffff;
	[tilespmem:s30+$0x0] =	vst v8  }
0x1ca: {  	v2 =	vld.idx.msk [tilespmem:v2+s23+$0x0], $0xffff;
	[tilespmem:s30+$0x10] =	vst v9  }
0x1cb: {  	[tilespmem:s30+$0x20] =	vst v4  }
0x1cc: {  	[tilespmem:s30+$0x30] =	vst v3  }
0x1cd: {  	[tilespmem:s30+$0x80] =	vst v5  }
0x1ce: {  	[tilespmem:s30+$0x90] =	vst v6  }
0x1cf: {  	s3 =	simm.s32 $0xB600;
	[tilespmem:s30+$0xB0] =	vst v2  }
0x1d0: {  	[hbm4b:s11+s25] =	stream.strided.scatter [tilespmem:s3], [sflag:$0x2], $0x6400, s26, s25, $0x38;
	[tilespmem:$0x1E200] =	vst v63  }
0x1d1: {  	s6 =	simm.s32 $0x17E00  }
0x1d2: {  	[hbm4b:s12+s25] =	stream.strided.scatter [tilespmem:s6], [sflag:$0x2], $0x6400, s26, s25, $0x38;
	[tilespmem:$0x1E200] =	vst v63  }
0x1d3: {  	_ =	swait.ge [sflag:s0], $0x6400  }
0x1d4: {  	[sflag:s0] =	ssyncset.done $0x0  }
0x1d5: {  	[sflag:s0] =	ssyncadd.s32 $0xFFFF9C00  }
0x1d6: {  	_ =	swait.ge [sflag:s0], $0x6400  }
0x1d7: {  	s7 =	simm.s32 $0x2583;
	[sflag:s0] =	ssyncset.done $0x0  }
0x1d8: {  	s4 =	simm.s32 $0x1903;
	s5 =	simm.s32 $0xC80;
	v2 =	vadd.s32 s7, v1;
	[sflag:s0] =	ssyncadd.s32 $0xFFFF9C00  }
0x1d9: {  	v3 =	vadd.s32 s4, v1;
	[tilespmem:s24], [sflag:$0x3] =	stream.linear.gather [hbm4b:s13+s2], $0x3200, $0x38;
	[tilespmem:$0x1E200] =	vst v63  }
0x1da: {  	v4 =	vadd.s32 s5, v1;
	s6 =	simm.s32 $0x1900;
	_ =	swait.ge [sflag:s22], $0x3200  }
0x1db: {  	s7 =	simm.s32 $0x2580;
	v5 =	vadd.s32 s6, v1;
	[sflag:s22] =	ssyncset.done $0x0  }
0x1dc: {  	s5 =	simm.s32 $0x0;
	v6 =	vadd.s32 s7, v1;
	s7 =	simm.s32 $0x1901;
	[sflag:s22] =	ssyncadd.s32 $0xFFFFCE00  }
0x1dd: {  	v8 =	vadd.s32 s5, v1;
	s5 =	simm.s32 $0x2581;
	v10 =	vadd.s32 s7, v1;
	v2 =	vld.idx.msk [tilespmem:v2+s24+$0x0], $0xffff  }
0x1de: {  	s4 =	simm.s32 $0x1;
	v11 =	vadd.s32 s5, v1;
	v3 =	vld.idx.msk [tilespmem:v3+s24+$0x0], $0xffff  }
0x1df: {  	v7 =	vadd.s32 s4, v1;
	v4 =	vld.idx.msk [tilespmem:v4+s24+$0x0], $0xffff  }
0x1e0: {  	s6 =	simm.s32 $0xC81;
	v5 =	vld.idx.msk [tilespmem:v5+s24+$0x0], $0xffff  }
0x1e1: {  	v9 =	vadd.s32 s6, v1;
	s6 =	simm.s32 $0x2;
	v6 =	vld.idx.msk [tilespmem:v6+s24+$0x0], $0xffff  }
0x1e2: {  	s7 =	simm.s32 $0xC82;
	v12 =	vadd.s32 s6, v1;
	v10 =	vld.idx.msk [tilespmem:v10+s24+$0x0], $0xffff  }
0x1e3: {  	v13 =	vadd.s32 s7, v1;
	s7 =	simm.s32 $0xC83;
	v11 =	vld.idx.msk [tilespmem:v11+s24+$0x0], $0xffff  }
0x1e4: {  	s4 =	simm.s32 $0x1902;
	s5 =	simm.s32 $0x2582;
	v17 =	vadd.s32 s7, v1;
	s6 =	simm.s32 $0x3;
	v7 =	vld.idx.msk [tilespmem:v7+s24+$0x0], $0xffff  }
0x1e5: {  	v14 =	vadd.s32 s4, v1;
	v15 =	vadd.s32 s5, v1;
	v16 =	vadd.s32 s6, v1;
	v8 =	vld.idx.msk [tilespmem:v8+s24+$0x0], $0xffff  }
0x1e6: {  	v9 =	vld.idx.msk [tilespmem:v9+s24+$0x0], $0xffff;
	v3 =	vshll.u32 v3, $0x4;
	v4 =	vshll.u32 v4, $0x4;
	v5 =	vshll.u32 v5, $0x4  }
0x1e7: {  	v12 =	vld.idx.msk [tilespmem:v12+s24+$0x0], $0xffff;
	v6 =	vshll.u32 v6, $0x4;
	v10 =	vshll.u32 v10, $0x4;
	v3 =	vor.u32 v0, v3  }
0x1e8: {  	v13 =	vld.idx.msk [tilespmem:v13+s24+$0x0], $0xffff;
	v11 =	vshll.u32 v11, $0x4;
	v4 =	vor.u32 v0, v4;
	v3 =	vand.u32 $0xFFF, v3  }
0x1e9: {  	v57 =	vld.idx.msk [tilespmem:v17+s24+$0x0], $0xffff;
	v6 =	vor.u32 v0, v6;
	v10 =	vor.u32 v0, v10;
	v18 =	vand.u32 $0xFFF, v4  }
0x1ea: {  	v4 =	vor.u32 v0, v5;
	v5 =	vshll.u32 v8, $0x4;
	v8 =	vld.idx.msk [tilespmem:v14+s24+$0x0], $0xffff;
	v19 =	vand.u32 $0xFFF, v6  }
0x1eb: {  	v11 =	vor.u32 v0, v11;
	v6 =	vld.idx.msk [tilespmem:v16+s24+$0x0], $0xffff;
	v10 =	vand.u32 $0xFFF, v10  }
0x1ec: {  	v22 =	vand.u32 $0xFFF, v11;
	v14 =	vand.u32 $0xFFF, v4;
	v4 =	vor.u32 v0, v5;
	v5 =	vld.idx.msk [tilespmem:v15+s24+$0x0], $0xffff  }
0x1ed: {  	v9 =	vshll.u32 v9, $0x4;
	v15 =	vand.u32 $0xFFF, v4;
	v4 =	vld.idx.msk [tilespmem:v3+s2+$0x0], $0xffff  }
0x1ee: {  	v12 =	vshll.u32 v12, $0x4;
	v9 =	vor.u32 v0, v9;
	v58 =	vld.idx.msk [tilespmem:v18+s2+$0x0], $0xffff  }
0x1ef: {  	v9 =	vand.u32 $0xFFF, v9;
	v11 =	vor.u32 v0, v12;
	v12 =	vshll.u32 v13, $0x4;
	v13 =	vld.idx.msk [tilespmem:v19+s2+$0x0], $0xffff  }
0x1f0: {  	v7 =	vshll.u32 v7, $0x4;
	v23 =	vand.u32 $0xFFF, v11;
	v59 =	vld.idx.msk [tilespmem:v10+s2+$0x0], $0xffff  }
0x1f1: {  	v7 =	vor.u32 v0, v7;
	v60 =	vld.idx.msk [tilespmem:v22+s2+$0x0], $0xffff  }
0x1f2: {  	s29 =	simm.s32 $0x5300;
	v7 =	vand.u32 $0xFFF, v7;
	v20 =	vld.idx.msk [tilespmem:v14+s2+$0x0], $0xffff  }
0x1f3: {  	v2 =	vshll.u32 v2, $0x4;
	v21 =	vld.idx.msk [tilespmem:v15+s2+$0x0], $0xffff;
	[tilespmem:s29+$0xA0] =	vst v4  }
0x1f4: {  	v2 =	vor.u32 v0, v2;
	v4 =	vor.u32 v0, v12;
	[tilespmem:s29+$0xFFFFFF10] =	vst v58;
	v12 =	vld.idx.msk [tilespmem:v9+s2+$0x0], $0xffff  }
0x1f5: {  	v2 =	vand.u32 $0xFFF, v2;
	v8 =	vshll.u32 v8, $0x4;
	[tilespmem:s29+$0xFFFFFF30] =	vst v13;
	v13 =	vld.idx.msk [tilespmem:v23+s2+$0x0], $0xffff  }
0x1f6: {  	v5 =	vshll.u32 v5, $0x4;
	[tilespmem:s29+$0xFFFFFFA0] =	vst v59;
	v11 =	vld.idx.msk [tilespmem:v3+s23+$0x0], $0xffff;
	v24 =	vand.u32 $0xFFF, v4;
	v3 =	vor.u32 v0, v8  }
0x1f7: {  	[tilespmem:s29+$0xFFFFFFB0] =	vst v60;
	v8 =	vld.idx.msk [tilespmem:v7+s2+$0x0], $0xffff;
	v4 =	vand.u32 $0xFFF, v3;
	v3 =	vor.u32 v0, v5;
	v5 =	vshll.u32 v6, $0x4  }
0x1f8: {  	[tilespmem:s29+$0xFFFFFF20] =	vst v20;
	v63 =	vld.idx.msk [tilespmem:v18+s23+$0x0], $0xffff;
	v5 =	vor.u32 v0, v5  }
0x1f9: {  	v10 =	vld.idx.msk [tilespmem:v10+s23+$0x0], $0xffff;
	v6 =	vshll.u32 v57, $0x4;
	[tilespmem:s29+$0xFFFFFF00] =	vst v21;
	v5 =	vand.u32 $0xFFF, v5  }
0x1fa: {  	v3 =	vand.u32 $0xFFF, v3;
	v6 =	vor.u32 v0, v6;
	v15 =	vld.idx.msk [tilespmem:v15+s23+$0x0], $0xffff;
	[tilespmem:s29+$0xFFFFFF90] =	vst v12  }
0x1fb: {  	v6 =	vand.u32 $0xFFF, v6;
	[tilespmem:s29+$0x0] =	vst v13;
	v13 =	vld.idx.msk [tilespmem:v2+s2+$0x0], $0xffff  }
0x1fc: {  	s30 =	simm.s32 $0x11B00;
	[tilespmem:s29+$0xFFFFFF80] =	vst v8;
	v8 =	vld.idx.msk [tilespmem:v4+s2+$0x0], $0xffff  }
0x1fd: {  	v61 =	vld.idx.msk [tilespmem:v24+s2+$0x0], $0xffff;
	[tilespmem:s30+$0xA0] =	vst v11  }
0x1fe: {  	[tilespmem:s30+$0xFFFFFF10] =	vst v63;
	v12 =	vld.idx.msk [tilespmem:v5+s2+$0x0], $0xffff  }
0x1ff: {  	v11 =	vld.idx.msk [tilespmem:v3+s2+$0x0], $0xffff;
	[tilespmem:s30+$0xFFFFFF00] =	vst v15  }
0x200: {  	v62 =	vld.idx.msk [tilespmem:v6+s2+$0x0], $0xffff;
	[tilespmem:s29+$0xB0] =	vst v13  }
0x201: {  	[tilespmem:s29+$0x20] =	vst v8;
	v8 =	vld.idx.msk [tilespmem:v14+s23+$0x0], $0xffff  }
0x202: {  	[tilespmem:s29+$0x10] =	vst v61;
	v14 =	vld.idx.msk [tilespmem:v19+s23+$0x0], $0xffff  }
0x203: {  	[tilespmem:s29+$0x80] =	vst v12;
	v12 =	vld.idx.msk [tilespmem:v7+s23+$0x0], $0xffff  }
0x204: {  	[tilespmem:s29+$0x30] =	vst v11;
	v11 =	vld.idx.msk [tilespmem:v9+s23+$0x0], $0xffff  }
0x205: {  	v9 =	vld.idx.msk [tilespmem:v24+s23+$0x0], $0xffff;
	[tilespmem:s29+$0x90] =	vst v62  }
0x206: {  	v7 =	vld.idx.msk [tilespmem:v22+s23+$0x0], $0xffff;
	[tilespmem:s30+$0xFFFFFF20] =	vst v8  }
0x207: {  	s31 =	simm.s32 $0x0;
	s3 =	simm.s32 $0x2587;
	v8 =	vld.idx.msk [tilespmem:v23+s23+$0x0], $0xffff;
	[tilespmem:s30+$0xFFFFFF30] =	vst v14  }
.LBB2_10:
0x208: {  	s4 =	sadd.s32 $0xFFFFE6FD, s3;
	s5 =	sadd.s32 $0xFFFFF380, s3;
	v13 =	vadd.s32 s3, v1;
	s31 =	sadd.s32 $0x10, s31;
	[tilespmem:s30+$0xFFFFFF80] =	vst v12;
	v4 =	vld.idx.msk [tilespmem:v4+s23+$0x0], $0xffff  }
0x209: {  	s6 =	sadd.s32 $0xFFFFFFFD, s3;
	v12 =	vadd.s32 s4, v1;
	s4 =	sadd.s32 $0xFFFFF37D, s3;
	v14 =	vadd.s32 s5, v1;
	p0 =	slt.u32 s31, $0x310;
	[tilespmem:s30+$0xFFFFFF90] =	vst v11;
	v3 =	vld.idx.msk [tilespmem:v3+s23+$0x0], $0xffff  }
0x20a: {  	v15 =	vadd.s32 s6, v1;
	s5 =	sadd.s32 $0xFFFFE6FE, s3;
	s6 =	sadd.s32 $0xFFFFF37E, s3;
	v11 =	vadd.s32 s4, v1;
	s4 =	sadd.s32 $0xFFFFDA7E, s3;
	[tilespmem:s30+$0xFFFFFFA0] =	vst v10;
	v5 =	vld.idx.msk [tilespmem:v5+s23+$0x0], $0xffff  }
0x20b: {  	v16 =	vadd.s32 s5, v1;
	v17 =	vadd.s32 s6, v1;
	s5 =	sadd.s32 $0xFFFFDA7F, s3;
	s6 =	sadd.s32 $0xFFFFE6FF, s3;
	v10 =	vadd.s32 s4, v1;
	s4 =	sadd.s32 $0xFFFFFFFE, s3;
	v6 =	vld.idx.msk [tilespmem:v6+s23+$0x0], $0xffff  }
0x20c: {  	v19 =	vadd.s32 s5, v1;
	v20 =	vadd.s32 s6, v1;
	s5 =	sadd.s32 $0xFFFFFFFF, s3;
	s6 =	sadd.s32 $0xFFFFDA80, s3;
	v18 =	vadd.s32 s4, v1;
	s4 =	sadd.s32 $0xFFFFF37F, s3;
	v21 =	vld.idx.msk [tilespmem:v2+s23+$0x0], $0xffff  }
0x20d: {  	s7 =	sadd.s32 $0xFFFFDA7D, s3;
	v23 =	vadd.s32 s5, v1;
	v24 =	vadd.s32 s6, v1;
	v22 =	vadd.s32 s4, v1;
	s4 =	sadd.s32 $0xFFFFE700, s3;
	v2 =	vld.idx.msk [tilespmem:v13+s24+$0x0], $0xffff  }
0x20e: {  	v13 =	vadd.s32 s7, v1;
	v25 =	vadd.s32 s4, v1;
	v14 =	vld.idx.msk [tilespmem:v14+s24+$0x0], $0xffff;
	[tilespmem:s30+$0xFFFFFFB0] =	vst v7  }
0x20f: {  	v7 =	vld.idx.msk [tilespmem:v12+s24+$0x0], $0xffff;
	[tilespmem:s30+$0x0] =	vst v8  }
0x210: {  	v8 =	vld.idx.msk [tilespmem:v11+s24+$0x0], $0xffff;
	[tilespmem:s30+$0x10] =	vst v9  }
0x211: {  	v9 =	vld.idx.msk [tilespmem:v15+s24+$0x0], $0xffff;
	[tilespmem:s30+$0x20] =	vst v4  }
0x212: {  	v4 =	vld.idx.msk [tilespmem:v10+s24+$0x0], $0xffff;
	[tilespmem:s30+$0x30] =	vst v3  }
0x213: {  	v2 =	vshll.u32 v2, $0x4;
	v3 =	vld.idx.msk [tilespmem:v13+s24+$0x0], $0xffff;
	[tilespmem:s30+$0x80] =	vst v5  }
0x214: {  	v10 =	vshll.u32 v14, $0x4;
	v2 =	vor.u32 v0, v2;
	v5 =	vld.idx.msk [tilespmem:v16+s24+$0x0], $0xffff;
	[tilespmem:s30+$0x90] =	vst v6  }
0x215: {  	v6 =	vshll.u32 v7, $0x4;
	v10 =	vor.u32 v0, v10;
	v2 =	vand.u32 $0xFFF, v2;
	v7 =	vld.idx.msk [tilespmem:v17+s24+$0x0], $0xffff;
	[tilespmem:s30+$0xB0] =	vst v21  }
0x216: {  	v6 =	vor.u32 v0, v6;
	v8 =	vshll.u32 v8, $0x4;
	v10 =	vand.u32 $0xFFF, v10;
	v11 =	vld.idx.msk [tilespmem:v18+s24+$0x0], $0xffff  }
0x217: {  	v12 =	vand.u32 $0xFFF, v6;
	v6 =	vor.u32 v0, v8;
	v8 =	vshll.u32 v9, $0x4;
	v9 =	vld.idx.msk [tilespmem:v19+s24+$0x0], $0xffff  }
0x218: {  	v13 =	vand.u32 $0xFFF, v6;
	v6 =	vor.u32 v0, v8;
	v4 =	vshll.u32 v4, $0x4;
	v8 =	vld.idx.msk [tilespmem:v20+s24+$0x0], $0xffff  }
0x219: {  	v3 =	vshll.u32 v3, $0x4;
	v14 =	vand.u32 $0xFFF, v6;
	v4 =	vor.u32 v0, v4;
	v6 =	vld.idx.msk [tilespmem:v22+s24+$0x0], $0xffff  }
0x21a: {  	v3 =	vor.u32 v0, v3;
	v15 =	vand.u32 $0xFFF, v4;
	v4 =	vshll.u32 v5, $0x4;
	v5 =	vld.idx.msk [tilespmem:v23+s24+$0x0], $0xffff  }
0x21b: {  	v16 =	vand.u32 $0xFFF, v3;
	v3 =	vor.u32 v0, v4;
	v4 =	vshll.u32 v7, $0x4;
	v7 =	vld.idx.msk [tilespmem:v10+s2+$0x0], $0xffff  }
0x21c: {  	v17 =	vand.u32 $0xFFF, v3;
	v3 =	vor.u32 v0, v4;
	v4 =	vshll.u32 v11, $0x4;
	v11 =	vld.idx.msk [tilespmem:v24+s24+$0x0], $0xffff  }
0x21d: {  	v18 =	vand.u32 $0xFFF, v3;
	v3 =	vor.u32 v0, v4;
	v4 =	vshll.u32 v9, $0x4;
	v9 =	vld.idx.msk [tilespmem:v25+s24+$0x0], $0xffff  }
0x21e: {  	v20 =	vand.u32 $0xFFF, v3;
	v3 =	vor.u32 v0, v4;
	v4 =	vshll.u32 v8, $0x4;
	v19 =	vld.idx.msk [tilespmem:v12+s2+$0x0], $0xffff  }
0x21f: {  	v21 =	vand.u32 $0xFFF, v3;
	v3 =	vor.u32 v0, v4;
	v4 =	vshll.u32 v6, $0x4;
	v8 =	vld.idx.msk [tilespmem:v13+s2+$0x0], $0xffff  }
0x220: {  	s29 =	sadd.s32 $0x200, s29;
	v23 =	vand.u32 $0xFFF, v3;
	v3 =	vor.u32 v0, v4;
	v5 =	vshll.u32 v5, $0x4;
	v22 =	vld.idx.msk [tilespmem:v16+s2+$0x0], $0xffff  }
0x221: {  	v4 =	vand.u32 $0xFFF, v3;
	v3 =	vor.u32 v0, v5;
	v24 =	vld.idx.msk [tilespmem:v14+s2+$0x0], $0xffff;
	[tilespmem:s29+$0xA0] =	vst v7  }
0x222: {  	v3 =	vand.u32 $0xFFF, v3;
	v5 =	vshll.u32 v11, $0x4;
	v7 =	vld.idx.msk [tilespmem:v10+s23+$0x0], $0xffff  }
0x223: {  	v5 =	vor.u32 v0, v5;
	v6 =	vshll.u32 v9, $0x4;
	v10 =	vld.idx.msk [tilespmem:v15+s2+$0x0], $0xffff  }
0x224: {  	v5 =	vand.u32 $0xFFF, v5;
	v6 =	vor.u32 v0, v6;
	[tilespmem:s29+$0xFFFFFF10] =	vst v19;
	v9 =	vld.idx.msk [tilespmem:v17+s2+$0x0], $0xffff  }
0x225: {  	v6 =	vand.u32 $0xFFF, v6;
	[tilespmem:s29+$0xFFFFFF20] =	vst v8;
	v8 =	vld.idx.msk [tilespmem:v18+s2+$0x0], $0xffff  }
0x226: {  	[tilespmem:s29+$0xFFFFFF00] =	vst v22;
	v11 =	vld.idx.msk [tilespmem:v20+s2+$0x0], $0xffff  }
0x227: {  	s30 =	sadd.s32 $0x200, s30;
	[tilespmem:s29+$0xFFFFFF30] =	vst v24;
	v19 =	vld.idx.msk [tilespmem:v21+s2+$0x0], $0xffff  }
0x228: {  	v22 =	vld.idx.msk [tilespmem:v23+s2+$0x0], $0xffff;
	[tilespmem:s30+$0xA0] =	vst v7  }
0x229: {  	[tilespmem:s29+$0xFFFFFF80] =	vst v10;
	v7 =	vld.idx.msk [tilespmem:v4+s2+$0x0], $0xffff  }
0x22a: {  	[tilespmem:s29+$0xFFFFFF90] =	vst v9;
	v9 =	vld.idx.msk [tilespmem:v3+s2+$0x0], $0xffff  }
0x22b: {  	[tilespmem:s29+$0xFFFFFFA0] =	vst v8;
	v8 =	vld.idx.msk [tilespmem:v5+s2+$0x0], $0xffff  }
0x22c: {  	[tilespmem:s29+$0xFFFFFFB0] =	vst v11;
	v10 =	vld.idx.msk [tilespmem:v6+s2+$0x0], $0xffff  }
0x22d: {  	[tilespmem:s29+$0x0] =	vst v19;
	v19 =	vld.idx.msk [tilespmem:v2+s2+$0x0], $0xffff  }
0x22e: {  	v16 =	vld.idx.msk [tilespmem:v16+s23+$0x0], $0xffff;
	[tilespmem:s29+$0x10] =	vst v22  }
0x22f: {  	v22 =	vld.idx.msk [tilespmem:v12+s23+$0x0], $0xffff;
	[tilespmem:s29+$0x20] =	vst v7  }
0x230: {  	v13 =	vld.idx.msk [tilespmem:v13+s23+$0x0], $0xffff;
	[tilespmem:s29+$0x30] =	vst v9  }
0x231: {  	v9 =	vld.idx.msk [tilespmem:v14+s23+$0x0], $0xffff;
	[tilespmem:s29+$0x80] =	vst v8  }
0x232: {  	v12 =	vld.idx.msk [tilespmem:v15+s23+$0x0], $0xffff;
	[tilespmem:s29+$0x90] =	vst v10  }
.Ltmp4:
0x233: {  	v11 =	vld.idx.msk [tilespmem:v17+s23+$0x0], $0xffff;
	[tilespmem:s29+$0xB0] =	vst v19;
	(pc) =	sbr.rel @p0 .LBB2_10-.Ltmp4, $4  }
0x234: {  	[tilespmem:s30+$0xFFFFFF00] =	vst v16;
	v10 =	vld.idx.msk [tilespmem:v18+s23+$0x0], $0xffff  }
0x235: {  	[tilespmem:s30+$0xFFFFFF10] =	vst v22;
	v7 =	vld.idx.msk [tilespmem:v20+s23+$0x0], $0xffff  }
0x236: {  	[tilespmem:s30+$0xFFFFFF20] =	vst v13;
	v8 =	vld.idx.msk [tilespmem:v21+s23+$0x0], $0xffff  }
0x237: {  	s3 =	sadd.s32 $0x4, s3;
	[tilespmem:s30+$0xFFFFFF30] =	vst v9;
	v9 =	vld.idx.msk [tilespmem:v23+s23+$0x0], $0xffff  }
0x238: {  	_ =	sdelay $0x2  }
0x239: {  	[tilespmem:s30+$0xFFFFFF80] =	vst v12  }
0x23a: {  	v4 =	vld.idx.msk [tilespmem:v4+s23+$0x0], $0xffff;
	[tilespmem:s30+$0xFFFFFF90] =	vst v11  }
0x23b: {  	v3 =	vld.idx.msk [tilespmem:v3+s23+$0x0], $0xffff;
	[tilespmem:s30+$0xFFFFFFA0] =	vst v10  }
0x23c: {  	v5 =	vld.idx.msk [tilespmem:v5+s23+$0x0], $0xffff;
	[tilespmem:s30+$0xFFFFFFB0] =	vst v7  }
0x23d: {  	v6 =	vld.idx.msk [tilespmem:v6+s23+$0x0], $0xffff;
	[tilespmem:s30+$0x0] =	vst v8  }
0x23e: {  	v2 =	vld.idx.msk [tilespmem:v2+s23+$0x0], $0xffff;
	[tilespmem:s30+$0x10] =	vst v9  }
0x23f: {  	[tilespmem:s30+$0x20] =	vst v4  }
0x240: {  	[tilespmem:s30+$0x30] =	vst v3  }
0x241: {  	[tilespmem:s30+$0x80] =	vst v5  }
0x242: {  	s3 =	simm.s32 $0x2583;
	[tilespmem:s30+$0x90] =	vst v6  }
0x243: {  	s4 =	simm.s32 $0x1903;
	s5 =	simm.s32 $0xC80;
	[tilespmem:s30+$0xB0] =	vst v2;
	v2 =	vadd.s32 s3, v1  }
0x244: {  	v3 =	vadd.s32 s4, v1;
	[tilespmem:s24], [sflag:$0x3] =	stream.linear.gather [hbm4b:s14+s2], $0x3200, $0x38;
	[tilespmem:$0x1E200] =	vst v63  }
0x245: {  	s6 =	simm.s32 $0x1900;
	v4 =	vadd.s32 s5, v1;
	_ =	swait.ge [sflag:s22], $0x3200  }
0x246: {  	s7 =	simm.s32 $0x2580;
	v5 =	vadd.s32 s6, v1;
	[sflag:s22] =	ssyncset.done $0x0  }
0x247: {  	v6 =	vadd.s32 s7, v1;
	s4 =	simm.s32 $0x1;
	[sflag:s22] =	ssyncadd.s32 $0xFFFFCE00  }
0x248: {  	s5 =	simm.s32 $0x0;
	v7 =	vadd.s32 s4, v1;
	v2 =	vld.idx.msk [tilespmem:v2+s24+$0x0], $0xffff  }
0x249: {  	s7 =	simm.s32 $0x1901;
	v8 =	vadd.s32 s5, v1;
	v3 =	vld.idx.msk [tilespmem:v3+s24+$0x0], $0xffff  }
0x24a: {  	s6 =	simm.s32 $0xC81;
	v10 =	vadd.s32 s7, v1;
	v4 =	vld.idx.msk [tilespmem:v4+s24+$0x0], $0xffff  }
0x24b: {  	v9 =	vadd.s32 s6, v1;
	s5 =	simm.s32 $0x2581;
	v5 =	vld.idx.msk [tilespmem:v5+s24+$0x0], $0xffff  }
0x24c: {  	s6 =	simm.s32 $0x2;
	v11 =	vadd.s32 s5, v1;
	v6 =	vld.idx.msk [tilespmem:v6+s24+$0x0], $0xffff  }
0x24d: {  	s7 =	simm.s32 $0xC82;
	v12 =	vadd.s32 s6, v1;
	v7 =	vld.idx.msk [tilespmem:v7+s24+$0x0], $0xffff  }
0x24e: {  	v13 =	vadd.s32 s7, v1;
	s7 =	simm.s32 $0xC83;
	v8 =	vld.idx.msk [tilespmem:v8+s24+$0x0], $0xffff  }
0x24f: {  	s4 =	simm.s32 $0x1902;
	v17 =	vadd.s32 s7, v1;
	v10 =	vld.idx.msk [tilespmem:v10+s24+$0x0], $0xffff  }
0x250: {  	s5 =	simm.s32 $0x2582;
	v14 =	vadd.s32 s4, v1;
	s6 =	simm.s32 $0x3;
	v9 =	vld.idx.msk [tilespmem:v9+s24+$0x0], $0xffff  }
0x251: {  	v15 =	vadd.s32 s5, v1;
	v16 =	vadd.s32 s6, v1;
	v11 =	vld.idx.msk [tilespmem:v11+s24+$0x0], $0xffff;
	v3 =	vshll.u32 v3, $0x4  }
0x252: {  	v12 =	vld.idx.msk [tilespmem:v12+s24+$0x0], $0xffff;
	v4 =	vshll.u32 v4, $0x4;
	v5 =	vshll.u32 v5, $0x4;
	v3 =	vor.u32 v0, v3  }
0x253: {  	v13 =	vld.idx.msk [tilespmem:v13+s24+$0x0], $0xffff;
	v6 =	vshll.u32 v6, $0x4;
	v4 =	vor.u32 v0, v4;
	v3 =	vand.u32 $0xFFF, v3  }
0x254: {  	v57 =	vld.idx.msk [tilespmem:v17+s24+$0x0], $0xffff;
	v6 =	vor.u32 v0, v6;
	v10 =	vshll.u32 v10, $0x4;
	v18 =	vand.u32 $0xFFF, v4  }
0x255: {  	v4 =	vor.u32 v0, v5;
	v5 =	vshll.u32 v8, $0x4;
	v8 =	vld.idx.msk [tilespmem:v14+s24+$0x0], $0xffff;
	v19 =	vand.u32 $0xFFF, v6  }
0x256: {  	v6 =	vld.idx.msk [tilespmem:v16+s24+$0x0], $0xffff;
	v10 =	vor.u32 v0, v10;
	v14 =	vand.u32 $0xFFF, v4  }
0x257: {  	v11 =	vshll.u32 v11, $0x4;
	v4 =	vor.u32 v0, v5;
	v5 =	vld.idx.msk [tilespmem:v15+s24+$0x0], $0xffff;
	v10 =	vand.u32 $0xFFF, v10  }
0x258: {  	v9 =	vshll.u32 v9, $0x4;
	v11 =	vor.u32 v0, v11;
	v15 =	vand.u32 $0xFFF, v4;
	v4 =	vld.idx.msk [tilespmem:v3+s2+$0x0], $0xffff  }
0x259: {  	v9 =	vor.u32 v0, v9;
	v12 =	vshll.u32 v12, $0x4;
	v22 =	vand.u32 $0xFFF, v11;
	v58 =	vld.idx.msk [tilespmem:v18+s2+$0x0], $0xffff  }
0x25a: {  	v9 =	vand.u32 $0xFFF, v9;
	v11 =	vor.u32 v0, v12;
	v12 =	vshll.u32 v13, $0x4;
	v13 =	vld.idx.msk [tilespmem:v19+s2+$0x0], $0xffff  }
0x25b: {  	v7 =	vshll.u32 v7, $0x4;
	v23 =	vand.u32 $0xFFF, v11;
	v20 =	vld.idx.msk [tilespmem:v14+s2+$0x0], $0xffff  }
0x25c: {  	v7 =	vor.u32 v0, v7;
	v59 =	vld.idx.msk [tilespmem:v10+s2+$0x0], $0xffff  }
0x25d: {  	s29 =	simm.s32 $0x5340;
	v7 =	vand.u32 $0xFFF, v7;
	v21 =	vld.idx.msk [tilespmem:v15+s2+$0x0], $0xffff  }
0x25e: {  	v2 =	vshll.u32 v2, $0x4;
	v60 =	vld.idx.msk [tilespmem:v22+s2+$0x0], $0xffff;
	[tilespmem:s29+$0xA0] =	vst v4  }
0x25f: {  	v2 =	vor.u32 v0, v2;
	v4 =	vor.u32 v0, v12;
	[tilespmem:s29+$0xFFFFFF10] =	vst v58;
	v12 =	vld.idx.msk [tilespmem:v9+s2+$0x0], $0xffff  }
0x260: {  	v2 =	vand.u32 $0xFFF, v2;
	v8 =	vshll.u32 v8, $0x4;
	[tilespmem:s29+$0xFFFFFF30] =	vst v13;
	v13 =	vld.idx.msk [tilespmem:v23+s2+$0x0], $0xffff  }
0x261: {  	v5 =	vshll.u32 v5, $0x4;
	v11 =	vld.idx.msk [tilespmem:v3+s23+$0x0], $0xffff;
	v24 =	vand.u32 $0xFFF, v4;
	v3 =	vor.u32 v0, v8;
	[tilespmem:s29+$0xFFFFFF20] =	vst v20  }
0x262: {  	v8 =	vld.idx.msk [tilespmem:v7+s2+$0x0], $0xffff;
	[tilespmem:s29+$0xFFFFFFA0] =	vst v59;
	v4 =	vand.u32 $0xFFF, v3;
	v3 =	vor.u32 v0, v5;
	v5 =	vshll.u32 v6, $0x4  }
0x263: {  	v63 =	vld.idx.msk [tilespmem:v18+s23+$0x0], $0xffff;
	[tilespmem:s29+$0xFFFFFF00] =	vst v21;
	v5 =	vor.u32 v0, v5  }
0x264: {  	v6 =	vshll.u32 v57, $0x4;
	[tilespmem:s29+$0xFFFFFFB0] =	vst v60;
	v10 =	vld.idx.msk [tilespmem:v10+s23+$0x0], $0xffff;
	v5 =	vand.u32 $0xFFF, v5  }
0x265: {  	v3 =	vand.u32 $0xFFF, v3;
	v6 =	vor.u32 v0, v6;
	v15 =	vld.idx.msk [tilespmem:v15+s23+$0x0], $0xffff;
	[tilespmem:s29+$0xFFFFFF90] =	vst v12  }
0x266: {  	v6 =	vand.u32 $0xFFF, v6;
	[tilespmem:s29+$0x0] =	vst v13;
	v13 =	vld.idx.msk [tilespmem:v2+s2+$0x0], $0xffff  }
0x267: {  	s30 =	simm.s32 $0x11B40;
	[tilespmem:s29+$0xFFFFFF80] =	vst v8;
	v8 =	vld.idx.msk [tilespmem:v4+s2+$0x0], $0xffff  }
0x268: {  	v61 =	vld.idx.msk [tilespmem:v24+s2+$0x0], $0xffff;
	[tilespmem:s30+$0xA0] =	vst v11  }
0x269: {  	[tilespmem:s30+$0xFFFFFF10] =	vst v63;
	v12 =	vld.idx.msk [tilespmem:v5+s2+$0x0], $0xffff  }
0x26a: {  	v11 =	vld.idx.msk [tilespmem:v3+s2+$0x0], $0xffff;
	[tilespmem:s30+$0xFFFFFF00] =	vst v15  }
0x26b: {  	v62 =	vld.idx.msk [tilespmem:v6+s2+$0x0], $0xffff;
	[tilespmem:s29+$0xB0] =	vst v13  }
0x26c: {  	[tilespmem:s29+$0x20] =	vst v8;
	v8 =	vld.idx.msk [tilespmem:v14+s23+$0x0], $0xffff  }
0x26d: {  	[tilespmem:s29+$0x10] =	vst v61;
	v14 =	vld.idx.msk [tilespmem:v19+s23+$0x0], $0xffff  }
0x26e: {  	[tilespmem:s29+$0x80] =	vst v12;
	v12 =	vld.idx.msk [tilespmem:v7+s23+$0x0], $0xffff  }
0x26f: {  	[tilespmem:s29+$0x30] =	vst v11;
	v11 =	vld.idx.msk [tilespmem:v9+s23+$0x0], $0xffff  }
0x270: {  	v9 =	vld.idx.msk [tilespmem:v24+s23+$0x0], $0xffff;
	[tilespmem:s29+$0x90] =	vst v62  }
0x271: {  	v7 =	vld.idx.msk [tilespmem:v22+s23+$0x0], $0xffff;
	[tilespmem:s30+$0xFFFFFF20] =	vst v8  }
0x272: {  	s31 =	simm.s32 $0x0;
	s3 =	simm.s32 $0x2587;
	v8 =	vld.idx.msk [tilespmem:v23+s23+$0x0], $0xffff;
	[tilespmem:s30+$0xFFFFFF30] =	vst v14  }
.LBB2_12:
0x273: {  	s4 =	sadd.s32 $0xFFFFE6FD, s3;
	s5 =	sadd.s32 $0xFFFFF380, s3;
	v13 =	vadd.s32 s3, v1;
	s31 =	sadd.s32 $0x10, s31;
	[tilespmem:s30+$0xFFFFFF80] =	vst v12;
	v4 =	vld.idx.msk [tilespmem:v4+s23+$0x0], $0xffff  }
0x274: {  	s6 =	sadd.s32 $0xFFFFFFFD, s3;
	v12 =	vadd.s32 s4, v1;
	s4 =	sadd.s32 $0xFFFFF37D, s3;
	v14 =	vadd.s32 s5, v1;
	p0 =	slt.u32 s31, $0x310;
	[tilespmem:s30+$0xFFFFFF90] =	vst v11;
	v3 =	vld.idx.msk [tilespmem:v3+s23+$0x0], $0xffff  }
0x275: {  	v15 =	vadd.s32 s6, v1;
	s5 =	sadd.s32 $0xFFFFE6FE, s3;
	s6 =	sadd.s32 $0xFFFFF37E, s3;
	v11 =	vadd.s32 s4, v1;
	s4 =	sadd.s32 $0xFFFFDA7E, s3;
	[tilespmem:s30+$0xFFFFFFA0] =	vst v10;
	v5 =	vld.idx.msk [tilespmem:v5+s23+$0x0], $0xffff  }
0x276: {  	v16 =	vadd.s32 s5, v1;
	v17 =	vadd.s32 s6, v1;
	s5 =	sadd.s32 $0xFFFFDA7F, s3;
	s6 =	sadd.s32 $0xFFFFE6FF, s3;
	v10 =	vadd.s32 s4, v1;
	s4 =	sadd.s32 $0xFFFFFFFE, s3;
	v6 =	vld.idx.msk [tilespmem:v6+s23+$0x0], $0xffff  }
0x277: {  	v19 =	vadd.s32 s5, v1;
	v20 =	vadd.s32 s6, v1;
	s5 =	sadd.s32 $0xFFFFFFFF, s3;
	s6 =	sadd.s32 $0xFFFFDA80, s3;
	v18 =	vadd.s32 s4, v1;
	s4 =	sadd.s32 $0xFFFFF37F, s3;
	v21 =	vld.idx.msk [tilespmem:v2+s23+$0x0], $0xffff  }
0x278: {  	s7 =	sadd.s32 $0xFFFFDA7D, s3;
	v23 =	vadd.s32 s5, v1;
	v24 =	vadd.s32 s6, v1;
	v22 =	vadd.s32 s4, v1;
	s4 =	sadd.s32 $0xFFFFE700, s3;
	v2 =	vld.idx.msk [tilespmem:v13+s24+$0x0], $0xffff  }
0x279: {  	v13 =	vadd.s32 s7, v1;
	v25 =	vadd.s32 s4, v1;
	v14 =	vld.idx.msk [tilespmem:v14+s24+$0x0], $0xffff;
	[tilespmem:s30+$0xFFFFFFB0] =	vst v7  }
0x27a: {  	v7 =	vld.idx.msk [tilespmem:v12+s24+$0x0], $0xffff;
	[tilespmem:s30+$0x0] =	vst v8  }
0x27b: {  	v8 =	vld.idx.msk [tilespmem:v11+s24+$0x0], $0xffff;
	[tilespmem:s30+$0x10] =	vst v9  }
0x27c: {  	v9 =	vld.idx.msk [tilespmem:v15+s24+$0x0], $0xffff;
	[tilespmem:s30+$0x20] =	vst v4  }
0x27d: {  	v4 =	vld.idx.msk [tilespmem:v10+s24+$0x0], $0xffff;
	[tilespmem:s30+$0x30] =	vst v3  }
0x27e: {  	v2 =	vshll.u32 v2, $0x4;
	v3 =	vld.idx.msk [tilespmem:v13+s24+$0x0], $0xffff;
	[tilespmem:s30+$0x80] =	vst v5  }
0x27f: {  	v10 =	vshll.u32 v14, $0x4;
	v2 =	vor.u32 v0, v2;
	v5 =	vld.idx.msk [tilespmem:v16+s24+$0x0], $0xffff;
	[tilespmem:s30+$0x90] =	vst v6  }
0x280: {  	v6 =	vshll.u32 v7, $0x4;
	v10 =	vor.u32 v0, v10;
	v2 =	vand.u32 $0xFFF, v2;
	v7 =	vld.idx.msk [tilespmem:v17+s24+$0x0], $0xffff;
	[tilespmem:s30+$0xB0] =	vst v21  }
0x281: {  	v6 =	vor.u32 v0, v6;
	v8 =	vshll.u32 v8, $0x4;
	v10 =	vand.u32 $0xFFF, v10;
	v11 =	vld.idx.msk [tilespmem:v18+s24+$0x0], $0xffff  }
0x282: {  	v12 =	vand.u32 $0xFFF, v6;
	v6 =	vor.u32 v0, v8;
	v8 =	vshll.u32 v9, $0x4;
	v9 =	vld.idx.msk [tilespmem:v19+s24+$0x0], $0xffff  }
0x283: {  	v13 =	vand.u32 $0xFFF, v6;
	v6 =	vor.u32 v0, v8;
	v4 =	vshll.u32 v4, $0x4;
	v8 =	vld.idx.msk [tilespmem:v20+s24+$0x0], $0xffff  }
0x284: {  	v3 =	vshll.u32 v3, $0x4;
	v14 =	vand.u32 $0xFFF, v6;
	v4 =	vor.u32 v0, v4;
	v6 =	vld.idx.msk [tilespmem:v22+s24+$0x0], $0xffff  }
0x285: {  	v3 =	vor.u32 v0, v3;
	v15 =	vand.u32 $0xFFF, v4;
	v4 =	vshll.u32 v5, $0x4;
	v5 =	vld.idx.msk [tilespmem:v23+s24+$0x0], $0xffff  }
0x286: {  	v16 =	vand.u32 $0xFFF, v3;
	v3 =	vor.u32 v0, v4;
	v4 =	vshll.u32 v7, $0x4;
	v7 =	vld.idx.msk [tilespmem:v10+s2+$0x0], $0xffff  }
0x287: {  	v17 =	vand.u32 $0xFFF, v3;
	v3 =	vor.u32 v0, v4;
	v4 =	vshll.u32 v11, $0x4;
	v11 =	vld.idx.msk [tilespmem:v24+s24+$0x0], $0xffff  }
0x288: {  	v18 =	vand.u32 $0xFFF, v3;
	v3 =	vor.u32 v0, v4;
	v4 =	vshll.u32 v9, $0x4;
	v9 =	vld.idx.msk [tilespmem:v25+s24+$0x0], $0xffff  }
0x289: {  	v20 =	vand.u32 $0xFFF, v3;
	v3 =	vor.u32 v0, v4;
	v4 =	vshll.u32 v8, $0x4;
	v19 =	vld.idx.msk [tilespmem:v12+s2+$0x0], $0xffff  }
0x28a: {  	v21 =	vand.u32 $0xFFF, v3;
	v3 =	vor.u32 v0, v4;
	v4 =	vshll.u32 v6, $0x4;
	v8 =	vld.idx.msk [tilespmem:v13+s2+$0x0], $0xffff  }
0x28b: {  	s29 =	sadd.s32 $0x200, s29;
	v23 =	vand.u32 $0xFFF, v3;
	v3 =	vor.u32 v0, v4;
	v5 =	vshll.u32 v5, $0x4;
	v22 =	vld.idx.msk [tilespmem:v16+s2+$0x0], $0xffff  }
0x28c: {  	v4 =	vand.u32 $0xFFF, v3;
	v3 =	vor.u32 v0, v5;
	v24 =	vld.idx.msk [tilespmem:v14+s2+$0x0], $0xffff;
	[tilespmem:s29+$0xA0] =	vst v7  }
0x28d: {  	v3 =	vand.u32 $0xFFF, v3;
	v5 =	vshll.u32 v11, $0x4;
	v7 =	vld.idx.msk [tilespmem:v10+s23+$0x0], $0xffff  }
0x28e: {  	v5 =	vor.u32 v0, v5;
	v6 =	vshll.u32 v9, $0x4;
	v10 =	vld.idx.msk [tilespmem:v15+s2+$0x0], $0xffff  }
0x28f: {  	v5 =	vand.u32 $0xFFF, v5;
	v6 =	vor.u32 v0, v6;
	[tilespmem:s29+$0xFFFFFF10] =	vst v19;
	v9 =	vld.idx.msk [tilespmem:v17+s2+$0x0], $0xffff  }
0x290: {  	v6 =	vand.u32 $0xFFF, v6;
	[tilespmem:s29+$0xFFFFFF20] =	vst v8;
	v8 =	vld.idx.msk [tilespmem:v18+s2+$0x0], $0xffff  }
0x291: {  	[tilespmem:s29+$0xFFFFFF00] =	vst v22;
	v11 =	vld.idx.msk [tilespmem:v20+s2+$0x0], $0xffff  }
0x292: {  	s30 =	sadd.s32 $0x200, s30;
	[tilespmem:s29+$0xFFFFFF30] =	vst v24;
	v19 =	vld.idx.msk [tilespmem:v21+s2+$0x0], $0xffff  }
0x293: {  	v22 =	vld.idx.msk [tilespmem:v23+s2+$0x0], $0xffff;
	[tilespmem:s30+$0xA0] =	vst v7  }
0x294: {  	[tilespmem:s29+$0xFFFFFF80] =	vst v10;
	v7 =	vld.idx.msk [tilespmem:v4+s2+$0x0], $0xffff  }
0x295: {  	[tilespmem:s29+$0xFFFFFF90] =	vst v9;
	v9 =	vld.idx.msk [tilespmem:v3+s2+$0x0], $0xffff  }
0x296: {  	[tilespmem:s29+$0xFFFFFFA0] =	vst v8;
	v8 =	vld.idx.msk [tilespmem:v5+s2+$0x0], $0xffff  }
0x297: {  	[tilespmem:s29+$0xFFFFFFB0] =	vst v11;
	v10 =	vld.idx.msk [tilespmem:v6+s2+$0x0], $0xffff  }
0x298: {  	[tilespmem:s29+$0x0] =	vst v19;
	v19 =	vld.idx.msk [tilespmem:v2+s2+$0x0], $0xffff  }
0x299: {  	v16 =	vld.idx.msk [tilespmem:v16+s23+$0x0], $0xffff;
	[tilespmem:s29+$0x10] =	vst v22  }
0x29a: {  	v22 =	vld.idx.msk [tilespmem:v12+s23+$0x0], $0xffff;
	[tilespmem:s29+$0x20] =	vst v7  }
0x29b: {  	v13 =	vld.idx.msk [tilespmem:v13+s23+$0x0], $0xffff;
	[tilespmem:s29+$0x30] =	vst v9  }
0x29c: {  	v9 =	vld.idx.msk [tilespmem:v14+s23+$0x0], $0xffff;
	[tilespmem:s29+$0x80] =	vst v8  }
0x29d: {  	v12 =	vld.idx.msk [tilespmem:v15+s23+$0x0], $0xffff;
	[tilespmem:s29+$0x90] =	vst v10  }
.Ltmp5:
0x29e: {  	v11 =	vld.idx.msk [tilespmem:v17+s23+$0x0], $0xffff;
	[tilespmem:s29+$0xB0] =	vst v19;
	(pc) =	sbr.rel @p0 .LBB2_12-.Ltmp5, $4  }
0x29f: {  	[tilespmem:s30+$0xFFFFFF00] =	vst v16;
	v10 =	vld.idx.msk [tilespmem:v18+s23+$0x0], $0xffff  }
0x2a0: {  	[tilespmem:s30+$0xFFFFFF10] =	vst v22;
	v7 =	vld.idx.msk [tilespmem:v20+s23+$0x0], $0xffff  }
0x2a1: {  	[tilespmem:s30+$0xFFFFFF20] =	vst v13;
	v8 =	vld.idx.msk [tilespmem:v21+s23+$0x0], $0xffff  }
0x2a2: {  	s3 =	sadd.s32 $0x4, s3;
	[tilespmem:s30+$0xFFFFFF30] =	vst v9;
	v9 =	vld.idx.msk [tilespmem:v23+s23+$0x0], $0xffff  }
0x2a3: {  	_ =	sdelay $0x2  }
0x2a4: {  	[tilespmem:s30+$0xFFFFFF80] =	vst v12  }
0x2a5: {  	v4 =	vld.idx.msk [tilespmem:v4+s23+$0x0], $0xffff;
	[tilespmem:s30+$0xFFFFFF90] =	vst v11  }
0x2a6: {  	v3 =	vld.idx.msk [tilespmem:v3+s23+$0x0], $0xffff;
	[tilespmem:s30+$0xFFFFFFA0] =	vst v10  }
0x2a7: {  	v5 =	vld.idx.msk [tilespmem:v5+s23+$0x0], $0xffff;
	[tilespmem:s30+$0xFFFFFFB0] =	vst v7  }
0x2a8: {  	v6 =	vld.idx.msk [tilespmem:v6+s23+$0x0], $0xffff;
	[tilespmem:s30+$0x0] =	vst v8  }
0x2a9: {  	v2 =	vld.idx.msk [tilespmem:v2+s23+$0x0], $0xffff;
	[tilespmem:s30+$0x10] =	vst v9  }
0x2aa: {  	[tilespmem:s30+$0x20] =	vst v4  }
0x2ab: {  	[tilespmem:s30+$0x30] =	vst v3  }
0x2ac: {  	[tilespmem:s30+$0x80] =	vst v5  }
0x2ad: {  	[tilespmem:s30+$0x90] =	vst v6  }
0x2ae: {  	s3 =	simm.s32 $0x5200;
	[tilespmem:s30+$0xB0] =	vst v2  }
0x2af: {  	[hbm4b:s15+s25] =	stream.strided.scatter [tilespmem:s3], [sflag:$0x1], $0x6400, s26, s25, $0x38;
	[tilespmem:$0x1E200] =	vst v63  }
0x2b0: {  	s6 =	simm.s32 $0x11A00  }
0x2b1: {  	[hbm4b:s16+s25] =	stream.strided.scatter [tilespmem:s6], [sflag:$0x1], $0x6400, s26, s25, $0x38;
	[tilespmem:$0x1E200] =	vst v63  }
0x2b2: {  	_ =	swait.ge [sflag:s1], $0x6400  }
0x2b3: {  	[sflag:s1] =	ssyncset.done $0x0  }
0x2b4: {  	[sflag:s1] =	ssyncadd.s32 $0xFFFF9C00  }
0x2b5: {  	_ =	swait.ge [sflag:s1], $0x6400  }
0x2b6: {  	s7 =	simm.s32 $0x2583;
	[sflag:s1] =	ssyncset.done $0x0  }
0x2b7: {  	s4 =	simm.s32 $0x1903;
	s5 =	simm.s32 $0xC80;
	v2 =	vadd.s32 s7, v1;
	[sflag:s1] =	ssyncadd.s32 $0xFFFF9C00  }
0x2b8: {  	v3 =	vadd.s32 s4, v1;
	[tilespmem:s24], [sflag:$0x3] =	stream.linear.gather [hbm4b:s17+s2], $0x3200, $0x38;
	[tilespmem:$0x1E200] =	vst v63  }
0x2b9: {  	v4 =	vadd.s32 s5, v1;
	s6 =	simm.s32 $0x1900;
	_ =	swait.ge [sflag:s22], $0x3200  }
0x2ba: {  	s7 =	simm.s32 $0x2580;
	v5 =	vadd.s32 s6, v1;
	[sflag:s22] =	ssyncset.done $0x0  }
0x2bb: {  	s5 =	simm.s32 $0x0;
	v6 =	vadd.s32 s7, v1;
	s7 =	simm.s32 $0x1901;
	[sflag:s22] =	ssyncadd.s32 $0xFFFFCE00  }
0x2bc: {  	v8 =	vadd.s32 s5, v1;
	s5 =	simm.s32 $0x2581;
	v10 =	vadd.s32 s7, v1;
	v2 =	vld.idx.msk [tilespmem:v2+s24+$0x0], $0xffff  }
0x2bd: {  	s4 =	simm.s32 $0x1;
	v11 =	vadd.s32 s5, v1;
	v3 =	vld.idx.msk [tilespmem:v3+s24+$0x0], $0xffff  }
0x2be: {  	v7 =	vadd.s32 s4, v1;
	v4 =	vld.idx.msk [tilespmem:v4+s24+$0x0], $0xffff  }
0x2bf: {  	s6 =	simm.s32 $0xC81;
	v5 =	vld.idx.msk [tilespmem:v5+s24+$0x0], $0xffff  }
0x2c0: {  	v9 =	vadd.s32 s6, v1;
	s6 =	simm.s32 $0x2;
	v6 =	vld.idx.msk [tilespmem:v6+s24+$0x0], $0xffff  }
0x2c1: {  	s7 =	simm.s32 $0xC82;
	v12 =	vadd.s32 s6, v1;
	v10 =	vld.idx.msk [tilespmem:v10+s24+$0x0], $0xffff  }
0x2c2: {  	v13 =	vadd.s32 s7, v1;
	s7 =	simm.s32 $0xC83;
	v11 =	vld.idx.msk [tilespmem:v11+s24+$0x0], $0xffff  }
0x2c3: {  	s4 =	simm.s32 $0x1902;
	s5 =	simm.s32 $0x2582;
	v17 =	vadd.s32 s7, v1;
	s6 =	simm.s32 $0x3;
	v7 =	vld.idx.msk [tilespmem:v7+s24+$0x0], $0xffff  }
0x2c4: {  	v14 =	vadd.s32 s4, v1;
	v15 =	vadd.s32 s5, v1;
	v16 =	vadd.s32 s6, v1;
	v8 =	vld.idx.msk [tilespmem:v8+s24+$0x0], $0xffff  }
0x2c5: {  	v9 =	vld.idx.msk [tilespmem:v9+s24+$0x0], $0xffff;
	v3 =	vshll.u32 v3, $0x4;
	v4 =	vshll.u32 v4, $0x4;
	v5 =	vshll.u32 v5, $0x4  }
0x2c6: {  	v12 =	vld.idx.msk [tilespmem:v12+s24+$0x0], $0xffff;
	v6 =	vshll.u32 v6, $0x4;
	v10 =	vshll.u32 v10, $0x4;
	v3 =	vor.u32 v0, v3  }
0x2c7: {  	v13 =	vld.idx.msk [tilespmem:v13+s24+$0x0], $0xffff;
	v11 =	vshll.u32 v11, $0x4;
	v4 =	vor.u32 v0, v4;
	v3 =	vand.u32 $0xFFF, v3  }
0x2c8: {  	v57 =	vld.idx.msk [tilespmem:v17+s24+$0x0], $0xffff;
	v6 =	vor.u32 v0, v6;
	v10 =	vor.u32 v0, v10;
	v18 =	vand.u32 $0xFFF, v4  }
0x2c9: {  	v4 =	vor.u32 v0, v5;
	v5 =	vshll.u32 v8, $0x4;
	v8 =	vld.idx.msk [tilespmem:v14+s24+$0x0], $0xffff;
	v19 =	vand.u32 $0xFFF, v6  }
0x2ca: {  	v11 =	vor.u32 v0, v11;
	v6 =	vld.idx.msk [tilespmem:v16+s24+$0x0], $0xffff;
	v10 =	vand.u32 $0xFFF, v10  }
0x2cb: {  	v22 =	vand.u32 $0xFFF, v11;
	v14 =	vand.u32 $0xFFF, v4;
	v4 =	vor.u32 v0, v5;
	v5 =	vld.idx.msk [tilespmem:v15+s24+$0x0], $0xffff  }
0x2cc: {  	v9 =	vshll.u32 v9, $0x4;
	v15 =	vand.u32 $0xFFF, v4;
	v4 =	vld.idx.msk [tilespmem:v3+s2+$0x0], $0xffff  }
0x2cd: {  	v12 =	vshll.u32 v12, $0x4;
	v9 =	vor.u32 v0, v9;
	v58 =	vld.idx.msk [tilespmem:v18+s2+$0x0], $0xffff  }
0x2ce: {  	v9 =	vand.u32 $0xFFF, v9;
	v11 =	vor.u32 v0, v12;
	v12 =	vshll.u32 v13, $0x4;
	v13 =	vld.idx.msk [tilespmem:v19+s2+$0x0], $0xffff  }
0x2cf: {  	v7 =	vshll.u32 v7, $0x4;
	v23 =	vand.u32 $0xFFF, v11;
	v59 =	vld.idx.msk [tilespmem:v10+s2+$0x0], $0xffff  }
0x2d0: {  	v7 =	vor.u32 v0, v7;
	v60 =	vld.idx.msk [tilespmem:v22+s2+$0x0], $0xffff  }
0x2d1: {  	s29 =	simm.s32 $0xB700;
	v7 =	vand.u32 $0xFFF, v7;
	v20 =	vld.idx.msk [tilespmem:v14+s2+$0x0], $0xffff  }
0x2d2: {  	v2 =	vshll.u32 v2, $0x4;
	v21 =	vld.idx.msk [tilespmem:v15+s2+$0x0], $0xffff;
	[tilespmem:s29+$0xA0] =	vst v4  }
0x2d3: {  	v2 =	vor.u32 v0, v2;
	v4 =	vor.u32 v0, v12;
	[tilespmem:s29+$0xFFFFFF10] =	vst v58;
	v12 =	vld.idx.msk [tilespmem:v9+s2+$0x0], $0xffff  }
0x2d4: {  	v2 =	vand.u32 $0xFFF, v2;
	v8 =	vshll.u32 v8, $0x4;
	[tilespmem:s29+$0xFFFFFF30] =	vst v13;
	v13 =	vld.idx.msk [tilespmem:v23+s2+$0x0], $0xffff  }
0x2d5: {  	v5 =	vshll.u32 v5, $0x4;
	[tilespmem:s29+$0xFFFFFFA0] =	vst v59;
	v11 =	vld.idx.msk [tilespmem:v3+s23+$0x0], $0xffff;
	v24 =	vand.u32 $0xFFF, v4;
	v3 =	vor.u32 v0, v8  }
0x2d6: {  	[tilespmem:s29+$0xFFFFFFB0] =	vst v60;
	v8 =	vld.idx.msk [tilespmem:v7+s2+$0x0], $0xffff;
	v4 =	vand.u32 $0xFFF, v3;
	v3 =	vor.u32 v0, v5;
	v5 =	vshll.u32 v6, $0x4  }
0x2d7: {  	[tilespmem:s29+$0xFFFFFF20] =	vst v20;
	v63 =	vld.idx.msk [tilespmem:v18+s23+$0x0], $0xffff;
	v5 =	vor.u32 v0, v5  }
0x2d8: {  	v10 =	vld.idx.msk [tilespmem:v10+s23+$0x0], $0xffff;
	v6 =	vshll.u32 v57, $0x4;
	[tilespmem:s29+$0xFFFFFF00] =	vst v21;
	v5 =	vand.u32 $0xFFF, v5  }
0x2d9: {  	v3 =	vand.u32 $0xFFF, v3;
	v6 =	vor.u32 v0, v6;
	v15 =	vld.idx.msk [tilespmem:v15+s23+$0x0], $0xffff;
	[tilespmem:s29+$0xFFFFFF90] =	vst v12  }
0x2da: {  	v6 =	vand.u32 $0xFFF, v6;
	[tilespmem:s29+$0x0] =	vst v13;
	v13 =	vld.idx.msk [tilespmem:v2+s2+$0x0], $0xffff  }
0x2db: {  	s30 =	simm.s32 $0x17F00;
	[tilespmem:s29+$0xFFFFFF80] =	vst v8;
	v8 =	vld.idx.msk [tilespmem:v4+s2+$0x0], $0xffff  }
0x2dc: {  	v61 =	vld.idx.msk [tilespmem:v24+s2+$0x0], $0xffff;
	[tilespmem:s30+$0xA0] =	vst v11  }
0x2dd: {  	[tilespmem:s30+$0xFFFFFF10] =	vst v63;
	v12 =	vld.idx.msk [tilespmem:v5+s2+$0x0], $0xffff  }
0x2de: {  	v11 =	vld.idx.msk [tilespmem:v3+s2+$0x0], $0xffff;
	[tilespmem:s30+$0xFFFFFF00] =	vst v15  }
0x2df: {  	v62 =	vld.idx.msk [tilespmem:v6+s2+$0x0], $0xffff;
	[tilespmem:s29+$0xB0] =	vst v13  }
0x2e0: {  	[tilespmem:s29+$0x20] =	vst v8;
	v8 =	vld.idx.msk [tilespmem:v14+s23+$0x0], $0xffff  }
0x2e1: {  	[tilespmem:s29+$0x10] =	vst v61;
	v14 =	vld.idx.msk [tilespmem:v19+s23+$0x0], $0xffff  }
0x2e2: {  	[tilespmem:s29+$0x80] =	vst v12;
	v12 =	vld.idx.msk [tilespmem:v7+s23+$0x0], $0xffff  }
0x2e3: {  	[tilespmem:s29+$0x30] =	vst v11;
	v11 =	vld.idx.msk [tilespmem:v9+s23+$0x0], $0xffff  }
0x2e4: {  	v9 =	vld.idx.msk [tilespmem:v24+s23+$0x0], $0xffff;
	[tilespmem:s29+$0x90] =	vst v62  }
0x2e5: {  	v7 =	vld.idx.msk [tilespmem:v22+s23+$0x0], $0xffff;
	[tilespmem:s30+$0xFFFFFF20] =	vst v8  }
0x2e6: {  	s31 =	simm.s32 $0x0;
	s3 =	simm.s32 $0x2587;
	v8 =	vld.idx.msk [tilespmem:v23+s23+$0x0], $0xffff;
	[tilespmem:s30+$0xFFFFFF30] =	vst v14  }
.LBB2_14:
0x2e7: {  	s4 =	sadd.s32 $0xFFFFE6FD, s3;
	s5 =	sadd.s32 $0xFFFFF380, s3;
	v13 =	vadd.s32 s3, v1;
	s31 =	sadd.s32 $0x10, s31;
	[tilespmem:s30+$0xFFFFFF80] =	vst v12;
	v4 =	vld.idx.msk [tilespmem:v4+s23+$0x0], $0xffff  }
0x2e8: {  	s6 =	sadd.s32 $0xFFFFFFFD, s3;
	v12 =	vadd.s32 s4, v1;
	s4 =	sadd.s32 $0xFFFFF37D, s3;
	v14 =	vadd.s32 s5, v1;
	p0 =	slt.u32 s31, $0x310;
	[tilespmem:s30+$0xFFFFFF90] =	vst v11;
	v3 =	vld.idx.msk [tilespmem:v3+s23+$0x0], $0xffff  }
0x2e9: {  	v15 =	vadd.s32 s6, v1;
	s5 =	sadd.s32 $0xFFFFE6FE, s3;
	s6 =	sadd.s32 $0xFFFFF37E, s3;
	v11 =	vadd.s32 s4, v1;
	s4 =	sadd.s32 $0xFFFFDA7E, s3;
	[tilespmem:s30+$0xFFFFFFA0] =	vst v10;
	v5 =	vld.idx.msk [tilespmem:v5+s23+$0x0], $0xffff  }
0x2ea: {  	v16 =	vadd.s32 s5, v1;
	v17 =	vadd.s32 s6, v1;
	s5 =	sadd.s32 $0xFFFFDA7F, s3;
	s6 =	sadd.s32 $0xFFFFE6FF, s3;
	v10 =	vadd.s32 s4, v1;
	s4 =	sadd.s32 $0xFFFFFFFE, s3;
	v6 =	vld.idx.msk [tilespmem:v6+s23+$0x0], $0xffff  }
0x2eb: {  	v19 =	vadd.s32 s5, v1;
	v20 =	vadd.s32 s6, v1;
	s5 =	sadd.s32 $0xFFFFFFFF, s3;
	s6 =	sadd.s32 $0xFFFFDA80, s3;
	v18 =	vadd.s32 s4, v1;
	s4 =	sadd.s32 $0xFFFFF37F, s3;
	v21 =	vld.idx.msk [tilespmem:v2+s23+$0x0], $0xffff  }
0x2ec: {  	s7 =	sadd.s32 $0xFFFFDA7D, s3;
	v23 =	vadd.s32 s5, v1;
	v24 =	vadd.s32 s6, v1;
	v22 =	vadd.s32 s4, v1;
	s4 =	sadd.s32 $0xFFFFE700, s3;
	v2 =	vld.idx.msk [tilespmem:v13+s24+$0x0], $0xffff  }
0x2ed: {  	v13 =	vadd.s32 s7, v1;
	v25 =	vadd.s32 s4, v1;
	v14 =	vld.idx.msk [tilespmem:v14+s24+$0x0], $0xffff;
	[tilespmem:s30+$0xFFFFFFB0] =	vst v7  }
0x2ee: {  	v7 =	vld.idx.msk [tilespmem:v12+s24+$0x0], $0xffff;
	[tilespmem:s30+$0x0] =	vst v8  }
0x2ef: {  	v8 =	vld.idx.msk [tilespmem:v11+s24+$0x0], $0xffff;
	[tilespmem:s30+$0x10] =	vst v9  }
0x2f0: {  	v9 =	vld.idx.msk [tilespmem:v15+s24+$0x0], $0xffff;
	[tilespmem:s30+$0x20] =	vst v4  }
0x2f1: {  	v4 =	vld.idx.msk [tilespmem:v10+s24+$0x0], $0xffff;
	[tilespmem:s30+$0x30] =	vst v3  }
0x2f2: {  	v2 =	vshll.u32 v2, $0x4;
	v3 =	vld.idx.msk [tilespmem:v13+s24+$0x0], $0xffff;
	[tilespmem:s30+$0x80] =	vst v5  }
0x2f3: {  	v10 =	vshll.u32 v14, $0x4;
	v2 =	vor.u32 v0, v2;
	v5 =	vld.idx.msk [tilespmem:v16+s24+$0x0], $0xffff;
	[tilespmem:s30+$0x90] =	vst v6  }
0x2f4: {  	v6 =	vshll.u32 v7, $0x4;
	v10 =	vor.u32 v0, v10;
	v2 =	vand.u32 $0xFFF, v2;
	v7 =	vld.idx.msk [tilespmem:v17+s24+$0x0], $0xffff;
	[tilespmem:s30+$0xB0] =	vst v21  }
0x2f5: {  	v6 =	vor.u32 v0, v6;
	v8 =	vshll.u32 v8, $0x4;
	v10 =	vand.u32 $0xFFF, v10;
	v11 =	vld.idx.msk [tilespmem:v18+s24+$0x0], $0xffff  }
0x2f6: {  	v12 =	vand.u32 $0xFFF, v6;
	v6 =	vor.u32 v0, v8;
	v8 =	vshll.u32 v9, $0x4;
	v9 =	vld.idx.msk [tilespmem:v19+s24+$0x0], $0xffff  }
0x2f7: {  	v13 =	vand.u32 $0xFFF, v6;
	v6 =	vor.u32 v0, v8;
	v4 =	vshll.u32 v4, $0x4;
	v8 =	vld.idx.msk [tilespmem:v20+s24+$0x0], $0xffff  }
0x2f8: {  	v3 =	vshll.u32 v3, $0x4;
	v14 =	vand.u32 $0xFFF, v6;
	v4 =	vor.u32 v0, v4;
	v6 =	vld.idx.msk [tilespmem:v22+s24+$0x0], $0xffff  }
0x2f9: {  	v3 =	vor.u32 v0, v3;
	v15 =	vand.u32 $0xFFF, v4;
	v4 =	vshll.u32 v5, $0x4;
	v5 =	vld.idx.msk [tilespmem:v23+s24+$0x0], $0xffff  }
0x2fa: {  	v16 =	vand.u32 $0xFFF, v3;
	v3 =	vor.u32 v0, v4;
	v4 =	vshll.u32 v7, $0x4;
	v7 =	vld.idx.msk [tilespmem:v10+s2+$0x0], $0xffff  }
0x2fb: {  	v17 =	vand.u32 $0xFFF, v3;
	v3 =	vor.u32 v0, v4;
	v4 =	vshll.u32 v11, $0x4;
	v11 =	vld.idx.msk [tilespmem:v24+s24+$0x0], $0xffff  }
0x2fc: {  	v18 =	vand.u32 $0xFFF, v3;
	v3 =	vor.u32 v0, v4;
	v4 =	vshll.u32 v9, $0x4;
	v9 =	vld.idx.msk [tilespmem:v25+s24+$0x0], $0xffff  }
0x2fd: {  	v20 =	vand.u32 $0xFFF, v3;
	v3 =	vor.u32 v0, v4;
	v4 =	vshll.u32 v8, $0x4;
	v19 =	vld.idx.msk [tilespmem:v12+s2+$0x0], $0xffff  }
0x2fe: {  	v21 =	vand.u32 $0xFFF, v3;
	v3 =	vor.u32 v0, v4;
	v4 =	vshll.u32 v6, $0x4;
	v8 =	vld.idx.msk [tilespmem:v13+s2+$0x0], $0xffff  }
0x2ff: {  	s29 =	sadd.s32 $0x200, s29;
	v23 =	vand.u32 $0xFFF, v3;
	v3 =	vor.u32 v0, v4;
	v5 =	vshll.u32 v5, $0x4;
	v22 =	vld.idx.msk [tilespmem:v16+s2+$0x0], $0xffff  }
0x300: {  	v4 =	vand.u32 $0xFFF, v3;
	v3 =	vor.u32 v0, v5;
	v24 =	vld.idx.msk [tilespmem:v14+s2+$0x0], $0xffff;
	[tilespmem:s29+$0xA0] =	vst v7  }
0x301: {  	v3 =	vand.u32 $0xFFF, v3;
	v5 =	vshll.u32 v11, $0x4;
	v7 =	vld.idx.msk [tilespmem:v10+s23+$0x0], $0xffff  }
0x302: {  	v5 =	vor.u32 v0, v5;
	v6 =	vshll.u32 v9, $0x4;
	v10 =	vld.idx.msk [tilespmem:v15+s2+$0x0], $0xffff  }
0x303: {  	v5 =	vand.u32 $0xFFF, v5;
	v6 =	vor.u32 v0, v6;
	[tilespmem:s29+$0xFFFFFF10] =	vst v19;
	v9 =	vld.idx.msk [tilespmem:v17+s2+$0x0], $0xffff  }
0x304: {  	v6 =	vand.u32 $0xFFF, v6;
	[tilespmem:s29+$0xFFFFFF20] =	vst v8;
	v8 =	vld.idx.msk [tilespmem:v18+s2+$0x0], $0xffff  }
0x305: {  	[tilespmem:s29+$0xFFFFFF00] =	vst v22;
	v11 =	vld.idx.msk [tilespmem:v20+s2+$0x0], $0xffff  }
0x306: {  	s30 =	sadd.s32 $0x200, s30;
	[tilespmem:s29+$0xFFFFFF30] =	vst v24;
	v19 =	vld.idx.msk [tilespmem:v21+s2+$0x0], $0xffff  }
0x307: {  	v22 =	vld.idx.msk [tilespmem:v23+s2+$0x0], $0xffff;
	[tilespmem:s30+$0xA0] =	vst v7  }
0x308: {  	[tilespmem:s29+$0xFFFFFF80] =	vst v10;
	v7 =	vld.idx.msk [tilespmem:v4+s2+$0x0], $0xffff  }
0x309: {  	[tilespmem:s29+$0xFFFFFF90] =	vst v9;
	v9 =	vld.idx.msk [tilespmem:v3+s2+$0x0], $0xffff  }
0x30a: {  	[tilespmem:s29+$0xFFFFFFA0] =	vst v8;
	v8 =	vld.idx.msk [tilespmem:v5+s2+$0x0], $0xffff  }
0x30b: {  	[tilespmem:s29+$0xFFFFFFB0] =	vst v11;
	v10 =	vld.idx.msk [tilespmem:v6+s2+$0x0], $0xffff  }
0x30c: {  	[tilespmem:s29+$0x0] =	vst v19;
	v19 =	vld.idx.msk [tilespmem:v2+s2+$0x0], $0xffff  }
0x30d: {  	v16 =	vld.idx.msk [tilespmem:v16+s23+$0x0], $0xffff;
	[tilespmem:s29+$0x10] =	vst v22  }
0x30e: {  	v22 =	vld.idx.msk [tilespmem:v12+s23+$0x0], $0xffff;
	[tilespmem:s29+$0x20] =	vst v7  }
0x30f: {  	v13 =	vld.idx.msk [tilespmem:v13+s23+$0x0], $0xffff;
	[tilespmem:s29+$0x30] =	vst v9  }
0x310: {  	v9 =	vld.idx.msk [tilespmem:v14+s23+$0x0], $0xffff;
	[tilespmem:s29+$0x80] =	vst v8  }
0x311: {  	v12 =	vld.idx.msk [tilespmem:v15+s23+$0x0], $0xffff;
	[tilespmem:s29+$0x90] =	vst v10  }
.Ltmp6:
0x312: {  	v11 =	vld.idx.msk [tilespmem:v17+s23+$0x0], $0xffff;
	[tilespmem:s29+$0xB0] =	vst v19;
	(pc) =	sbr.rel @p0 .LBB2_14-.Ltmp6, $4  }
0x313: {  	[tilespmem:s30+$0xFFFFFF00] =	vst v16;
	v10 =	vld.idx.msk [tilespmem:v18+s23+$0x0], $0xffff  }
0x314: {  	[tilespmem:s30+$0xFFFFFF10] =	vst v22;
	v7 =	vld.idx.msk [tilespmem:v20+s23+$0x0], $0xffff  }
0x315: {  	[tilespmem:s30+$0xFFFFFF20] =	vst v13;
	v8 =	vld.idx.msk [tilespmem:v21+s23+$0x0], $0xffff  }
0x316: {  	s3 =	sadd.s32 $0x4, s3;
	[tilespmem:s30+$0xFFFFFF30] =	vst v9;
	v9 =	vld.idx.msk [tilespmem:v23+s23+$0x0], $0xffff  }
0x317: {  	_ =	sdelay $0x2  }
0x318: {  	[tilespmem:s30+$0xFFFFFF80] =	vst v12  }
0x319: {  	v4 =	vld.idx.msk [tilespmem:v4+s23+$0x0], $0xffff;
	[tilespmem:s30+$0xFFFFFF90] =	vst v11  }
0x31a: {  	v3 =	vld.idx.msk [tilespmem:v3+s23+$0x0], $0xffff;
	[tilespmem:s30+$0xFFFFFFA0] =	vst v10  }
0x31b: {  	v5 =	vld.idx.msk [tilespmem:v5+s23+$0x0], $0xffff;
	[tilespmem:s30+$0xFFFFFFB0] =	vst v7  }
0x31c: {  	v6 =	vld.idx.msk [tilespmem:v6+s23+$0x0], $0xffff;
	[tilespmem:s30+$0x0] =	vst v8  }
0x31d: {  	v2 =	vld.idx.msk [tilespmem:v2+s23+$0x0], $0xffff;
	[tilespmem:s30+$0x10] =	vst v9  }
0x31e: {  	[tilespmem:s30+$0x20] =	vst v4  }
0x31f: {  	[tilespmem:s30+$0x30] =	vst v3  }
0x320: {  	[tilespmem:s30+$0x80] =	vst v5  }
0x321: {  	s3 =	simm.s32 $0x2583;
	[tilespmem:s30+$0x90] =	vst v6  }
0x322: {  	s4 =	simm.s32 $0x1903;
	s5 =	simm.s32 $0xC80;
	[tilespmem:s30+$0xB0] =	vst v2;
	v2 =	vadd.s32 s3, v1  }
0x323: {  	v3 =	vadd.s32 s4, v1;
	[tilespmem:s24], [sflag:$0x3] =	stream.linear.gather [hbm4b:s18+s2], $0x3200, $0x38;
	[tilespmem:$0x1E200] =	vst v63  }
0x324: {  	s6 =	simm.s32 $0x1900;
	v4 =	vadd.s32 s5, v1;
	_ =	swait.ge [sflag:s22], $0x3200  }
0x325: {  	s7 =	simm.s32 $0x2580;
	v5 =	vadd.s32 s6, v1;
	[sflag:s22] =	ssyncset.done $0x0  }
0x326: {  	v6 =	vadd.s32 s7, v1;
	s4 =	simm.s32 $0x1;
	[sflag:s22] =	ssyncadd.s32 $0xFFFFCE00  }
0x327: {  	s5 =	simm.s32 $0x0;
	v7 =	vadd.s32 s4, v1;
	v2 =	vld.idx.msk [tilespmem:v2+s24+$0x0], $0xffff  }
0x328: {  	s7 =	simm.s32 $0x1901;
	v8 =	vadd.s32 s5, v1;
	v3 =	vld.idx.msk [tilespmem:v3+s24+$0x0], $0xffff  }
0x329: {  	s6 =	simm.s32 $0xC81;
	v10 =	vadd.s32 s7, v1;
	v4 =	vld.idx.msk [tilespmem:v4+s24+$0x0], $0xffff  }
0x32a: {  	v9 =	vadd.s32 s6, v1;
	s5 =	simm.s32 $0x2581;
	v5 =	vld.idx.msk [tilespmem:v5+s24+$0x0], $0xffff  }
0x32b: {  	s6 =	simm.s32 $0x2;
	v11 =	vadd.s32 s5, v1;
	v6 =	vld.idx.msk [tilespmem:v6+s24+$0x0], $0xffff  }
0x32c: {  	s7 =	simm.s32 $0xC82;
	v12 =	vadd.s32 s6, v1;
	v7 =	vld.idx.msk [tilespmem:v7+s24+$0x0], $0xffff  }
0x32d: {  	v13 =	vadd.s32 s7, v1;
	s7 =	simm.s32 $0xC83;
	v8 =	vld.idx.msk [tilespmem:v8+s24+$0x0], $0xffff  }
0x32e: {  	s4 =	simm.s32 $0x1902;
	v17 =	vadd.s32 s7, v1;
	v10 =	vld.idx.msk [tilespmem:v10+s24+$0x0], $0xffff  }
0x32f: {  	s5 =	simm.s32 $0x2582;
	v14 =	vadd.s32 s4, v1;
	s6 =	simm.s32 $0x3;
	v9 =	vld.idx.msk [tilespmem:v9+s24+$0x0], $0xffff  }
0x330: {  	v15 =	vadd.s32 s5, v1;
	v16 =	vadd.s32 s6, v1;
	v11 =	vld.idx.msk [tilespmem:v11+s24+$0x0], $0xffff;
	v3 =	vshll.u32 v3, $0x4  }
0x331: {  	v12 =	vld.idx.msk [tilespmem:v12+s24+$0x0], $0xffff;
	v4 =	vshll.u32 v4, $0x4;
	v5 =	vshll.u32 v5, $0x4;
	v3 =	vor.u32 v0, v3  }
0x332: {  	v13 =	vld.idx.msk [tilespmem:v13+s24+$0x0], $0xffff;
	v6 =	vshll.u32 v6, $0x4;
	v4 =	vor.u32 v0, v4;
	v3 =	vand.u32 $0xFFF, v3  }
0x333: {  	v57 =	vld.idx.msk [tilespmem:v17+s24+$0x0], $0xffff;
	v6 =	vor.u32 v0, v6;
	v10 =	vshll.u32 v10, $0x4;
	v18 =	vand.u32 $0xFFF, v4  }
0x334: {  	v4 =	vor.u32 v0, v5;
	v5 =	vshll.u32 v8, $0x4;
	v8 =	vld.idx.msk [tilespmem:v14+s24+$0x0], $0xffff;
	v19 =	vand.u32 $0xFFF, v6  }
0x335: {  	v6 =	vld.idx.msk [tilespmem:v16+s24+$0x0], $0xffff;
	v10 =	vor.u32 v0, v10;
	v14 =	vand.u32 $0xFFF, v4  }
0x336: {  	v11 =	vshll.u32 v11, $0x4;
	v4 =	vor.u32 v0, v5;
	v5 =	vld.idx.msk [tilespmem:v15+s24+$0x0], $0xffff;
	v10 =	vand.u32 $0xFFF, v10  }
0x337: {  	v9 =	vshll.u32 v9, $0x4;
	v11 =	vor.u32 v0, v11;
	v15 =	vand.u32 $0xFFF, v4;
	v4 =	vld.idx.msk [tilespmem:v3+s2+$0x0], $0xffff  }
0x338: {  	v9 =	vor.u32 v0, v9;
	v12 =	vshll.u32 v12, $0x4;
	v22 =	vand.u32 $0xFFF, v11;
	v58 =	vld.idx.msk [tilespmem:v18+s2+$0x0], $0xffff  }
0x339: {  	v9 =	vand.u32 $0xFFF, v9;
	v11 =	vor.u32 v0, v12;
	v12 =	vshll.u32 v13, $0x4;
	v13 =	vld.idx.msk [tilespmem:v19+s2+$0x0], $0xffff  }
0x33a: {  	v7 =	vshll.u32 v7, $0x4;
	v23 =	vand.u32 $0xFFF, v11;
	v20 =	vld.idx.msk [tilespmem:v14+s2+$0x0], $0xffff  }
0x33b: {  	v7 =	vor.u32 v0, v7;
	v59 =	vld.idx.msk [tilespmem:v10+s2+$0x0], $0xffff  }
0x33c: {  	s29 =	simm.s32 $0xB740;
	v7 =	vand.u32 $0xFFF, v7;
	v21 =	vld.idx.msk [tilespmem:v15+s2+$0x0], $0xffff  }
0x33d: {  	v2 =	vshll.u32 v2, $0x4;
	v60 =	vld.idx.msk [tilespmem:v22+s2+$0x0], $0xffff;
	[tilespmem:s29+$0xA0] =	vst v4  }
0x33e: {  	v2 =	vor.u32 v0, v2;
	v4 =	vor.u32 v0, v12;
	[tilespmem:s29+$0xFFFFFF10] =	vst v58;
	v12 =	vld.idx.msk [tilespmem:v9+s2+$0x0], $0xffff  }
0x33f: {  	v2 =	vand.u32 $0xFFF, v2;
	v8 =	vshll.u32 v8, $0x4;
	[tilespmem:s29+$0xFFFFFF30] =	vst v13;
	v13 =	vld.idx.msk [tilespmem:v23+s2+$0x0], $0xffff  }
0x340: {  	v5 =	vshll.u32 v5, $0x4;
	v11 =	vld.idx.msk [tilespmem:v3+s23+$0x0], $0xffff;
	v24 =	vand.u32 $0xFFF, v4;
	v3 =	vor.u32 v0, v8;
	[tilespmem:s29+$0xFFFFFF20] =	vst v20  }
0x341: {  	v8 =	vld.idx.msk [tilespmem:v7+s2+$0x0], $0xffff;
	[tilespmem:s29+$0xFFFFFFA0] =	vst v59;
	v4 =	vand.u32 $0xFFF, v3;
	v3 =	vor.u32 v0, v5;
	v5 =	vshll.u32 v6, $0x4  }
0x342: {  	v63 =	vld.idx.msk [tilespmem:v18+s23+$0x0], $0xffff;
	[tilespmem:s29+$0xFFFFFF00] =	vst v21;
	v5 =	vor.u32 v0, v5  }
0x343: {  	v6 =	vshll.u32 v57, $0x4;
	[tilespmem:s29+$0xFFFFFFB0] =	vst v60;
	v10 =	vld.idx.msk [tilespmem:v10+s23+$0x0], $0xffff;
	v5 =	vand.u32 $0xFFF, v5  }
0x344: {  	v3 =	vand.u32 $0xFFF, v3;
	v6 =	vor.u32 v0, v6;
	v15 =	vld.idx.msk [tilespmem:v15+s23+$0x0], $0xffff;
	[tilespmem:s29+$0xFFFFFF90] =	vst v12  }
0x345: {  	v6 =	vand.u32 $0xFFF, v6;
	[tilespmem:s29+$0x0] =	vst v13;
	v13 =	vld.idx.msk [tilespmem:v2+s2+$0x0], $0xffff  }
0x346: {  	s30 =	simm.s32 $0x17F40;
	[tilespmem:s29+$0xFFFFFF80] =	vst v8;
	v8 =	vld.idx.msk [tilespmem:v4+s2+$0x0], $0xffff  }
0x347: {  	v61 =	vld.idx.msk [tilespmem:v24+s2+$0x0], $0xffff;
	[tilespmem:s30+$0xA0] =	vst v11  }
0x348: {  	[tilespmem:s30+$0xFFFFFF10] =	vst v63;
	v12 =	vld.idx.msk [tilespmem:v5+s2+$0x0], $0xffff  }
0x349: {  	v11 =	vld.idx.msk [tilespmem:v3+s2+$0x0], $0xffff;
	[tilespmem:s30+$0xFFFFFF00] =	vst v15  }
0x34a: {  	v62 =	vld.idx.msk [tilespmem:v6+s2+$0x0], $0xffff;
	[tilespmem:s29+$0xB0] =	vst v13  }
0x34b: {  	[tilespmem:s29+$0x20] =	vst v8;
	v8 =	vld.idx.msk [tilespmem:v14+s23+$0x0], $0xffff  }
0x34c: {  	[tilespmem:s29+$0x10] =	vst v61;
	v14 =	vld.idx.msk [tilespmem:v19+s23+$0x0], $0xffff  }
0x34d: {  	[tilespmem:s29+$0x80] =	vst v12;
	v12 =	vld.idx.msk [tilespmem:v7+s23+$0x0], $0xffff  }
0x34e: {  	[tilespmem:s29+$0x30] =	vst v11;
	v11 =	vld.idx.msk [tilespmem:v9+s23+$0x0], $0xffff  }
0x34f: {  	v9 =	vld.idx.msk [tilespmem:v24+s23+$0x0], $0xffff;
	[tilespmem:s29+$0x90] =	vst v62  }
0x350: {  	v7 =	vld.idx.msk [tilespmem:v22+s23+$0x0], $0xffff;
	[tilespmem:s30+$0xFFFFFF20] =	vst v8  }
0x351: {  	s31 =	simm.s32 $0x0;
	s3 =	simm.s32 $0x2587;
	v8 =	vld.idx.msk [tilespmem:v23+s23+$0x0], $0xffff;
	[tilespmem:s30+$0xFFFFFF30] =	vst v14  }
.LBB2_16:
0x352: {  	s4 =	sadd.s32 $0xFFFFE6FD, s3;
	s5 =	sadd.s32 $0xFFFFF380, s3;
	v13 =	vadd.s32 s3, v1;
	s31 =	sadd.s32 $0x10, s31;
	[tilespmem:s30+$0xFFFFFF80] =	vst v12;
	v4 =	vld.idx.msk [tilespmem:v4+s23+$0x0], $0xffff  }
0x353: {  	s6 =	sadd.s32 $0xFFFFFFFD, s3;
	v12 =	vadd.s32 s4, v1;
	s4 =	sadd.s32 $0xFFFFF37D, s3;
	v14 =	vadd.s32 s5, v1;
	p0 =	slt.u32 s31, $0x310;
	[tilespmem:s30+$0xFFFFFF90] =	vst v11;
	v3 =	vld.idx.msk [tilespmem:v3+s23+$0x0], $0xffff  }
0x354: {  	v15 =	vadd.s32 s6, v1;
	s5 =	sadd.s32 $0xFFFFE6FE, s3;
	s6 =	sadd.s32 $0xFFFFF37E, s3;
	v11 =	vadd.s32 s4, v1;
	s4 =	sadd.s32 $0xFFFFDA7E, s3;
	[tilespmem:s30+$0xFFFFFFA0] =	vst v10;
	v5 =	vld.idx.msk [tilespmem:v5+s23+$0x0], $0xffff  }
0x355: {  	v16 =	vadd.s32 s5, v1;
	v17 =	vadd.s32 s6, v1;
	s5 =	sadd.s32 $0xFFFFDA7F, s3;
	s6 =	sadd.s32 $0xFFFFE6FF, s3;
	v10 =	vadd.s32 s4, v1;
	s4 =	sadd.s32 $0xFFFFFFFE, s3;
	v6 =	vld.idx.msk [tilespmem:v6+s23+$0x0], $0xffff  }
0x356: {  	v19 =	vadd.s32 s5, v1;
	v20 =	vadd.s32 s6, v1;
	s5 =	sadd.s32 $0xFFFFFFFF, s3;
	s6 =	sadd.s32 $0xFFFFDA80, s3;
	v18 =	vadd.s32 s4, v1;
	s4 =	sadd.s32 $0xFFFFF37F, s3;
	v21 =	vld.idx.msk [tilespmem:v2+s23+$0x0], $0xffff  }
0x357: {  	s7 =	sadd.s32 $0xFFFFDA7D, s3;
	v23 =	vadd.s32 s5, v1;
	v24 =	vadd.s32 s6, v1;
	v22 =	vadd.s32 s4, v1;
	s4 =	sadd.s32 $0xFFFFE700, s3;
	v2 =	vld.idx.msk [tilespmem:v13+s24+$0x0], $0xffff  }
0x358: {  	v13 =	vadd.s32 s7, v1;
	v25 =	vadd.s32 s4, v1;
	v14 =	vld.idx.msk [tilespmem:v14+s24+$0x0], $0xffff;
	[tilespmem:s30+$0xFFFFFFB0] =	vst v7  }
0x359: {  	v7 =	vld.idx.msk [tilespmem:v12+s24+$0x0], $0xffff;
	[tilespmem:s30+$0x0] =	vst v8  }
0x35a: {  	v8 =	vld.idx.msk [tilespmem:v11+s24+$0x0], $0xffff;
	[tilespmem:s30+$0x10] =	vst v9  }
0x35b: {  	v9 =	vld.idx.msk [tilespmem:v15+s24+$0x0], $0xffff;
	[tilespmem:s30+$0x20] =	vst v4  }
0x35c: {  	v4 =	vld.idx.msk [tilespmem:v10+s24+$0x0], $0xffff;
	[tilespmem:s30+$0x30] =	vst v3  }
0x35d: {  	v2 =	vshll.u32 v2, $0x4;
	v3 =	vld.idx.msk [tilespmem:v13+s24+$0x0], $0xffff;
	[tilespmem:s30+$0x80] =	vst v5  }
0x35e: {  	v10 =	vshll.u32 v14, $0x4;
	v2 =	vor.u32 v0, v2;
	v5 =	vld.idx.msk [tilespmem:v16+s24+$0x0], $0xffff;
	[tilespmem:s30+$0x90] =	vst v6  }
0x35f: {  	v6 =	vshll.u32 v7, $0x4;
	v10 =	vor.u32 v0, v10;
	v2 =	vand.u32 $0xFFF, v2;
	v7 =	vld.idx.msk [tilespmem:v17+s24+$0x0], $0xffff;
	[tilespmem:s30+$0xB0] =	vst v21  }
0x360: {  	v6 =	vor.u32 v0, v6;
	v8 =	vshll.u32 v8, $0x4;
	v10 =	vand.u32 $0xFFF, v10;
	v11 =	vld.idx.msk [tilespmem:v18+s24+$0x0], $0xffff  }
0x361: {  	v12 =	vand.u32 $0xFFF, v6;
	v6 =	vor.u32 v0, v8;
	v8 =	vshll.u32 v9, $0x4;
	v9 =	vld.idx.msk [tilespmem:v19+s24+$0x0], $0xffff  }
0x362: {  	v13 =	vand.u32 $0xFFF, v6;
	v6 =	vor.u32 v0, v8;
	v4 =	vshll.u32 v4, $0x4;
	v8 =	vld.idx.msk [tilespmem:v20+s24+$0x0], $0xffff  }
0x363: {  	v3 =	vshll.u32 v3, $0x4;
	v14 =	vand.u32 $0xFFF, v6;
	v4 =	vor.u32 v0, v4;
	v6 =	vld.idx.msk [tilespmem:v22+s24+$0x0], $0xffff  }
0x364: {  	v3 =	vor.u32 v0, v3;
	v15 =	vand.u32 $0xFFF, v4;
	v4 =	vshll.u32 v5, $0x4;
	v5 =	vld.idx.msk [tilespmem:v23+s24+$0x0], $0xffff  }
0x365: {  	v16 =	vand.u32 $0xFFF, v3;
	v3 =	vor.u32 v0, v4;
	v4 =	vshll.u32 v7, $0x4;
	v7 =	vld.idx.msk [tilespmem:v10+s2+$0x0], $0xffff  }
0x366: {  	v17 =	vand.u32 $0xFFF, v3;
	v3 =	vor.u32 v0, v4;
	v4 =	vshll.u32 v11, $0x4;
	v11 =	vld.idx.msk [tilespmem:v24+s24+$0x0], $0xffff  }
0x367: {  	v18 =	vand.u32 $0xFFF, v3;
	v3 =	vor.u32 v0, v4;
	v4 =	vshll.u32 v9, $0x4;
	v9 =	vld.idx.msk [tilespmem:v25+s24+$0x0], $0xffff  }
0x368: {  	v20 =	vand.u32 $0xFFF, v3;
	v3 =	vor.u32 v0, v4;
	v4 =	vshll.u32 v8, $0x4;
	v19 =	vld.idx.msk [tilespmem:v12+s2+$0x0], $0xffff  }
0x369: {  	v21 =	vand.u32 $0xFFF, v3;
	v3 =	vor.u32 v0, v4;
	v4 =	vshll.u32 v6, $0x4;
	v8 =	vld.idx.msk [tilespmem:v13+s2+$0x0], $0xffff  }
0x36a: {  	s29 =	sadd.s32 $0x200, s29;
	v23 =	vand.u32 $0xFFF, v3;
	v3 =	vor.u32 v0, v4;
	v5 =	vshll.u32 v5, $0x4;
	v22 =	vld.idx.msk [tilespmem:v16+s2+$0x0], $0xffff  }
0x36b: {  	v4 =	vand.u32 $0xFFF, v3;
	v3 =	vor.u32 v0, v5;
	v24 =	vld.idx.msk [tilespmem:v14+s2+$0x0], $0xffff;
	[tilespmem:s29+$0xA0] =	vst v7  }
0x36c: {  	v3 =	vand.u32 $0xFFF, v3;
	v5 =	vshll.u32 v11, $0x4;
	v7 =	vld.idx.msk [tilespmem:v10+s23+$0x0], $0xffff  }
0x36d: {  	v5 =	vor.u32 v0, v5;
	v6 =	vshll.u32 v9, $0x4;
	v10 =	vld.idx.msk [tilespmem:v15+s2+$0x0], $0xffff  }
0x36e: {  	v5 =	vand.u32 $0xFFF, v5;
	v6 =	vor.u32 v0, v6;
	[tilespmem:s29+$0xFFFFFF10] =	vst v19;
	v9 =	vld.idx.msk [tilespmem:v17+s2+$0x0], $0xffff  }
0x36f: {  	v6 =	vand.u32 $0xFFF, v6;
	[tilespmem:s29+$0xFFFFFF20] =	vst v8;
	v8 =	vld.idx.msk [tilespmem:v18+s2+$0x0], $0xffff  }
0x370: {  	[tilespmem:s29+$0xFFFFFF00] =	vst v22;
	v11 =	vld.idx.msk [tilespmem:v20+s2+$0x0], $0xffff  }
0x371: {  	s30 =	sadd.s32 $0x200, s30;
	[tilespmem:s29+$0xFFFFFF30] =	vst v24;
	v19 =	vld.idx.msk [tilespmem:v21+s2+$0x0], $0xffff  }
0x372: {  	v22 =	vld.idx.msk [tilespmem:v23+s2+$0x0], $0xffff;
	[tilespmem:s30+$0xA0] =	vst v7  }
0x373: {  	[tilespmem:s29+$0xFFFFFF80] =	vst v10;
	v7 =	vld.idx.msk [tilespmem:v4+s2+$0x0], $0xffff  }
0x374: {  	[tilespmem:s29+$0xFFFFFF90] =	vst v9;
	v9 =	vld.idx.msk [tilespmem:v3+s2+$0x0], $0xffff  }
0x375: {  	[tilespmem:s29+$0xFFFFFFA0] =	vst v8;
	v8 =	vld.idx.msk [tilespmem:v5+s2+$0x0], $0xffff  }
0x376: {  	[tilespmem:s29+$0xFFFFFFB0] =	vst v11;
	v10 =	vld.idx.msk [tilespmem:v6+s2+$0x0], $0xffff  }
0x377: {  	[tilespmem:s29+$0x0] =	vst v19;
	v19 =	vld.idx.msk [tilespmem:v2+s2+$0x0], $0xffff  }
0x378: {  	v16 =	vld.idx.msk [tilespmem:v16+s23+$0x0], $0xffff;
	[tilespmem:s29+$0x10] =	vst v22  }
0x379: {  	v22 =	vld.idx.msk [tilespmem:v12+s23+$0x0], $0xffff;
	[tilespmem:s29+$0x20] =	vst v7  }
0x37a: {  	v13 =	vld.idx.msk [tilespmem:v13+s23+$0x0], $0xffff;
	[tilespmem:s29+$0x30] =	vst v9  }
0x37b: {  	v9 =	vld.idx.msk [tilespmem:v14+s23+$0x0], $0xffff;
	[tilespmem:s29+$0x80] =	vst v8  }
0x37c: {  	v12 =	vld.idx.msk [tilespmem:v15+s23+$0x0], $0xffff;
	[tilespmem:s29+$0x90] =	vst v10  }
.Ltmp7:
0x37d: {  	v11 =	vld.idx.msk [tilespmem:v17+s23+$0x0], $0xffff;
	[tilespmem:s29+$0xB0] =	vst v19;
	(pc) =	sbr.rel @p0 .LBB2_16-.Ltmp7, $4  }
0x37e: {  	[tilespmem:s30+$0xFFFFFF00] =	vst v16;
	v10 =	vld.idx.msk [tilespmem:v18+s23+$0x0], $0xffff  }
0x37f: {  	[tilespmem:s30+$0xFFFFFF10] =	vst v22;
	v7 =	vld.idx.msk [tilespmem:v20+s23+$0x0], $0xffff  }
0x380: {  	[tilespmem:s30+$0xFFFFFF20] =	vst v13;
	v8 =	vld.idx.msk [tilespmem:v21+s23+$0x0], $0xffff  }
0x381: {  	s3 =	sadd.s32 $0x4, s3;
	[tilespmem:s30+$0xFFFFFF30] =	vst v9;
	v9 =	vld.idx.msk [tilespmem:v23+s23+$0x0], $0xffff  }
0x382: {  	_ =	sdelay $0x2  }
0x383: {  	[tilespmem:s30+$0xFFFFFF80] =	vst v12  }
0x384: {  	v4 =	vld.idx.msk [tilespmem:v4+s23+$0x0], $0xffff;
	[tilespmem:s30+$0xFFFFFF90] =	vst v11  }
0x385: {  	v3 =	vld.idx.msk [tilespmem:v3+s23+$0x0], $0xffff;
	[tilespmem:s30+$0xFFFFFFA0] =	vst v10  }
0x386: {  	v5 =	vld.idx.msk [tilespmem:v5+s23+$0x0], $0xffff;
	[tilespmem:s30+$0xFFFFFFB0] =	vst v7  }
0x387: {  	v6 =	vld.idx.msk [tilespmem:v6+s23+$0x0], $0xffff;
	[tilespmem:s30+$0x0] =	vst v8  }
0x388: {  	v2 =	vld.idx.msk [tilespmem:v2+s23+$0x0], $0xffff;
	[tilespmem:s30+$0x10] =	vst v9  }
0x389: {  	[tilespmem:s30+$0x20] =	vst v4  }
0x38a: {  	[tilespmem:s30+$0x30] =	vst v3  }
0x38b: {  	[tilespmem:s30+$0x80] =	vst v5  }
0x38c: {  	[tilespmem:s30+$0x90] =	vst v6  }
0x38d: {  	s3 =	simm.s32 $0xB600;
	[tilespmem:s30+$0xB0] =	vst v2  }
0x38e: {  	[hbm4b:s19+s25] =	stream.strided.scatter [tilespmem:s3], [sflag:$0x2], $0x6400, s26, s25, $0x38;
	[tilespmem:$0x1E200] =	vst v63  }
0x38f: {  	s31 =	simm.s32 $0x17E00  }
0x390: {  	[hbm4b:s20+s25] =	stream.strided.scatter [tilespmem:s31], [sflag:$0x2], $0x6400, s26, s25, $0x38;
	[tilespmem:$0x1E200] =	vst v63  }
0x391: {  	_ =	swait.ge [sflag:s0], $0x6400  }
0x392: {  	[sflag:s0] =	ssyncset.done $0x0  }
0x393: {  	[sflag:s0] =	ssyncadd.s32 $0xFFFF9C00  }
0x394: {  	_ =	swait.ge [sflag:s0], $0x6400  }
0x395: {  	[sflag:s0] =	ssyncset.done $0x0  }
0x396: {  	s28 =	sadd.s32 $0x1, s28;
	[sflag:s0] =	ssyncadd.s32 $0xFFFF9C00  }
0x397: {  	p0 =	sne.s32 s28, s21;
	_ =	swait.ge [sflag:s1], $0x6400  }
.Ltmp8:
0x398: {  	[sflag:s1] =	ssyncset.done $0x0;
	(pc) =	sbr.rel @p0 .LBB2_1-.Ltmp8, $4  }
0x399: {  	[sflag:s1] =	ssyncadd.s32 $0xFFFF9C00  }
0x39a: {  	_ =	swait.ge [sflag:s1], $0x6400  }
0x39b: {  	[sflag:s1] =	ssyncset.done $0x0  }
0x39c: {  	[sflag:s1] =	ssyncadd.s32 $0xFFFF9C00  }
0x39d: {  	_ =	sfence.sel $0x180000  }
0x39e: {  	[bflag:$0x0] =	sbarrier.arrive $0xFFFF  }
0x39f: {  	_ =	strace $0x90000047  }
0x3a0: {  	s0 =	stileid.u32;
	[bflag:$0x2] =	sbarrier.arrive $0xFFFF  }
0x3a1: {  	p0 =	sne.s32 s0, $0x0;
	s0 =	rddreg [dreg:$0x2]  }
0x3a2: {  	s0 =	sadd.s32 @!p0 $0x100000, s0  }
0x3a3: {  	[sflag:s0] =	ssyncadd.tile.s32 @!p0 $0x1;
	_ =	shalt  }
.Lfunc_end2:
_tile_overlayer_lowered:
.L_overlay_start_2:
0x3a4: {  	(tag) =	ssettag $0x2  }
0x3a5: {  	s0 =	rddreg [dreg:$0x0];
	s2 =	stileid.u32  }
0x3a6: {  	s1 =	rddreg [dreg:$0x1];
	p0 =	sne.s32 s2, $0x0  }
0x3a7: {  	s3 =	rddreg [dreg:$0x2];
	[bflag:$0x3] =	sbarrier.arrive $0xFFFF;
	s2 =	simm.s32 @!p0 $0x1C03  }
0x3a8: {  	[timem:s3], [sflag:s2] =	dma.local @!p0 [hbm:s0], s1  }
0x3a9: {  	s0 =	simm.s32 @!p0 $0x3  }
0x3aa: {  	_ =	swait.ge @!p0 [sflag:s0], s1  }
0x3ab: {  	s1 =	ssub.s32 @!p0 $0x0, s1;
	[sflag:s0] =	ssyncset.done @!p0 $0x0  }
0x3ac: {  	[sflag:s0] =	ssyncadd.s32 @!p0 s1  }
0x3ad: {  	[bflag:$0x3] =	sbarrier.arrive $0xFFFF  }
0x3ae: {  	_ =	shalt  }

</sc_bundles>
